<compile_context>
chip_gen: v7x
topology: tpu7x:2x2x1
jax: 0.10.2.dev20260603
libtpu: 0.0.44.dev20260713+nightly
codegen_flags: <defaults>
</compile_context>

<pallas_src>
import dataclasses
import functools

import jax
import jax.numpy as jnp
from jax import lax
from jax.experimental import pallas as pl
from jax.experimental.pallas import tpu as pltpu
from jax.experimental.pallas import tpu_sc as plsc

N = 10000
F = 128
E = 320000
EPW = E // 32
CHUNK = 64
NCHUNK = 160
E_PAD = 32 * NCHUNK * CHUNK
IBLK = 32
NIBLK = NCHUNK // IBLK
NRING = 4
ACC_PAD = 10112
STRIPE = ACC_PAD // 16
DEG_PAD = 10240
DSTRIPE = DEG_PAD // 16
ROWB = 5
RB = N // ROWB

_mesh = plsc.VectorSubcoreMesh(core_axis_name="c", subcore_axis_name="s")

_sc_params = pltpu.CompilerParams()
if "needs_layout_passes" in pltpu.CompilerParams.__dataclass_fields__:
    _sc_params = dataclasses.replace(_sc_params, needs_layout_passes=False)


@functools.partial(
    pl.kernel,
    out_type=jax.ShapeDtypeStruct((DEG_PAD,), jnp.float32),
    mesh=_mesh,
    scratch_types=[
        pltpu.VMEM((EPW * 2,), jnp.int32),
        pltpu.VMEM((DEG_PAD,), jnp.float32),
        pltpu.VMEM((DSTRIPE,), jnp.float32),
        pltpu.VMEM((DSTRIPE,), jnp.float32),
        pltpu.VMEM_SHARED((16, DEG_PAD), jnp.float32),
    ],
    compiler_params=_sc_params,
)
def _deg_kernel(e_hbm, deg_hbm, idx_v, hist_v, buf_v, acc_v, stage_sh):
    c = lax.axis_index("c")
    s = lax.axis_index("s")

    @pl.when(c == 0)
    def _count():
        zeros = jnp.zeros((16,), jnp.float32)

        @pl.loop(0, DEG_PAD, step=16)
        def _(i):
            hist_v[pl.ds(i, 16)] = zeros

        pltpu.sync_copy(e_hbm.at[pl.ds(E + s * (EPW * 2), EPW * 2)], idx_v)
        ones = jnp.ones((16,), jnp.float32)

        @pl.loop(0, EPW * 2, step=16)
        def _(i):
            plsc.addupdate_scatter(hist_v, [idx_v[pl.ds(i, 16)]], ones)

        pltpu.sync_copy(hist_v, stage_sh.at[s])

    plsc.subcore_barrier()

    @pl.when(c == 0)
    def _merge():
        ones = jnp.ones((16,), jnp.float32)

        @pl.loop(0, DSTRIPE, step=16)
        def _(k):
            acc_v[pl.ds(k, 16)] = ones

        @pl.loop(0, 16)
        def _(t):
            pltpu.sync_copy(stage_sh.at[t, pl.ds(s * DSTRIPE, DSTRIPE)], buf_v)

            @pl.loop(0, DSTRIPE, step=16)
            def _(k):
                acc_v[pl.ds(k, 16)] = acc_v[pl.ds(k, 16)] + buf_v[pl.ds(k, 16)]

        pltpu.sync_copy(acc_v, deg_hbm.at[pl.ds(s * DSTRIPE, DSTRIPE)])


@functools.partial(
    pl.kernel,
    out_type=jax.ShapeDtypeStruct((2, ACC_PAD, F), jnp.float32),
    mesh=_mesh,
    scratch_types=[
        pltpu.VMEM((IBLK, CHUNK), jnp.int32),
        pltpu.VMEM((IBLK, CHUNK), jnp.int32),
        *[pltpu.VMEM((CHUNK, F), jnp.float32) for _ in range(NRING)],
        pltpu.VMEM_SHARED((ACC_PAD, F), jnp.float32),
        *[pltpu.SemaphoreType.DMA for _ in range(2 * NRING)],
    ],
)
def _agg_kernel(y_hbm, src_hbm, dst_hbm, out_hbm, src_v, dst_v, *rest):
    rows = rest[:NRING]
    acc_sh = rest[NRING]
    gsems = rest[NRING + 1:2 * NRING + 1]
    ssems = rest[2 * NRING + 1:]
    row0 = rows[0]
    c = lax.axis_index("c")
    s = lax.axis_index("s")
    wid = c * 16 + s
    zeros = jnp.zeros((16,), jnp.float32)

    @pl.loop(0, CHUNK)
    def _(r):
        @pl.loop(0, F, step=16)
        def _(k):
            row0[r, pl.ds(k, 16)] = zeros

    @pl.loop(0, STRIPE // CHUNK)
    def _(k):
        pltpu.sync_copy(row0, acc_sh.at[pl.ds(s * STRIPE + k * CHUNK, CHUNK)])

    pltpu.sync_copy(row0.at[pl.ds(0, STRIPE % CHUNK)],
                    acc_sh.at[pl.ds(s * STRIPE + STRIPE - STRIPE % CHUNK,
                                    STRIPE % CHUNK)])
    plsc.subcore_barrier()

    def _g_start(j, b):
        pltpu.async_copy(y_hbm.at[src_v.at[j]], rows[b], gsems[b])

    def _g_wait(b):
        pltpu.make_async_copy(y_hbm.at[src_v.at[0]], rows[b], gsems[b]).wait()

    def _s_start(j, b):
        pltpu.async_copy(rows[b], acc_sh.at[dst_v.at[j]], ssems[b], add=True)

    def _s_wait(b):
        pltpu.make_async_copy(rows[b], acc_sh.at[dst_v.at[0]], ssems[b]).wait()

    @pl.loop(0, NIBLK)
    def _(blk):
        pltpu.sync_copy(src_hbm.at[wid * NIBLK + blk], src_v)
        pltpu.sync_copy(dst_hbm.at[wid * NIBLK + blk], dst_v)

        for b in range(NRING):
            _g_start(b, b)

        @pl.loop(0, IBLK - NRING, step=NRING)
        def _(j):
            for b in range(NRING):
                _g_wait(b)
                _s_start(j + b, b)
            for b in range(NRING):
                _s_wait(b)
                _g_start(j + NRING + b, b)

        for b in range(NRING):
            _g_wait(b)
            _s_start(IBLK - NRING + b, b)
        for b in range(NRING):
            _s_wait(b)

    plsc.subcore_barrier()
    pltpu.sync_copy(acc_sh.at[pl.ds(s * STRIPE, STRIPE)],
                    out_hbm.at[c, pl.ds(s * STRIPE, STRIPE)])


def _t0_body(x_ref, w_ref, o_ref):
    o_ref[...] = jnp.dot(x_ref[...], w_ref[...],
                         preferred_element_type=jnp.float32)


def _t1_body(xw_ref, deg_ref, o_ref):
    o_ref[...] = lax.rsqrt(deg_ref[...]) * xw_ref[...]


def _t2_body(p_ref, y_ref, deg_ref, b_ref, w_ref, o_ref):
    dis = lax.rsqrt(deg_ref[...])
    agg = p_ref[0] + p_ref[1] + y_ref[...]
    h = jnp.maximum(dis * agg + b_ref[...], 0.0)
    hw = jnp.dot(h, w_ref[...], preferred_element_type=jnp.float32)
    o_ref[...] = dis * hw


def _t3_body(p_ref, y_ref, deg_ref, b_ref, o_ref):
    dis = lax.rsqrt(deg_ref[...])
    o_ref[...] = dis * (p_ref[0] + p_ref[1] + y_ref[...]) + b_ref[...]


_row_spec = pl.BlockSpec((RB, F), lambda i: (i, 0))
_deg_spec = pl.BlockSpec((RB, 1), lambda i: (i, 0))
_w_spec = pl.BlockSpec((F, F), lambda i: (0, 0))
_b_spec = pl.BlockSpec((1, F), lambda i: (0, 0))
_p_spec = pl.BlockSpec((2, RB, F), lambda i: (0, i, 0))
_out_sds = jax.ShapeDtypeStruct((N, F), jnp.float32)

_t0 = pl.pallas_call(
    _t0_body, grid=(ROWB,), out_shape=_out_sds,
    in_specs=[_row_spec, _w_spec], out_specs=_row_spec)
_t1 = pl.pallas_call(
    _t1_body, grid=(ROWB,), out_shape=_out_sds,
    in_specs=[_row_spec, _deg_spec], out_specs=_row_spec)
_t2 = pl.pallas_call(
    _t2_body, grid=(ROWB,), out_shape=_out_sds,
    in_specs=[_p_spec, _row_spec, _deg_spec, _b_spec, _w_spec],
    out_specs=_row_spec)
_t3 = pl.pallas_call(
    _t3_body, grid=(ROWB,), out_shape=_out_sds,
    in_specs=[_p_spec, _row_spec, _deg_spec, _b_spec], out_specs=_row_spec)


def kernel(x, edge_index, W1, b1, W2, b2):
    e32 = edge_index.astype(jnp.int32)
    npad = E_PAD - E
    pad_ar = jnp.arange(npad, dtype=jnp.int32)
    src = jnp.concatenate([e32[0], pad_ar % N]
                          ).reshape(32 * NIBLK, IBLK, CHUNK)
    dst = jnp.concatenate([e32[1], N + pad_ar % (ACC_PAD - N)]
                          ).reshape(32 * NIBLK, IBLK, CHUNK)
    b1r = b1.reshape(1, F)
    b2r = b2.reshape(1, F)

    deg = _deg_kernel(e32.reshape(2 * E)).reshape(DEG_PAD, 1)
    xw1 = _t0(x, W1)
    y1 = _t1(xw1, deg)
    p1 = _agg_kernel(y1, src, dst)
    y2 = _t2(p1, y1, deg, b1r, W2)
    p2 = _agg_kernel(y2, src, dst)
    return _t3(p2, y2, deg, b2r)

# --- scband reference (transcript-rebuilt; emitter-appended) ---
"""Pipeline reference for scband-gcnmodel-17171279249959 (READ-ONLY COPY).

The authoritative reference and input builder live on the scoring server;
editing this copy changes nothing except your own understanding.
"""

import jax, jax.numpy as jnp
import numpy as np

N_NODES = 10000


def gcn_conv(x, edge_index, W, b):
    n = x.shape[0]
    src = edge_index[0]
    dst = edge_index[1]
    # add self loops (PyG GCNConv default)
    loop = jnp.arange(n, dtype=edge_index.dtype)
    src = jnp.concatenate([src, loop])
    dst = jnp.concatenate([dst, loop])
    # symmetric normalization: deg computed over destination nodes
    deg = jnp.zeros((n,), dtype=x.dtype).at[dst].add(1.0)
    deg_inv_sqrt = jnp.where(deg > 0, deg ** -0.5, 0.0)
    norm = deg_inv_sqrt[src] * deg_inv_sqrt[dst]
    xw = x @ W
    msg = xw[src] * norm[:, None]
    out = jnp.zeros((n, W.shape[1]), dtype=x.dtype).at[dst].add(msg)
    return out + b


def setup_inputs(seed: int = 0) -> dict:
    key = jax.random.key(seed)
    k1, k2, k3, k4, k5, k6 = jax.random.split(key, 6)
    in_c, hid_c, out_c = 128, 128, 128
    x = jax.random.normal(k1, (N_NODES, in_c), dtype=jnp.float32)
    edge_index = jax.random.randint(k2, (2, 320000), 0, N_NODES, dtype=jnp.int64)
    s1 = 1.0 / np.sqrt(in_c)
    s2 = 1.0 / np.sqrt(hid_c)
    W1 = jax.random.uniform(k3, (in_c, hid_c), dtype=jnp.float32, minval=-s1, maxval=s1)
    b1 = jax.random.uniform(k4, (hid_c,), dtype=jnp.float32, minval=-s1, maxval=s1)
    W2 = jax.random.uniform(k5, (hid_c, out_c), dtype=jnp.float32, minval=-s2, maxval=s2)
    b2 = jax.random.uniform(k6, (out_c,), dtype=jnp.float32, minval=-s2, maxval=s2)
    return {"x": x, "edge_index": edge_index, "W1": W1, "b1": b1, "W2": W2, "b2": b2}


def reference(x, edge_index, W1, b1, W2, b2):
    h = gcn_conv(x, edge_index, W1, b1)
    h = jax.nn.relu(h)
    out = gcn_conv(h, edge_index, W2, b2)
    return out

if __name__ == "__main__":
    import jax
    _d = setup_inputs()
    print(jax.jit(kernel)(*tuple(_d.values())))

</pallas_src>

<mosaic_0001>
#map = affine_map<(d0, d1) -> (0, 0)>
#map1 = affine_map<(d0, d1) -> (0, 0, 0)>
module attributes {stable_mosaic.version = 14 : i64} {
  func.func @_agg_kernel(%arg0: i32, %arg1: i32, %arg2: memref<10000x128xf32, #tpu.memory_space<hbm>>, %arg3: memref<160x32x64xi32, #tpu.memory_space<hbm>>, %arg4: memref<160x32x64xi32, #tpu.memory_space<hbm>>, %arg5: memref<2x10112x128xf32, #tpu.memory_space<hbm>>, %arg6: memref<32x64xi32, #tpu.memory_space<vmem>>, %arg7: memref<32x64xi32, #tpu.memory_space<vmem>>, %arg8: memref<64x128xf32, #tpu.memory_space<vmem>>, %arg9: memref<64x128xf32, #tpu.memory_space<vmem>>, %arg10: memref<64x128xf32, #tpu.memory_space<vmem>>, %arg11: memref<64x128xf32, #tpu.memory_space<vmem>>, %arg12: memref<10112x128xf32, #tpu.memory_space<vmem_shared>>, %arg13: memref<!tpu.dma_semaphore, #tpu.memory_space<semaphore_mem>>, %arg14: memref<!tpu.dma_semaphore, #tpu.memory_space<semaphore_mem>>, %arg15: memref<!tpu.dma_semaphore, #tpu.memory_space<semaphore_mem>>, %arg16: memref<!tpu.dma_semaphore, #tpu.memory_space<semaphore_mem>>, %arg17: memref<!tpu.dma_semaphore, #tpu.memory_space<semaphore_mem>>, %arg18: memref<!tpu.dma_semaphore, #tpu.memory_space<semaphore_mem>>, %arg19: memref<!tpu.dma_semaphore, #tpu.memory_space<semaphore_mem>>, %arg20: memref<!tpu.dma_semaphore, #tpu.memory_space<semaphore_mem>>) attributes {dimension_semantics = [#tpu.dimension_semantics<core_parallel>, #tpu.dimension_semantics<subcore_parallel>], iteration_bounds = array<i64: 2, 16>, scalar_prefetch = 0 : i64, scratch_operands = 15 : i64, tpu.core_type = #tpu.core_type<sc_vector_subcore>, window_params = [{transform_indices = #map}, {transform_indices = #map1}, {transform_indices = #map1}, {transform_indices = #map1}]} {
    %mul3A = arith.constant 16 : i32
    %mul3A_0 = arith.muli %arg0, %mul3A : i32
    %add3A = arith.addi %mul3A_0, %arg1 : i32
    %broadcast_in_dim3A = arith.constant 0.000000e+00 : f32
    %broadcast_in_dim3A_1 = vector.broadcast %broadcast_in_dim3A : f32 to vector<16xf32>
    %scan3A = arith.constant 0 : i32
    %scan3A_2 = arith.constant 64 : i32
    %scan3A_3 = arith.addi %scan3A, %scan3A_2 : i32
    %scan3A_4 = arith.constant 1 : i32
    scf.for %scan3A_26 = %scan3A to %scan3A_3 step %scan3A_4  : i32 {
      %mul3A_27 = arith.constant 1 : i32
      %mul3A_28 = arith.muli %scan3A_26, %mul3A_27 : i32
      %add3A_29 = arith.constant 0 : i32
      %add3A_30 = arith.addi %add3A_29, %mul3A_28 : i32
      %scan3A_31 = arith.constant 0 : i32
      %scan3A_32 = arith.constant 8 : i32
      %scan3A_33 = arith.addi %scan3A_31, %scan3A_32 : i32
      %scan3A_34 = arith.constant 1 : i32
      scf.for %scan3A_36 = %scan3A_31 to %scan3A_33 step %scan3A_34  : i32 {
        %mul3A_37 = arith.constant 16 : i32
        %mul3A_38 = arith.muli %scan3A_36, %mul3A_37 : i32
        %add3A_39 = arith.constant 0 : i32
        %add3A_40 = arith.addi %add3A_39, %mul3A_38 : i32
        %swap3A = arith.index_cast %add3A_30 : i32 to index
        %swap3A_41 = arith.index_cast %add3A_40 : i32 to index
        %swap3A_42 = tpu.vector_load %arg8[%swap3A, %swap3A_41] {strides = array<i32>} : memref<64x128xf32, #tpu.memory_space<vmem>>, vector<1x16xf32>,
        %swap3A_43 = vector.shape_cast %swap3A_42 : vector<1x16xf32> to vector<16xf32>
        %swap3A_44 = vector.shape_cast %broadcast_in_dim3A_1 : vector<16xf32> to vector<1x16xf32>
        tpu.vector_store %arg8[%swap3A, %swap3A_41], %swap3A_44 {strides = array<i32>} : memref<64x128xf32, #tpu.memory_space<vmem>>, vector<1x16xf32>,
      }
      %scan3A_35 = arith.constant 8 : i32
    }
    %scan3A_5 = arith.constant 64 : i32
    %scan3A_6 = arith.constant 0 : i32
    %scan3A_7 = arith.constant 9 : i32
    %scan3A_8 = arith.addi %scan3A_6, %scan3A_7 : i32
    %scan3A_9 = arith.constant 1 : i32
    scf.for %scan3A_26 = %scan3A_6 to %scan3A_8 step %scan3A_9  : i32 {
      %mul3A_27 = arith.constant 1 : i32
      %mul3A_28 = arith.muli %scan3A_26, %mul3A_27 : i32
      %add3A_29 = arith.constant 0 : i32
      %add3A_30 = arith.addi %add3A_29, %mul3A_28 : i32
      %mul3A_31 = arith.constant 632 : i32
      %mul3A_32 = arith.muli %arg1, %mul3A_31 : i32
      %mul3A_33 = arith.constant 64 : i32
      %mul3A_34 = arith.muli %add3A_30, %mul3A_33 : i32
      %add3A_35 = arith.addi %mul3A_32, %mul3A_34 : i32
      "tpu.region"() ({
        %run_scoped3A = tpu.sem_alloc : memref<!tpu.dma_semaphore, #tpu.memory_space<semaphore_mem>>
        %dma_start3A = arith.constant 0 : i32
        %dma_start3A_36 = tpu.memref_slice %arg12[%add3A_35, %dma_start3A] : memref<10112x128xf32, #tpu.memory_space<vmem_shared>> -> memref<64x128xf32, #tpu.memory_space<vmem_shared>>
        %dma_start3A_37 = arith.constant 0 : i32
        %dma_start3A_38 = tpu.memref_slice %arg12[%add3A_35, %dma_start3A_37] : memref<10112x128xf32, #tpu.memory_space<vmem_shared>> -> memref<64x128xf32, #tpu.memory_space<vmem_shared>>
        tpu.enqueue_dma source(%arg8 : memref<64x128xf32, #tpu.memory_space<vmem>>) target(%dma_start3A_38 : memref<64x128xf32, #tpu.memory_space<vmem_shared>>) target_semaphore(%run_scoped3A : memref<!tpu.dma_semaphore, #tpu.memory_space<semaphore_mem>>)
        %dma_wait3A = arith.constant 0 : i32
        %dma_wait3A_39 = tpu.memref_slice %arg12[%add3A_35, %dma_wait3A] : memref<10112x128xf32, #tpu.memory_space<vmem_shared>> -> memref<64x128xf32, #tpu.memory_space<vmem_shared>>
        %dma_wait3A_40 = arith.constant 0 : i32
        %dma_wait3A_41 = tpu.memref_slice %arg12[%add3A_35, %dma_wait3A_40] : memref<10112x128xf32, #tpu.memory_space<vmem_shared>> -> memref<64x128xf32, #tpu.memory_space<vmem_shared>>
        tpu.wait_dma2 semaphore(%run_scoped3A : memref<!tpu.dma_semaphore, #tpu.memory_space<semaphore_mem>>) src(%arg8 : memref<64x128xf32, #tpu.memory_space<vmem>>) dst(%dma_wait3A_41 : memref<64x128xf32, #tpu.memory_space<vmem_shared>>)
        tpu.yield
      }) : () -> ()
    }
    %scan3A_10 = arith.constant 9 : i32
    %mul3A_11 = arith.constant 632 : i32
    %mul3A_12 = arith.muli %arg1, %mul3A_11 : i32
    %add3A_13 = arith.constant 632 : i32
    %add3A_14 = arith.addi %mul3A_12, %add3A_13 : i32
    %sub3A = arith.constant 56 : i32
    %sub3A_15 = arith.subi %add3A_14, %sub3A : i32
    "tpu.region"() ({
      %run_scoped3A = tpu.sem_alloc : memref<!tpu.dma_semaphore, #tpu.memory_space<semaphore_mem>>
      %dma_start3A = arith.constant 0 : i32
      %dma_start3A_26 = arith.constant 0 : i32
      %dma_start3A_27 = tpu.memref_slice %arg8[%dma_start3A, %dma_start3A_26] : memref<64x128xf32, #tpu.memory_space<vmem>> -> memref<56x128xf32, #tpu.memory_space<vmem>>
      %dma_start3A_28 = arith.constant 0 : i32
      %dma_start3A_29 = tpu.memref_slice %arg12[%sub3A_15, %dma_start3A_28] : memref<10112x128xf32, #tpu.memory_space<vmem_shared>> -> memref<56x128xf32, #tpu.memory_space<vmem_shared>>
      %dma_start3A_30 = arith.constant 0 : i32
      %dma_start3A_31 = tpu.memref_slice %arg12[%sub3A_15, %dma_start3A_30] : memref<10112x128xf32, #tpu.memory_space<vmem_shared>> -> memref<56x128xf32, #tpu.memory_space<vmem_shared>>
      %dma_start3A_32 = arith.constant 0 : i32
      %dma_start3A_33 = arith.constant 0 : i32
      %dma_start3A_34 = tpu.memref_slice %arg8[%dma_start3A_32, %dma_start3A_33] : memref<64x128xf32, #tpu.memory_space<vmem>> -> memref<56x128xf32, #tpu.memory_space<vmem>>
      tpu.enqueue_dma source(%dma_start3A_34 : memref<56x128xf32, #tpu.memory_space<vmem>>) target(%dma_start3A_31 : memref<56x128xf32, #tpu.memory_space<vmem_shared>>) target_semaphore(%run_scoped3A : memref<!tpu.dma_semaphore, #tpu.memory_space<semaphore_mem>>)
      %dma_wait3A = arith.constant 0 : i32
      %dma_wait3A_35 = arith.constant 0 : i32
      %dma_wait3A_36 = tpu.memref_slice %arg8[%dma_wait3A, %dma_wait3A_35] : memref<64x128xf32, #tpu.memory_space<vmem>> -> memref<56x128xf32, #tpu.memory_space<vmem>>
      %dma_wait3A_37 = arith.constant 0 : i32
      %dma_wait3A_38 = tpu.memref_slice %arg12[%sub3A_15, %dma_wait3A_37] : memref<10112x128xf32, #tpu.memory_space<vmem_shared>> -> memref<56x128xf32, #tpu.memory_space<vmem_shared>>
      %dma_wait3A_39 = arith.constant 0 : i32
      %dma_wait3A_40 = tpu.memref_slice %arg12[%sub3A_15, %dma_wait3A_39] : memref<10112x128xf32, #tpu.memory_space<vmem_shared>> -> memref<56x128xf32, #tpu.memory_space<vmem_shared>>
      %dma_wait3A_41 = arith.constant 0 : i32
      %dma_wait3A_42 = arith.constant 0 : i32
      %dma_wait3A_43 = tpu.memref_slice %arg8[%dma_wait3A_41, %dma_wait3A_42] : memref<64x128xf32, #tpu.memory_space<vmem>> -> memref<56x128xf32, #tpu.memory_space<vmem>>
      tpu.wait_dma2 semaphore(%run_scoped3A : memref<!tpu.dma_semaphore, #tpu.memory_space<semaphore_mem>>) src(%dma_wait3A_43 : memref<56x128xf32, #tpu.memory_space<vmem>>) dst(%dma_wait3A_40 : memref<56x128xf32, #tpu.memory_space<vmem_shared>>)
      tpu.yield
    }) : () -> ()
    %barrier3A = arith.constant 0 : index
    tpu.barrier barrier_id(%barrier3A)
    %scan3A_16 = arith.constant 0 : i32
    %scan3A_17 = arith.constant 5 : i32
    %scan3A_18 = arith.addi %scan3A_16, %scan3A_17 : i32
    %scan3A_19 = arith.constant 1 : i32
    scf.for %scan3A_26 = %scan3A_16 to %scan3A_18 step %scan3A_19  : i32 {
      %mul3A_27 = arith.constant 1 : i32
      %mul3A_28 = arith.muli %scan3A_26, %mul3A_27 : i32
      %add3A_29 = arith.constant 0 : i32
      %add3A_30 = arith.addi %add3A_29, %mul3A_28 : i32
      %mul3A_31 = arith.constant 5 : i32
      %mul3A_32 = arith.muli %add3A, %mul3A_31 : i32
      %add3A_33 = arith.addi %mul3A_32, %add3A_30 : i32
      "tpu.region"() ({
        %run_scoped3A = tpu.sem_alloc : memref<!tpu.dma_semaphore, #tpu.memory_space<semaphore_mem>>
        %dma_start3A_152 = arith.constant 0 : i32
        %dma_start3A_153 = arith.constant 0 : i32
        %dma_start3A_154 = tpu.memref_slice %arg3[%add3A_33, %dma_start3A_152, %dma_start3A_153] : memref<160x32x64xi32, #tpu.memory_space<hbm>> -> memref<1x32x64xi32, #tpu.memory_space<hbm>>
        %dma_start3A_155 = tpu.memref_squeeze %dma_start3A_154 : memref<1x32x64xi32, #tpu.memory_space<hbm>> -> memref<32x64xi32, #tpu.memory_space<hbm>>
        %dma_start3A_156 = arith.constant 0 : i32
        %dma_start3A_157 = arith.constant 0 : i32
        %dma_start3A_158 = tpu.memref_slice %arg3[%add3A_33, %dma_start3A_156, %dma_start3A_157] : memref<160x32x64xi32, #tpu.memory_space<hbm>> -> memref<1x32x64xi32, #tpu.memory_space<hbm>>
        %dma_start3A_159 = tpu.memref_squeeze %dma_start3A_158 : memref<1x32x64xi32, #tpu.memory_space<hbm>> -> memref<32x64xi32, #tpu.memory_space<hbm>>
        tpu.enqueue_dma source(%dma_start3A_159 : memref<32x64xi32, #tpu.memory_space<hbm>>) target(%arg6 : memref<32x64xi32, #tpu.memory_space<vmem>>) target_semaphore(%run_scoped3A : memref<!tpu.dma_semaphore, #tpu.memory_space<semaphore_mem>>)
        %dma_wait3A_160 = arith.constant 0 : i32
        %dma_wait3A_161 = arith.constant 0 : i32
        %dma_wait3A_162 = tpu.memref_slice %arg3[%add3A_33, %dma_wait3A_160, %dma_wait3A_161] : memref<160x32x64xi32, #tpu.memory_space<hbm>> -> memref<1x32x64xi32, #tpu.memory_space<hbm>>
        %dma_wait3A_163 = tpu.memref_squeeze %dma_wait3A_162 : memref<1x32x64xi32, #tpu.memory_space<hbm>> -> memref<32x64xi32, #tpu.memory_space<hbm>>
        %dma_wait3A_164 = arith.constant 0 : i32
        %dma_wait3A_165 = arith.constant 0 : i32
        %dma_wait3A_166 = tpu.memref_slice %arg3[%add3A_33, %dma_wait3A_164, %dma_wait3A_165] : memref<160x32x64xi32, #tpu.memory_space<hbm>> -> memref<1x32x64xi32, #tpu.memory_space<hbm>>
        %dma_wait3A_167 = tpu.memref_squeeze %dma_wait3A_166 : memref<1x32x64xi32, #tpu.memory_space<hbm>> -> memref<32x64xi32, #tpu.memory_space<hbm>>
        tpu.wait_dma2 semaphore(%run_scoped3A : memref<!tpu.dma_semaphore, #tpu.memory_space<semaphore_mem>>) src(%dma_wait3A_167 : memref<32x64xi32, #tpu.memory_space<hbm>>) dst(%arg6 : memref<32x64xi32, #tpu.memory_space<vmem>>)
        tpu.yield
      }) : () -> ()
      %mul3A_34 = arith.constant 5 : i32
      %mul3A_35 = arith.muli %add3A, %mul3A_34 : i32
      %add3A_36 = arith.addi %mul3A_35, %add3A_30 : i32
      "tpu.region"() ({
        %run_scoped3A = tpu.sem_alloc : memref<!tpu.dma_semaphore, #tpu.memory_space<semaphore_mem>>
        %dma_start3A_152 = arith.constant 0 : i32
        %dma_start3A_153 = arith.constant 0 : i32
        %dma_start3A_154 = tpu.memref_slice %arg4[%add3A_36, %dma_start3A_152, %dma_start3A_153] : memref<160x32x64xi32, #tpu.memory_space<hbm>> -> memref<1x32x64xi32, #tpu.memory_space<hbm>>
        %dma_start3A_155 = tpu.memref_squeeze %dma_start3A_154 : memref<1x32x64xi32, #tpu.memory_space<hbm>> -> memref<32x64xi32, #tpu.memory_space<hbm>>
        %dma_start3A_156 = arith.constant 0 : i32
        %dma_start3A_157 = arith.constant 0 : i32
        %dma_start3A_158 = tpu.memref_slice %arg4[%add3A_36, %dma_start3A_156, %dma_start3A_157] : memref<160x32x64xi32, #tpu.memory_space<hbm>> -> memref<1x32x64xi32, #tpu.memory_space<hbm>>
        %dma_start3A_159 = tpu.memref_squeeze %dma_start3A_158 : memref<1x32x64xi32, #tpu.memory_space<hbm>> -> memref<32x64xi32, #tpu.memory_space<hbm>>
        tpu.enqueue_dma source(%dma_start3A_159 : memref<32x64xi32, #tpu.memory_space<hbm>>) target(%arg7 : memref<32x64xi32, #tpu.memory_space<vmem>>) target_semaphore(%run_scoped3A : memref<!tpu.dma_semaphore, #tpu.memory_space<semaphore_mem>>)
        %dma_wait3A_160 = arith.constant 0 : i32
        %dma_wait3A_161 = arith.constant 0 : i32
        %dma_wait3A_162 = tpu.memref_slice %arg4[%add3A_36, %dma_wait3A_160, %dma_wait3A_161] : memref<160x32x64xi32, #tpu.memory_space<hbm>> -> memref<1x32x64xi32, #tpu.memory_space<hbm>>
        %dma_wait3A_163 = tpu.memref_squeeze %dma_wait3A_162 : memref<1x32x64xi32, #tpu.memory_space<hbm>> -> memref<32x64xi32, #tpu.memory_space<hbm>>
        %dma_wait3A_164 = arith.constant 0 : i32
        %dma_wait3A_165 = arith.constant 0 : i32
        %dma_wait3A_166 = tpu.memref_slice %arg4[%add3A_36, %dma_wait3A_164, %dma_wait3A_165] : memref<160x32x64xi32, #tpu.memory_space<hbm>> -> memref<1x32x64xi32, #tpu.memory_space<hbm>>
        %dma_wait3A_167 = tpu.memref_squeeze %dma_wait3A_166 : memref<1x32x64xi32, #tpu.memory_space<hbm>> -> memref<32x64xi32, #tpu.memory_space<hbm>>
        tpu.wait_dma2 semaphore(%run_scoped3A : memref<!tpu.dma_semaphore, #tpu.memory_space<semaphore_mem>>) src(%dma_wait3A_167 : memref<32x64xi32, #tpu.memory_space<hbm>>) dst(%arg7 : memref<32x64xi32, #tpu.memory_space<vmem>>)
        tpu.yield
      }) : () -> ()
      %dma_start3A = arith.constant 0 : i32
      %dma_start3A_37 = arith.constant 0 : i32
      %dma_start3A_38 = tpu.memref_slice %arg6[%dma_start3A, %dma_start3A_37] : memref<32x64xi32, #tpu.memory_space<vmem>> -> memref<1x64xi32, #tpu.memory_space<vmem>>
      %dma_start3A_39 = tpu.memref_squeeze %dma_start3A_38 : memref<1x64xi32, #tpu.memory_space<vmem>> -> memref<64xi32, #tpu.memory_space<vmem>>
      %dma_start3A_40 = arith.constant 0 : i32
      %dma_start3A_41 = arith.constant 0 : i32
      %dma_start3A_42 = tpu.memref_slice %arg2[%dma_start3A_40, %dma_start3A_41] : memref<10000x128xf32, #tpu.memory_space<hbm>> -> memref<10000x128xf32, #tpu.memory_space<hbm>>
      tpu.enqueue_indirect_dma source(%dma_start3A_42 : memref<10000x128xf32, #tpu.memory_space<hbm>>) target(%arg8 : memref<64x128xf32, #tpu.memory_space<vmem>>) offsets(%dma_start3A_39 : memref<64xi32, #tpu.memory_space<vmem>>) semaphore(%arg13 : memref<!tpu.dma_semaphore, #tpu.memory_space<semaphore_mem>>)
      %dma_start3A_43 = arith.constant 1 : i32
      %dma_start3A_44 = arith.constant 0 : i32
      %dma_start3A_45 = tpu.memref_slice %arg6[%dma_start3A_43, %dma_start3A_44] : memref<32x64xi32, #tpu.memory_space<vmem>> -> memref<1x64xi32, #tpu.memory_space<vmem>>
      %dma_start3A_46 = tpu.memref_squeeze %dma_start3A_45 : memref<1x64xi32, #tpu.memory_space<vmem>> -> memref<64xi32, #tpu.memory_space<vmem>>
      %dma_start3A_47 = arith.constant 0 : i32
      %dma_start3A_48 = arith.constant 0 : i32
      %dma_start3A_49 = tpu.memref_slice %arg2[%dma_start3A_47, %dma_start3A_48] : memref<10000x128xf32, #tpu.memory_space<hbm>> -> memref<10000x128xf32, #tpu.memory_space<hbm>>
      tpu.enqueue_indirect_dma source(%dma_start3A_49 : memref<10000x128xf32, #tpu.memory_space<hbm>>) target(%arg9 : memref<64x128xf32, #tpu.memory_space<vmem>>) offsets(%dma_start3A_46 : memref<64xi32, #tpu.memory_space<vmem>>) semaphore(%arg14 : memref<!tpu.dma_semaphore, #tpu.memory_space<semaphore_mem>>)
      %dma_start3A_50 = arith.constant 2 : i32
      %dma_start3A_51 = arith.constant 0 : i32
      %dma_start3A_52 = tpu.memref_slice %arg6[%dma_start3A_50, %dma_start3A_51] : memref<32x64xi32, #tpu.memory_space<vmem>> -> memref<1x64xi32, #tpu.memory_space<vmem>>
      %dma_start3A_53 = tpu.memref_squeeze %dma_start3A_52 : memref<1x64xi32, #tpu.memory_space<vmem>> -> memref<64xi32, #tpu.memory_space<vmem>>
      %dma_start3A_54 = arith.constant 0 : i32
      %dma_start3A_55 = arith.constant 0 : i32
      %dma_start3A_56 = tpu.memref_slice %arg2[%dma_start3A_54, %dma_start3A_55] : memref<10000x128xf32, #tpu.memory_space<hbm>> -> memref<10000x128xf32, #tpu.memory_space<hbm>>
      tpu.enqueue_indirect_dma source(%dma_start3A_56 : memref<10000x128xf32, #tpu.memory_space<hbm>>) target(%arg10 : memref<64x128xf32, #tpu.memory_space<vmem>>) offsets(%dma_start3A_53 : memref<64xi32, #tpu.memory_space<vmem>>) semaphore(%arg15 : memref<!tpu.dma_semaphore, #tpu.memory_space<semaphore_mem>>)
      %dma_start3A_57 = arith.constant 3 : i32
      %dma_start3A_58 = arith.constant 0 : i32
      %dma_start3A_59 = tpu.memref_slice %arg6[%dma_start3A_57, %dma_start3A_58] : memref<32x64xi32, #tpu.memory_space<vmem>> -> memref<1x64xi32, #tpu.memory_space<vmem>>
      %dma_start3A_60 = tpu.memref_squeeze %dma_start3A_59 : memref<1x64xi32, #tpu.memory_space<vmem>> -> memref<64xi32, #tpu.memory_space<vmem>>
      %dma_start3A_61 = arith.constant 0 : i32
      %dma_start3A_62 = arith.constant 0 : i32
      %dma_start3A_63 = tpu.memref_slice %arg2[%dma_start3A_61, %dma_start3A_62] : memref<10000x128xf32, #tpu.memory_space<hbm>> -> memref<10000x128xf32, #tpu.memory_space<hbm>>
      tpu.enqueue_indirect_dma source(%dma_start3A_63 : memref<10000x128xf32, #tpu.memory_space<hbm>>) target(%arg11 : memref<64x128xf32, #tpu.memory_space<vmem>>) offsets(%dma_start3A_60 : memref<64xi32, #tpu.memory_space<vmem>>) semaphore(%arg16 : memref<!tpu.dma_semaphore, #tpu.memory_space<semaphore_mem>>)
      %scan3A_64 = arith.constant 0 : i32
      %scan3A_65 = arith.constant 7 : i32
      %scan3A_66 = arith.addi %scan3A_64, %scan3A_65 : i32
      %scan3A_67 = arith.constant 1 : i32
      scf.for %scan3A_152 = %scan3A_64 to %scan3A_66 step %scan3A_67  : i32 {
        %mul3A_153 = arith.constant 4 : i32
        %mul3A_154 = arith.muli %scan3A_152, %mul3A_153 : i32
        %add3A_155 = arith.constant 0 : i32
        %add3A_156 = arith.addi %add3A_155, %mul3A_154 : i32
        %dma_wait3A_157 = arith.constant 0 : i32
        %dma_wait3A_158 = arith.constant 0 : i32
        %dma_wait3A_159 = tpu.memref_slice %arg6[%dma_wait3A_157, %dma_wait3A_158] : memref<32x64xi32, #tpu.memory_space<vmem>> -> memref<1x64xi32, #tpu.memory_space<vmem>>
        %dma_wait3A_160 = tpu.memref_squeeze %dma_wait3A_159 : memref<1x64xi32, #tpu.memory_space<vmem>> -> memref<64xi32, #tpu.memory_space<vmem>>
        %dma_wait3A_161 = arith.constant 0 : i32
        %dma_wait3A_162 = arith.constant 0 : i32
        %dma_wait3A_163 = tpu.memref_slice %arg2[%dma_wait3A_161, %dma_wait3A_162] : memref<10000x128xf32, #tpu.memory_space<hbm>> -> memref<10000x128xf32, #tpu.memory_space<hbm>>
        tpu.wait_indirect_dma semaphore(%arg13 : memref<!tpu.dma_semaphore, #tpu.memory_space<semaphore_mem>>) src(%dma_wait3A_163 : memref<10000x128xf32, #tpu.memory_space<hbm>>) dst(%arg8 : memref<64x128xf32, #tpu.memory_space<vmem>>)
        %add3A_164 = arith.constant 0 : i32
        %add3A_165 = arith.addi %add3A_156, %add3A_164 : i32
        %dma_start3A_166 = arith.constant 0 : i32
        %dma_start3A_167 = tpu.memref_slice %arg7[%add3A_165, %dma_start3A_166] : memref<32x64xi32, #tpu.memory_space<vmem>> -> memref<1x64xi32, #tpu.memory_space<vmem>>
        %dma_start3A_168 = tpu.memref_squeeze %dma_start3A_167 : memref<1x64xi32, #tpu.memory_space<vmem>> -> memref<64xi32, #tpu.memory_space<vmem>>
        %dma_start3A_169 = arith.constant 0 : i32
        %dma_start3A_170 = arith.constant 0 : i32
        %dma_start3A_171 = tpu.memref_slice %arg12[%dma_start3A_169, %dma_start3A_170] : memref<10112x128xf32, #tpu.memory_space<vmem_shared>> -> memref<10112x128xf32, #tpu.memory_space<vmem_shared>>
        tpu.enqueue_indirect_dma source(%arg8 : memref<64x128xf32, #tpu.memory_space<vmem>>) target(%dma_start3A_171 : memref<10112x128xf32, #tpu.memory_space<vmem_shared>>) offsets(%dma_start3A_168 : memref<64xi32, #tpu.memory_space<vmem>>) semaphore(%arg17 : memref<!tpu.dma_semaphore, #tpu.memory_space<semaphore_mem>>) {add = true}
        %dma_wait3A_172 = arith.constant 0 : i32
        %dma_wait3A_173 = arith.constant 0 : i32
        %dma_wait3A_174 = tpu.memref_slice %arg6[%dma_wait3A_172, %dma_wait3A_173] : memref<32x64xi32, #tpu.memory_space<vmem>> -> memref<1x64xi32, #tpu.memory_space<vmem>>
        %dma_wait3A_175 = tpu.memref_squeeze %dma_wait3A_174 : memref<1x64xi32, #tpu.memory_space<vmem>> -> memref<64xi32, #tpu.memory_space<vmem>>
        %dma_wait3A_176 = arith.constant 0 : i32
        %dma_wait3A_177 = arith.constant 0 : i32
        %dma_wait3A_178 = tpu.memref_slice %arg2[%dma_wait3A_176, %dma_wait3A_177] : memref<10000x128xf32, #tpu.memory_space<hbm>> -> memref<10000x128xf32, #tpu.memory_space<hbm>>
        tpu.wait_indirect_dma semaphore(%arg14 : memref<!tpu.dma_semaphore, #tpu.memory_space<semaphore_mem>>) src(%dma_wait3A_178 : memref<10000x128xf32, #tpu.memory_space<hbm>>) dst(%arg9 : memref<64x128xf32, #tpu.memory_space<vmem>>)
        %add3A_179 = arith.constant 1 : i32
        %add3A_180 = arith.addi %add3A_156, %add3A_179 : i32
        %dma_start3A_181 = arith.constant 0 : i32
        %dma_start3A_182 = tpu.memref_slice %arg7[%add3A_180, %dma_start3A_181] : memref<32x64xi32, #tpu.memory_space<vmem>> -> memref<1x64xi32, #tpu.memory_space<vmem>>
        %dma_start3A_183 = tpu.memref_squeeze %dma_start3A_182 : memref<1x64xi32, #tpu.memory_space<vmem>> -> memref<64xi32, #tpu.memory_space<vmem>>
        %dma_start3A_184 = arith.constant 0 : i32
        %dma_start3A_185 = arith.constant 0 : i32
        %dma_start3A_186 = tpu.memref_slice %arg12[%dma_start3A_184, %dma_start3A_185] : memref<10112x128xf32, #tpu.memory_space<vmem_shared>> -> memref<10112x128xf32, #tpu.memory_space<vmem_shared>>
        tpu.enqueue_indirect_dma source(%arg9 : memref<64x128xf32, #tpu.memory_space<vmem>>) target(%dma_start3A_186 : memref<10112x128xf32, #tpu.memory_space<vmem_shared>>) offsets(%dma_start3A_183 : memref<64xi32, #tpu.memory_space<vmem>>) semaphore(%arg18 : memref<!tpu.dma_semaphore, #tpu.memory_space<semaphore_mem>>) {add = true}
        %dma_wait3A_187 = arith.constant 0 : i32
        %dma_wait3A_188 = arith.constant 0 : i32
        %dma_wait3A_189 = tpu.memref_slice %arg6[%dma_wait3A_187, %dma_wait3A_188] : memref<32x64xi32, #tpu.memory_space<vmem>> -> memref<1x64xi32, #tpu.memory_space<vmem>>
        %dma_wait3A_190 = tpu.memref_squeeze %dma_wait3A_189 : memref<1x64xi32, #tpu.memory_space<vmem>> -> memref<64xi32, #tpu.memory_space<vmem>>
        %dma_wait3A_191 = arith.constant 0 : i32
        %dma_wait3A_192 = arith.constant 0 : i32
        %dma_wait3A_193 = tpu.memref_slice %arg2[%dma_wait3A_191, %dma_wait3A_192] : memref<10000x128xf32, #tpu.memory_space<hbm>> -> memref<10000x128xf32, #tpu.memory_space<hbm>>
        tpu.wait_indirect_dma semaphore(%arg15 : memref<!tpu.dma_semaphore, #tpu.memory_space<semaphore_mem>>) src(%dma_wait3A_193 : memref<10000x128xf32, #tpu.memory_space<hbm>>) dst(%arg10 : memref<64x128xf32, #tpu.memory_space<vmem>>)
        %add3A_194 = arith.constant 2 : i32
        %add3A_195 = arith.addi %add3A_156, %add3A_194 : i32
        %dma_start3A_196 = arith.constant 0 : i32
        %dma_start3A_197 = tpu.memref_slice %arg7[%add3A_195, %dma_start3A_196] : memref<32x64xi32, #tpu.memory_space<vmem>> -> memref<1x64xi32, #tpu.memory_space<vmem>>
        %dma_start3A_198 = tpu.memref_squeeze %dma_start3A_197 : memref<1x64xi32, #tpu.memory_space<vmem>> -> memref<64xi32, #tpu.memory_space<vmem>>
        %dma_start3A_199 = arith.constant 0 : i32
        %dma_start3A_200 = arith.constant 0 : i32
        %dma_start3A_201 = tpu.memref_slice %arg12[%dma_start3A_199, %dma_start3A_200] : memref<10112x128xf32, #tpu.memory_space<vmem_shared>> -> memref<10112x128xf32, #tpu.memory_space<vmem_shared>>
        tpu.enqueue_indirect_dma source(%arg10 : memref<64x128xf32, #tpu.memory_space<vmem>>) target(%dma_start3A_201 : memref<10112x128xf32, #tpu.memory_space<vmem_shared>>) offsets(%dma_start3A_198 : memref<64xi32, #tpu.memory_space<vmem>>) semaphore(%arg19 : memref<!tpu.dma_semaphore, #tpu.memory_space<semaphore_mem>>) {add = true}
        %dma_wait3A_202 = arith.constant 0 : i32
        %dma_wait3A_203 = arith.constant 0 : i32
        %dma_wait3A_204 = tpu.memref_slice %arg6[%dma_wait3A_202, %dma_wait3A_203] : memref<32x64xi32, #tpu.memory_space<vmem>> -> memref<1x64xi32, #tpu.memory_space<vmem>>
        %dma_wait3A_205 = tpu.memref_squeeze %dma_wait3A_204 : memref<1x64xi32, #tpu.memory_space<vmem>> -> memref<64xi32, #tpu.memory_space<vmem>>
        %dma_wait3A_206 = arith.constant 0 : i32
        %dma_wait3A_207 = arith.constant 0 : i32
        %dma_wait3A_208 = tpu.memref_slice %arg2[%dma_wait3A_206, %dma_wait3A_207] : memref<10000x128xf32, #tpu.memory_space<hbm>> -> memref<10000x128xf32, #tpu.memory_space<hbm>>
        tpu.wait_indirect_dma semaphore(%arg16 : memref<!tpu.dma_semaphore, #tpu.memory_space<semaphore_mem>>) src(%dma_wait3A_208 : memref<10000x128xf32, #tpu.memory_space<hbm>>) dst(%arg11 : memref<64x128xf32, #tpu.memory_space<vmem>>)
        %add3A_209 = arith.constant 3 : i32
        %add3A_210 = arith.addi %add3A_156, %add3A_209 : i32
        %dma_start3A_211 = arith.constant 0 : i32
        %dma_start3A_212 = tpu.memref_slice %arg7[%add3A_210, %dma_start3A_211] : memref<32x64xi32, #tpu.memory_space<vmem>> -> memref<1x64xi32, #tpu.memory_space<vmem>>
        %dma_start3A_213 = tpu.memref_squeeze %dma_start3A_212 : memref<1x64xi32, #tpu.memory_space<vmem>> -> memref<64xi32, #tpu.memory_space<vmem>>
        %dma_start3A_214 = arith.constant 0 : i32
        %dma_start3A_215 = arith.constant 0 : i32
        %dma_start3A_216 = tpu.memref_slice %arg12[%dma_start3A_214, %dma_start3A_215] : memref<10112x128xf32, #tpu.memory_space<vmem_shared>> -> memref<10112x128xf32, #tpu.memory_space<vmem_shared>>
        tpu.enqueue_indirect_dma source(%arg11 : memref<64x128xf32, #tpu.memory_space<vmem>>) target(%dma_start3A_216 : memref<10112x128xf32, #tpu.memory_space<vmem_shared>>) offsets(%dma_start3A_213 : memref<64xi32, #tpu.memory_space<vmem>>) semaphore(%arg20 : memref<!tpu.dma_semaphore, #tpu.memory_space<semaphore_mem>>) {add = true}
        %dma_wait3A_217 = arith.constant 0 : i32
        %dma_wait3A_218 = arith.constant 0 : i32
        %dma_wait3A_219 = tpu.memref_slice %arg7[%dma_wait3A_217, %dma_wait3A_218] : memref<32x64xi32, #tpu.memory_space<vmem>> -> memref<1x64xi32, #tpu.memory_space<vmem>>
        %dma_wait3A_220 = tpu.memref_squeeze %dma_wait3A_219 : memref<1x64xi32, #tpu.memory_space<vmem>> -> memref<64xi32, #tpu.memory_space<vmem>>
        %dma_wait3A_221 = arith.constant 0 : i32
        %dma_wait3A_222 = arith.constant 0 : i32
        %dma_wait3A_223 = tpu.memref_slice %arg12[%dma_wait3A_221, %dma_wait3A_222] : memref<10112x128xf32, #tpu.memory_space<vmem_shared>> -> memref<10112x128xf32, #tpu.memory_space<vmem_shared>>
        tpu.wait_indirect_dma semaphore(%arg17 : memref<!tpu.dma_semaphore, #tpu.memory_space<semaphore_mem>>) src(%arg8 : memref<64x128xf32, #tpu.memory_space<vmem>>) dst(%dma_wait3A_223 : memref<10112x128xf32, #tpu.memory_space<vmem_shared>>)
        %add3A_224 = arith.constant 4 : i32
        %add3A_225 = arith.addi %add3A_156, %add3A_224 : i32
        %add3A_226 = arith.constant 0 : i32
        %add3A_227 = arith.addi %add3A_225, %add3A_226 : i32
        %dma_start3A_228 = arith.constant 0 : i32
        %dma_start3A_229 = tpu.memref_slice %arg6[%add3A_227, %dma_start3A_228] : memref<32x64xi32, #tpu.memory_space<vmem>> -> memref<1x64xi32, #tpu.memory_space<vmem>>
        %dma_start3A_230 = tpu.memref_squeeze %dma_start3A_229 : memref<1x64xi32, #tpu.memory_space<vmem>> -> memref<64xi32, #tpu.memory_space<vmem>>
        %dma_start3A_231 = arith.constant 0 : i32
        %dma_start3A_232 = arith.constant 0 : i32
        %dma_start3A_233 = tpu.memref_slice %arg2[%dma_start3A_231, %dma_start3A_232] : memref<10000x128xf32, #tpu.memory_space<hbm>> -> memref<10000x128xf32, #tpu.memory_space<hbm>>
        tpu.enqueue_indirect_dma source(%dma_start3A_233 : memref<10000x128xf32, #tpu.memory_space<hbm>>) target(%arg8 : memref<64x128xf32, #tpu.memory_space<vmem>>) offsets(%dma_start3A_230 : memref<64xi32, #tpu.memory_space<vmem>>) semaphore(%arg13 : memref<!tpu.dma_semaphore, #tpu.memory_space<semaphore_mem>>)
        %dma_wait3A_234 = arith.constant 0 : i32
        %dma_wait3A_235 = arith.constant 0 : i32
        %dma_wait3A_236 = tpu.memref_slice %arg7[%dma_wait3A_234, %dma_wait3A_235] : memref<32x64xi32, #tpu.memory_space<vmem>> -> memref<1x64xi32, #tpu.memory_space<vmem>>
        %dma_wait3A_237 = tpu.memref_squeeze %dma_wait3A_236 : memref<1x64xi32, #tpu.memory_space<vmem>> -> memref<64xi32, #tpu.memory_space<vmem>>
        %dma_wait3A_238 = arith.constant 0 : i32
        %dma_wait3A_239 = arith.constant 0 : i32
        %dma_wait3A_240 = tpu.memref_slice %arg12[%dma_wait3A_238, %dma_wait3A_239] : memref<10112x128xf32, #tpu.memory_space<vmem_shared>> -> memref<10112x128xf32, #tpu.memory_space<vmem_shared>>
        tpu.wait_indirect_dma semaphore(%arg18 : memref<!tpu.dma_semaphore, #tpu.memory_space<semaphore_mem>>) src(%arg9 : memref<64x128xf32, #tpu.memory_space<vmem>>) dst(%dma_wait3A_240 : memref<10112x128xf32, #tpu.memory_space<vmem_shared>>)
        %add3A_241 = arith.constant 4 : i32
        %add3A_242 = arith.addi %add3A_156, %add3A_241 : i32
        %add3A_243 = arith.constant 1 : i32
        %add3A_244 = arith.addi %add3A_242, %add3A_243 : i32
        %dma_start3A_245 = arith.constant 0 : i32
        %dma_start3A_246 = tpu.memref_slice %arg6[%add3A_244, %dma_start3A_245] : memref<32x64xi32, #tpu.memory_space<vmem>> -> memref<1x64xi32, #tpu.memory_space<vmem>>
        %dma_start3A_247 = tpu.memref_squeeze %dma_start3A_246 : memref<1x64xi32, #tpu.memory_space<vmem>> -> memref<64xi32, #tpu.memory_space<vmem>>
        %dma_start3A_248 = arith.constant 0 : i32
        %dma_start3A_249 = arith.constant 0 : i32
        %dma_start3A_250 = tpu.memref_slice %arg2[%dma_start3A_248, %dma_start3A_249] : memref<10000x128xf32, #tpu.memory_space<hbm>> -> memref<10000x128xf32, #tpu.memory_space<hbm>>
        tpu.enqueue_indirect_dma source(%dma_start3A_250 : memref<10000x128xf32, #tpu.memory_space<hbm>>) target(%arg9 : memref<64x128xf32, #tpu.memory_space<vmem>>) offsets(%dma_start3A_247 : memref<64xi32, #tpu.memory_space<vmem>>) semaphore(%arg14 : memref<!tpu.dma_semaphore, #tpu.memory_space<semaphore_mem>>)
        %dma_wait3A_251 = arith.constant 0 : i32
        %dma_wait3A_252 = arith.constant 0 : i32
        %dma_wait3A_253 = tpu.memref_slice %arg7[%dma_wait3A_251, %dma_wait3A_252] : memref<32x64xi32, #tpu.memory_space<vmem>> -> memref<1x64xi32, #tpu.memory_space<vmem>>
        %dma_wait3A_254 = tpu.memref_squeeze %dma_wait3A_253 : memref<1x64xi32, #tpu.memory_space<vmem>> -> memref<64xi32, #tpu.memory_space<vmem>>
        %dma_wait3A_255 = arith.constant 0 : i32
        %dma_wait3A_256 = arith.constant 0 : i32
        %dma_wait3A_257 = tpu.memref_slice %arg12[%dma_wait3A_255, %dma_wait3A_256] : memref<10112x128xf32, #tpu.memory_space<vmem_shared>> -> memref<10112x128xf32, #tpu.memory_space<vmem_shared>>
        tpu.wait_indirect_dma semaphore(%arg19 : memref<!tpu.dma_semaphore, #tpu.memory_space<semaphore_mem>>) src(%arg10 : memref<64x128xf32, #tpu.memory_space<vmem>>) dst(%dma_wait3A_257 : memref<10112x128xf32, #tpu.memory_space<vmem_shared>>)
        %add3A_258 = arith.constant 4 : i32
        %add3A_259 = arith.addi %add3A_156, %add3A_258 : i32
        %add3A_260 = arith.constant 2 : i32
        %add3A_261 = arith.addi %add3A_259, %add3A_260 : i32
        %dma_start3A_262 = arith.constant 0 : i32
        %dma_start3A_263 = tpu.memref_slice %arg6[%add3A_261, %dma_start3A_262] : memref<32x64xi32, #tpu.memory_space<vmem>> -> memref<1x64xi32, #tpu.memory_space<vmem>>
        %dma_start3A_264 = tpu.memref_squeeze %dma_start3A_263 : memref<1x64xi32, #tpu.memory_space<vmem>> -> memref<64xi32, #tpu.memory_space<vmem>>
        %dma_start3A_265 = arith.constant 0 : i32
        %dma_start3A_266 = arith.constant 0 : i32
        %dma_start3A_267 = tpu.memref_slice %arg2[%dma_start3A_265, %dma_start3A_266] : memref<10000x128xf32, #tpu.memory_space<hbm>> -> memref<10000x128xf32, #tpu.memory_space<hbm>>
        tpu.enqueue_indirect_dma source(%dma_start3A_267 : memref<10000x128xf32, #tpu.memory_space<hbm>>) target(%arg10 : memref<64x128xf32, #tpu.memory_space<vmem>>) offsets(%dma_start3A_264 : memref<64xi32, #tpu.memory_space<vmem>>) semaphore(%arg15 : memref<!tpu.dma_semaphore, #tpu.memory_space<semaphore_mem>>)
        %dma_wait3A_268 = arith.constant 0 : i32
        %dma_wait3A_269 = arith.constant 0 : i32
        %dma_wait3A_270 = tpu.memref_slice %arg7[%dma_wait3A_268, %dma_wait3A_269] : memref<32x64xi32, #tpu.memory_space<vmem>> -> memref<1x64xi32, #tpu.memory_space<vmem>>
        %dma_wait3A_271 = tpu.memref_squeeze %dma_wait3A_270 : memref<1x64xi32, #tpu.memory_space<vmem>> -> memref<64xi32, #tpu.memory_space<vmem>>
        %dma_wait3A_272 = arith.constant 0 : i32
        %dma_wait3A_273 = arith.constant 0 : i32
        %dma_wait3A_274 = tpu.memref_slice %arg12[%dma_wait3A_272, %dma_wait3A_273] : memref<10112x128xf32, #tpu.memory_space<vmem_shared>> -> memref<10112x128xf32, #tpu.memory_space<vmem_shared>>
        tpu.wait_indirect_dma semaphore(%arg20 : memref<!tpu.dma_semaphore, #tpu.memory_space<semaphore_mem>>) src(%arg11 : memref<64x128xf32, #tpu.memory_space<vmem>>) dst(%dma_wait3A_274 : memref<10112x128xf32, #tpu.memory_space<vmem_shared>>)
        %add3A_275 = arith.constant 4 : i32
        %add3A_276 = arith.addi %add3A_156, %add3A_275 : i32
        %add3A_277 = arith.constant 3 : i32
        %add3A_278 = arith.addi %add3A_276, %add3A_277 : i32
        %dma_start3A_279 = arith.constant 0 : i32
        %dma_start3A_280 = tpu.memref_slice %arg6[%add3A_278, %dma_start3A_279] : memref<32x64xi32, #tpu.memory_space<vmem>> -> memref<1x64xi32, #tpu.memory_space<vmem>>
        %dma_start3A_281 = tpu.memref_squeeze %dma_start3A_280 : memref<1x64xi32, #tpu.memory_space<vmem>> -> memref<64xi32, #tpu.memory_space<vmem>>
        %dma_start3A_282 = arith.constant 0 : i32
        %dma_start3A_283 = arith.constant 0 : i32
        %dma_start3A_284 = tpu.memref_slice %arg2[%dma_start3A_282, %dma_start3A_283] : memref<10000x128xf32, #tpu.memory_space<hbm>> -> memref<10000x128xf32, #tpu.memory_space<hbm>>
        tpu.enqueue_indirect_dma source(%dma_start3A_284 : memref<10000x128xf32, #tpu.memory_space<hbm>>) target(%arg11 : memref<64x128xf32, #tpu.memory_space<vmem>>) offsets(%dma_start3A_281 : memref<64xi32, #tpu.memory_space<vmem>>) semaphore(%arg16 : memref<!tpu.dma_semaphore, #tpu.memory_space<semaphore_mem>>)
      }
      %scan3A_68 = arith.constant 7 : i32
      %dma_wait3A = arith.constant 0 : i32
      %dma_wait3A_69 = arith.constant 0 : i32
      %dma_wait3A_70 = tpu.memref_slice %arg6[%dma_wait3A, %dma_wait3A_69] : memref<32x64xi32, #tpu.memory_space<vmem>> -> memref<1x64xi32, #tpu.memory_space<vmem>>
      %dma_wait3A_71 = tpu.memref_squeeze %dma_wait3A_70 : memref<1x64xi32, #tpu.memory_space<vmem>> -> memref<64xi32, #tpu.memory_space<vmem>>
      %dma_wait3A_72 = arith.constant 0 : i32
      %dma_wait3A_73 = arith.constant 0 : i32
      %dma_wait3A_74 = tpu.memref_slice %arg2[%dma_wait3A_72, %dma_wait3A_73] : memref<10000x128xf32, #tpu.memory_space<hbm>> -> memref<10000x128xf32, #tpu.memory_space<hbm>>
      tpu.wait_indirect_dma semaphore(%arg13 : memref<!tpu.dma_semaphore, #tpu.memory_space<semaphore_mem>>) src(%dma_wait3A_74 : memref<10000x128xf32, #tpu.memory_space<hbm>>) dst(%arg8 : memref<64x128xf32, #tpu.memory_space<vmem>>)
      %dma_start3A_75 = arith.constant 28 : i32
      %dma_start3A_76 = arith.constant 0 : i32
      %dma_start3A_77 = tpu.memref_slice %arg7[%dma_start3A_75, %dma_start3A_76] : memref<32x64xi32, #tpu.memory_space<vmem>> -> memref<1x64xi32, #tpu.memory_space<vmem>>
      %dma_start3A_78 = tpu.memref_squeeze %dma_start3A_77 : memref<1x64xi32, #tpu.memory_space<vmem>> -> memref<64xi32, #tpu.memory_space<vmem>>
      %dma_start3A_79 = arith.constant 0 : i32
      %dma_start3A_80 = arith.constant 0 : i32
      %dma_start3A_81 = tpu.memref_slice %arg12[%dma_start3A_79, %dma_start3A_80] : memref<10112x128xf32, #tpu.memory_space<vmem_shared>> -> memref<10112x128xf32, #tpu.memory_space<vmem_shared>>
      tpu.enqueue_indirect_dma source(%arg8 : memref<64x128xf32, #tpu.memory_space<vmem>>) target(%dma_start3A_81 : memref<10112x128xf32, #tpu.memory_space<vmem_shared>>) offsets(%dma_start3A_78 : memref<64xi32, #tpu.memory_space<vmem>>) semaphore(%arg17 : memref<!tpu.dma_semaphore, #tpu.memory_space<semaphore_mem>>) {add = true}
      %dma_wait3A_82 = arith.constant 0 : i32
      %dma_wait3A_83 = arith.constant 0 : i32
      %dma_wait3A_84 = tpu.memref_slice %arg6[%dma_wait3A_82, %dma_wait3A_83] : memref<32x64xi32, #tpu.memory_space<vmem>> -> memref<1x64xi32, #tpu.memory_space<vmem>>
      %dma_wait3A_85 = tpu.memref_squeeze %dma_wait3A_84 : memref<1x64xi32, #tpu.memory_space<vmem>> -> memref<64xi32, #tpu.memory_space<vmem>>
      %dma_wait3A_86 = arith.constant 0 : i32
      %dma_wait3A_87 = arith.constant 0 : i32
      %dma_wait3A_88 = tpu.memref_slice %arg2[%dma_wait3A_86, %dma_wait3A_87] : memref<10000x128xf32, #tpu.memory_space<hbm>> -> memref<10000x128xf32, #tpu.memory_space<hbm>>
      tpu.wait_indirect_dma semaphore(%arg14 : memref<!tpu.dma_semaphore, #tpu.memory_space<semaphore_mem>>) src(%dma_wait3A_88 : memref<10000x128xf32, #tpu.memory_space<hbm>>) dst(%arg9 : memref<64x128xf32, #tpu.memory_space<vmem>>)
      %dma_start3A_89 = arith.constant 29 : i32
      %dma_start3A_90 = arith.constant 0 : i32
      %dma_start3A_91 = tpu.memref_slice %arg7[%dma_start3A_89, %dma_start3A_90] : memref<32x64xi32, #tpu.memory_space<vmem>> -> memref<1x64xi32, #tpu.memory_space<vmem>>
      %dma_start3A_92 = tpu.memref_squeeze %dma_start3A_91 : memref<1x64xi32, #tpu.memory_space<vmem>> -> memref<64xi32, #tpu.memory_space<vmem>>
      %dma_start3A_93 = arith.constant 0 : i32
      %dma_start3A_94 = arith.constant 0 : i32
      %dma_start3A_95 = tpu.memref_slice %arg12[%dma_start3A_93, %dma_start3A_94] : memref<10112x128xf32, #tpu.memory_space<vmem_shared>> -> memref<10112x128xf32, #tpu.memory_space<vmem_shared>>
      tpu.enqueue_indirect_dma source(%arg9 : memref<64x128xf32, #tpu.memory_space<vmem>>) target(%dma_start3A_95 : memref<10112x128xf32, #tpu.memory_space<vmem_shared>>) offsets(%dma_start3A_92 : memref<64xi32, #tpu.memory_space<vmem>>) semaphore(%arg18 : memref<!tpu.dma_semaphore, #tpu.memory_space<semaphore_mem>>) {add = true}
      %dma_wait3A_96 = arith.constant 0 : i32
      %dma_wait3A_97 = arith.constant 0 : i32
      %dma_wait3A_98 = tpu.memref_slice %arg6[%dma_wait3A_96, %dma_wait3A_97] : memref<32x64xi32, #tpu.memory_space<vmem>> -> memref<1x64xi32, #tpu.memory_space<vmem>>
      %dma_wait3A_99 = tpu.memref_squeeze %dma_wait3A_98 : memref<1x64xi32, #tpu.memory_space<vmem>> -> memref<64xi32, #tpu.memory_space<vmem>>
      %dma_wait3A_100 = arith.constant 0 : i32
      %dma_wait3A_101 = arith.constant 0 : i32
      %dma_wait3A_102 = tpu.memref_slice %arg2[%dma_wait3A_100, %dma_wait3A_101] : memref<10000x128xf32, #tpu.memory_space<hbm>> -> memref<10000x128xf32, #tpu.memory_space<hbm>>
      tpu.wait_indirect_dma semaphore(%arg15 : memref<!tpu.dma_semaphore, #tpu.memory_space<semaphore_mem>>) src(%dma_wait3A_102 : memref<10000x128xf32, #tpu.memory_space<hbm>>) dst(%arg10 : memref<64x128xf32, #tpu.memory_space<vmem>>)
      %dma_start3A_103 = arith.constant 30 : i32
      %dma_start3A_104 = arith.constant 0 : i32
      %dma_start3A_105 = tpu.memref_slice %arg7[%dma_start3A_103, %dma_start3A_104] : memref<32x64xi32, #tpu.memory_space<vmem>> -> memref<1x64xi32, #tpu.memory_space<vmem>>
      %dma_start3A_106 = tpu.memref_squeeze %dma_start3A_105 : memref<1x64xi32, #tpu.memory_space<vmem>> -> memref<64xi32, #tpu.memory_space<vmem>>
      %dma_start3A_107 = arith.constant 0 : i32
      %dma_start3A_108 = arith.constant 0 : i32
      %dma_start3A_109 = tpu.memref_slice %arg12[%dma_start3A_107, %dma_start3A_108] : memref<10112x128xf32, #tpu.memory_space<vmem_shared>> -> memref<10112x128xf32, #tpu.memory_space<vmem_shared>>
      tpu.enqueue_indirect_dma source(%arg10 : memref<64x128xf32, #tpu.memory_space<vmem>>) target(%dma_start3A_109 : memref<10112x128xf32, #tpu.memory_space<vmem_shared>>) offsets(%dma_start3A_106 : memref<64xi32, #tpu.memory_space<vmem>>) semaphore(%arg19 : memref<!tpu.dma_semaphore, #tpu.memory_space<semaphore_mem>>) {add = true}
      %dma_wait3A_110 = arith.constant 0 : i32
      %dma_wait3A_111 = arith.constant 0 : i32
      %dma_wait3A_112 = tpu.memref_slice %arg6[%dma_wait3A_110, %dma_wait3A_111] : memref<32x64xi32, #tpu.memory_space<vmem>> -> memref<1x64xi32, #tpu.memory_space<vmem>>
      %dma_wait3A_113 = tpu.memref_squeeze %dma_wait3A_112 : memref<1x64xi32, #tpu.memory_space<vmem>> -> memref<64xi32, #tpu.memory_space<vmem>>
      %dma_wait3A_114 = arith.constant 0 : i32
      %dma_wait3A_115 = arith.constant 0 : i32
      %dma_wait3A_116 = tpu.memref_slice %arg2[%dma_wait3A_114, %dma_wait3A_115] : memref<10000x128xf32, #tpu.memory_space<hbm>> -> memref<10000x128xf32, #tpu.memory_space<hbm>>
      tpu.wait_indirect_dma semaphore(%arg16 : memref<!tpu.dma_semaphore, #tpu.memory_space<semaphore_mem>>) src(%dma_wait3A_116 : memref<10000x128xf32, #tpu.memory_space<hbm>>) dst(%arg11 : memref<64x128xf32, #tpu.memory_space<vmem>>)
      %dma_start3A_117 = arith.constant 31 : i32
      %dma_start3A_118 = arith.constant 0 : i32
      %dma_start3A_119 = tpu.memref_slice %arg7[%dma_start3A_117, %dma_start3A_118] : memref<32x64xi32, #tpu.memory_space<vmem>> -> memref<1x64xi32, #tpu.memory_space<vmem>>
      %dma_start3A_120 = tpu.memref_squeeze %dma_start3A_119 : memref<1x64xi32, #tpu.memory_space<vmem>> -> memref<64xi32, #tpu.memory_space<vmem>>
      %dma_start3A_121 = arith.constant 0 : i32
      %dma_start3A_122 = arith.constant 0 : i32
      %dma_start3A_123 = tpu.memref_slice %arg12[%dma_start3A_121, %dma_start3A_122] : memref<10112x128xf32, #tpu.memory_space<vmem_shared>> -> memref<10112x128xf32, #tpu.memory_space<vmem_shared>>
      tpu.enqueue_indirect_dma source(%arg11 : memref<64x128xf32, #tpu.memory_space<vmem>>) target(%dma_start3A_123 : memref<10112x128xf32, #tpu.memory_space<vmem_shared>>) offsets(%dma_start3A_120 : memref<64xi32, #tpu.memory_space<vmem>>) semaphore(%arg20 : memref<!tpu.dma_semaphore, #tpu.memory_space<semaphore_mem>>) {add = true}
      %dma_wait3A_124 = arith.constant 0 : i32
      %dma_wait3A_125 = arith.constant 0 : i32
      %dma_wait3A_126 = tpu.memref_slice %arg7[%dma_wait3A_124, %dma_wait3A_125] : memref<32x64xi32, #tpu.memory_space<vmem>> -> memref<1x64xi32, #tpu.memory_space<vmem>>
      %dma_wait3A_127 = tpu.memref_squeeze %dma_wait3A_126 : memref<1x64xi32, #tpu.memory_space<vmem>> -> memref<64xi32, #tpu.memory_space<vmem>>
      %dma_wait3A_128 = arith.constant 0 : i32
      %dma_wait3A_129 = arith.constant 0 : i32
      %dma_wait3A_130 = tpu.memref_slice %arg12[%dma_wait3A_128, %dma_wait3A_129] : memref<10112x128xf32, #tpu.memory_space<vmem_shared>> -> memref<10112x128xf32, #tpu.memory_space<vmem_shared>>
      tpu.wait_indirect_dma semaphore(%arg17 : memref<!tpu.dma_semaphore, #tpu.memory_space<semaphore_mem>>) src(%arg8 : memref<64x128xf32, #tpu.memory_space<vmem>>) dst(%dma_wait3A_130 : memref<10112x128xf32, #tpu.memory_space<vmem_shared>>)
      %dma_wait3A_131 = arith.constant 0 : i32
      %dma_wait3A_132 = arith.constant 0 : i32
      %dma_wait3A_133 = tpu.memref_slice %arg7[%dma_wait3A_131, %dma_wait3A_132] : memref<32x64xi32, #tpu.memory_space<vmem>> -> memref<1x64xi32, #tpu.memory_space<vmem>>
      %dma_wait3A_134 = tpu.memref_squeeze %dma_wait3A_133 : memref<1x64xi32, #tpu.memory_space<vmem>> -> memref<64xi32, #tpu.memory_space<vmem>>
      %dma_wait3A_135 = arith.constant 0 : i32
      %dma_wait3A_136 = arith.constant 0 : i32
      %dma_wait3A_137 = tpu.memref_slice %arg12[%dma_wait3A_135, %dma_wait3A_136] : memref<10112x128xf32, #tpu.memory_space<vmem_shared>> -> memref<10112x128xf32, #tpu.memory_space<vmem_shared>>
      tpu.wait_indirect_dma semaphore(%arg18 : memref<!tpu.dma_semaphore, #tpu.memory_space<semaphore_mem>>) src(%arg9 : memref<64x128xf32, #tpu.memory_space<vmem>>) dst(%dma_wait3A_137 : memref<10112x128xf32, #tpu.memory_space<vmem_shared>>)
      %dma_wait3A_138 = arith.constant 0 : i32
      %dma_wait3A_139 = arith.constant 0 : i32
      %dma_wait3A_140 = tpu.memref_slice %arg7[%dma_wait3A_138, %dma_wait3A_139] : memref<32x64xi32, #tpu.memory_space<vmem>> -> memref<1x64xi32, #tpu.memory_space<vmem>>
      %dma_wait3A_141 = tpu.memref_squeeze %dma_wait3A_140 : memref<1x64xi32, #tpu.memory_space<vmem>> -> memref<64xi32, #tpu.memory_space<vmem>>
      %dma_wait3A_142 = arith.constant 0 : i32
      %dma_wait3A_143 = arith.constant 0 : i32
      %dma_wait3A_144 = tpu.memref_slice %arg12[%dma_wait3A_142, %dma_wait3A_143] : memref<10112x128xf32, #tpu.memory_space<vmem_shared>> -> memref<10112x128xf32, #tpu.memory_space<vmem_shared>>
      tpu.wait_indirect_dma semaphore(%arg19 : memref<!tpu.dma_semaphore, #tpu.memory_space<semaphore_mem>>) src(%arg10 : memref<64x128xf32, #tpu.memory_space<vmem>>) dst(%dma_wait3A_144 : memref<10112x128xf32, #tpu.memory_space<vmem_shared>>)
      %dma_wait3A_145 = arith.constant 0 : i32
      %dma_wait3A_146 = arith.constant 0 : i32
      %dma_wait3A_147 = tpu.memref_slice %arg7[%dma_wait3A_145, %dma_wait3A_146] : memref<32x64xi32, #tpu.memory_space<vmem>> -> memref<1x64xi32, #tpu.memory_space<vmem>>
      %dma_wait3A_148 = tpu.memref_squeeze %dma_wait3A_147 : memref<1x64xi32, #tpu.memory_space<vmem>> -> memref<64xi32, #tpu.memory_space<vmem>>
      %dma_wait3A_149 = arith.constant 0 : i32
      %dma_wait3A_150 = arith.constant 0 : i32
      %dma_wait3A_151 = tpu.memref_slice %arg12[%dma_wait3A_149, %dma_wait3A_150] : memref<10112x128xf32, #tpu.memory_space<vmem_shared>> -> memref<10112x128xf32, #tpu.memory_space<vmem_shared>>
      tpu.wait_indirect_dma semaphore(%arg20 : memref<!tpu.dma_semaphore, #tpu.memory_space<semaphore_mem>>) src(%arg11 : memref<64x128xf32, #tpu.memory_space<vmem>>) dst(%dma_wait3A_151 : memref<10112x128xf32, #tpu.memory_space<vmem_shared>>)
    }
    %scan3A_20 = arith.constant 5 : i32
    %barrier3A_21 = arith.constant 0 : index
    tpu.barrier barrier_id(%barrier3A_21)
    %mul3A_22 = arith.constant 632 : i32
    %mul3A_23 = arith.muli %arg1, %mul3A_22 : i32
    %mul3A_24 = arith.constant 632 : i32
    %mul3A_25 = arith.muli %arg1, %mul3A_24 : i32
    "tpu.region"() ({
      %run_scoped3A = tpu.sem_alloc : memref<!tpu.dma_semaphore, #tpu.memory_space<semaphore_mem>>
      %dma_start3A = arith.constant 0 : i32
      %dma_start3A_26 = tpu.memref_slice %arg5[%arg0, %mul3A_25, %dma_start3A] : memref<2x10112x128xf32, #tpu.memory_space<hbm>> -> memref<1x632x128xf32, #tpu.memory_space<hbm>>
      %dma_start3A_27 = tpu.memref_squeeze %dma_start3A_26 : memref<1x632x128xf32, #tpu.memory_space<hbm>> -> memref<632x128xf32, #tpu.memory_space<hbm>>
      %dma_start3A_28 = arith.constant 0 : i32
      %dma_start3A_29 = tpu.memref_slice %arg12[%mul3A_23, %dma_start3A_28] : memref<10112x128xf32, #tpu.memory_space<vmem_shared>> -> memref<632x128xf32, #tpu.memory_space<vmem_shared>>
      tpu.enqueue_dma source(%dma_start3A_29 : memref<632x128xf32, #tpu.memory_space<vmem_shared>>) target(%dma_start3A_27 : memref<632x128xf32, #tpu.memory_space<hbm>>) target_semaphore(%run_scoped3A : memref<!tpu.dma_semaphore, #tpu.memory_space<semaphore_mem>>)
      %dma_wait3A = arith.constant 0 : i32
      %dma_wait3A_30 = tpu.memref_slice %arg5[%arg0, %mul3A_25, %dma_wait3A] : memref<2x10112x128xf32, #tpu.memory_space<hbm>> -> memref<1x632x128xf32, #tpu.memory_space<hbm>>
      %dma_wait3A_31 = tpu.memref_squeeze %dma_wait3A_30 : memref<1x632x128xf32, #tpu.memory_space<hbm>> -> memref<632x128xf32, #tpu.memory_space<hbm>>
      %dma_wait3A_32 = arith.constant 0 : i32
      %dma_wait3A_33 = tpu.memref_slice %arg12[%mul3A_23, %dma_wait3A_32] : memref<10112x128xf32, #tpu.memory_space<vmem_shared>> -> memref<632x128xf32, #tpu.memory_space<vmem_shared>>
      tpu.wait_dma2 semaphore(%run_scoped3A : memref<!tpu.dma_semaphore, #tpu.memory_space<semaphore_mem>>) src(%dma_wait3A_33 : memref<632x128xf32, #tpu.memory_space<vmem_shared>>) dst(%dma_wait3A_31 : memref<632x128xf32, #tpu.memory_space<hbm>>)
      tpu.yield
    }) : () -> ()
    return
  }
}

#map = affine_map<(d0, d1) -> (0, 0)>
#map1 = affine_map<(d0, d1) -> (0, 0, 0)>
module attributes {stable_mosaic.version = 14 : i64} {
  func.func @_agg_kernel(%arg0: i32, %arg1: i32, %arg2: memref<10000x128xf32, #tpu.memory_space<hbm>>, %arg3: memref<160x32x64xi32, #tpu.memory_space<hbm>>, %arg4: memref<160x32x64xi32, #tpu.memory_space<hbm>>, %arg5: memref<2x10112x128xf32, #tpu.memory_space<hbm>>, %arg6: memref<32x64xi32, #tpu.memory_space<vmem>>, %arg7: memref<32x64xi32, #tpu.memory_space<vmem>>, %arg8: memref<64x128xf32, #tpu.memory_space<vmem>>, %arg9: memref<64x128xf32, #tpu.memory_space<vmem>>, %arg10: memref<64x128xf32, #tpu.memory_space<vmem>>, %arg11: memref<64x128xf32, #tpu.memory_space<vmem>>, %arg12: memref<10112x128xf32, #tpu.memory_space<vmem_shared>>, %arg13: memref<!tpu.dma_semaphore, #tpu.memory_space<semaphore_mem>>, %arg14: memref<!tpu.dma_semaphore, #tpu.memory_space<semaphore_mem>>, %arg15: memref<!tpu.dma_semaphore, #tpu.memory_space<semaphore_mem>>, %arg16: memref<!tpu.dma_semaphore, #tpu.memory_space<semaphore_mem>>, %arg17: memref<!tpu.dma_semaphore, #tpu.memory_space<semaphore_mem>>, %arg18: memref<!tpu.dma_semaphore, #tpu.memory_space<semaphore_mem>>, %arg19: memref<!tpu.dma_semaphore, #tpu.memory_space<semaphore_mem>>, %arg20: memref<!tpu.dma_semaphore, #tpu.memory_space<semaphore_mem>>) attributes {dimension_semantics = [#tpu.dimension_semantics<core_parallel>, #tpu.dimension_semantics<subcore_parallel>], iteration_bounds = array<i64: 2, 16>, scalar_prefetch = 0 : i64, scratch_operands = 15 : i64, tpu.core_type = #tpu.core_type<sc_vector_subcore>, window_params = [{transform_indices = #map}, {transform_indices = #map1}, {transform_indices = #map1}, {transform_indices = #map1}]} {
    %mul3A = arith.constant 16 : i32
    %mul3A_0 = arith.muli %arg0, %mul3A : i32
    %add3A = arith.addi %mul3A_0, %arg1 : i32
    %broadcast_in_dim3A = arith.constant 0.000000e+00 : f32
    %broadcast_in_dim3A_1 = vector.broadcast %broadcast_in_dim3A : f32 to vector<16xf32>
    %scan3A = arith.constant 0 : i32
    %scan3A_2 = arith.constant 64 : i32
    %scan3A_3 = arith.addi %scan3A, %scan3A_2 : i32
    %scan3A_4 = arith.constant 1 : i32
    scf.for %scan3A_26 = %scan3A to %scan3A_3 step %scan3A_4  : i32 {
      %mul3A_27 = arith.constant 1 : i32
      %mul3A_28 = arith.muli %scan3A_26, %mul3A_27 : i32
      %add3A_29 = arith.constant 0 : i32
      %add3A_30 = arith.addi %add3A_29, %mul3A_28 : i32
      %scan3A_31 = arith.constant 0 : i32
      %scan3A_32 = arith.constant 8 : i32
      %scan3A_33 = arith.addi %scan3A_31, %scan3A_32 : i32
      %scan3A_34 = arith.constant 1 : i32
      scf.for %scan3A_36 = %scan3A_31 to %scan3A_33 step %scan3A_34  : i32 {
        %mul3A_37 = arith.constant 16 : i32
        %mul3A_38 = arith.muli %scan3A_36, %mul3A_37 : i32
        %add3A_39 = arith.constant 0 : i32
        %add3A_40 = arith.addi %add3A_39, %mul3A_38 : i32
        %swap3A = arith.index_cast %add3A_30 : i32 to index
        %swap3A_41 = arith.index_cast %add3A_40 : i32 to index
        %swap3A_42 = tpu.vector_load %arg8[%swap3A, %swap3A_41] {strides = array<i32>} : memref<64x128xf32, #tpu.memory_space<vmem>>, vector<1x16xf32>,
        %swap3A_43 = vector.shape_cast %swap3A_42 : vector<1x16xf32> to vector<16xf32>
        %swap3A_44 = vector.shape_cast %broadcast_in_dim3A_1 : vector<16xf32> to vector<1x16xf32>
        tpu.vector_store %arg8[%swap3A, %swap3A_41], %swap3A_44 {strides = array<i32>} : memref<64x128xf32, #tpu.memory_space<vmem>>, vector<1x16xf32>,
      }
      %scan3A_35 = arith.constant 8 : i32
    }
    %scan3A_5 = arith.constant 64 : i32
    %scan3A_6 = arith.constant 0 : i32
    %scan3A_7 = arith.constant 9 : i32
    %scan3A_8 = arith.addi %scan3A_6, %scan3A_7 : i32
    %scan3A_9 = arith.constant 1 : i32
    scf.for %scan3A_26 = %scan3A_6 to %scan3A_8 step %scan3A_9  : i32 {
      %mul3A_27 = arith.constant 1 : i32
      %mul3A_28 = arith.muli %scan3A_26, %mul3A_27 : i32
      %add3A_29 = arith.constant 0 : i32
      %add3A_30 = arith.addi %add3A_29, %mul3A_28 : i32
      %mul3A_31 = arith.constant 632 : i32
      %mul3A_32 = arith.muli %arg1, %mul3A_31 : i32
      %mul3A_33 = arith.constant 64 : i32
      %mul3A_34 = arith.muli %add3A_30, %mul3A_33 : i32
      %add3A_35 = arith.addi %mul3A_32, %mul3A_34 : i32
      "tpu.region"() ({
        %run_scoped3A = tpu.sem_alloc : memref<!tpu.dma_semaphore, #tpu.memory_space<semaphore_mem>>
        %dma_start3A = arith.constant 0 : i32
        %dma_start3A_36 = tpu.memref_slice %arg12[%add3A_35, %dma_start3A] : memref<10112x128xf32, #tpu.memory_space<vmem_shared>> -> memref<64x128xf32, #tpu.memory_space<vmem_shared>>
        %dma_start3A_37 = arith.constant 0 : i32
        %dma_start3A_38 = tpu.memref_slice %arg12[%add3A_35, %dma_start3A_37] : memref<10112x128xf32, #tpu.memory_space<vmem_shared>> -> memref<64x128xf32, #tpu.memory_space<vmem_shared>>
        tpu.enqueue_dma source(%arg8 : memref<64x128xf32, #tpu.memory_space<vmem>>) target(%dma_start3A_38 : memref<64x128xf32, #tpu.memory_space<vmem_shared>>) target_semaphore(%run_scoped3A : memref<!tpu.dma_semaphore, #tpu.memory_space<semaphore_mem>>)
        %dma_wait3A = arith.constant 0 : i32
        %dma_wait3A_39 = tpu.memref_slice %arg12[%add3A_35, %dma_wait3A] : memref<10112x128xf32, #tpu.memory_space<vmem_shared>> -> memref<64x128xf32, #tpu.memory_space<vmem_shared>>
        %dma_wait3A_40 = arith.constant 0 : i32
        %dma_wait3A_41 = tpu.memref_slice %arg12[%add3A_35, %dma_wait3A_40] : memref<10112x128xf32, #tpu.memory_space<vmem_shared>> -> memref<64x128xf32, #tpu.memory_space<vmem_shared>>
        tpu.wait_dma2 semaphore(%run_scoped3A : memref<!tpu.dma_semaphore, #tpu.memory_space<semaphore_mem>>) src(%arg8 : memref<64x128xf32, #tpu.memory_space<vmem>>) dst(%dma_wait3A_41 : memref<64x128xf32, #tpu.memory_space<vmem_shared>>)
        tpu.yield
      }) : () -> ()
    }
    %scan3A_10 = arith.constant 9 : i32
    %mul3A_11 = arith.constant 632 : i32
    %mul3A_12 = arith.muli %arg1, %mul3A_11 : i32
    %add3A_13 = arith.constant 632 : i32
    %add3A_14 = arith.addi %mul3A_12, %add3A_13 : i32
    %sub3A = arith.constant 56 : i32
    %sub3A_15 = arith.subi %add3A_14, %sub3A : i32
    "tpu.region"() ({
      %run_scoped3A = tpu.sem_alloc : memref<!tpu.dma_semaphore, #tpu.memory_space<semaphore_mem>>
      %dma_start3A = arith.constant 0 : i32
      %dma_start3A_26 = arith.constant 0 : i32
      %dma_start3A_27 = tpu.memref_slice %arg8[%dma_start3A, %dma_start3A_26] : memref<64x128xf32, #tpu.memory_space<vmem>> -> memref<56x128xf32, #tpu.memory_space<vmem>>
      %dma_start3A_28 = arith.constant 0 : i32
      %dma_start3A_29 = tpu.memref_slice %arg12[%sub3A_15, %dma_start3A_28] : memref<10112x128xf32, #tpu.memory_space<vmem_shared>> -> memref<56x128xf32, #tpu.memory_space<vmem_shared>>
      %dma_start3A_30 = arith.constant 0 : i32
      %dma_start3A_31 = tpu.memref_slice %arg12[%sub3A_15, %dma_start3A_30] : memref<10112x128xf32, #tpu.memory_space<vmem_shared>> -> memref<56x128xf32, #tpu.memory_space<vmem_shared>>
      %dma_start3A_32 = arith.constant 0 : i32
      %dma_start3A_33 = arith.constant 0 : i32
      %dma_start3A_34 = tpu.memref_slice %arg8[%dma_start3A_32, %dma_start3A_33] : memref<64x128xf32, #tpu.memory_space<vmem>> -> memref<56x128xf32, #tpu.memory_space<vmem>>
      tpu.enqueue_dma source(%dma_start3A_34 : memref<56x128xf32, #tpu.memory_space<vmem>>) target(%dma_start3A_31 : memref<56x128xf32, #tpu.memory_space<vmem_shared>>) target_semaphore(%run_scoped3A : memref<!tpu.dma_semaphore, #tpu.memory_space<semaphore_mem>>)
      %dma_wait3A = arith.constant 0 : i32
      %dma_wait3A_35 = arith.constant 0 : i32
      %dma_wait3A_36 = tpu.memref_slice %arg8[%dma_wait3A, %dma_wait3A_35] : memref<64x128xf32, #tpu.memory_space<vmem>> -> memref<56x128xf32, #tpu.memory_space<vmem>>
      %dma_wait3A_37 = arith.constant 0 : i32
      %dma_wait3A_38 = tpu.memref_slice %arg12[%sub3A_15, %dma_wait3A_37] : memref<10112x128xf32, #tpu.memory_space<vmem_shared>> -> memref<56x128xf32, #tpu.memory_space<vmem_shared>>
      %dma_wait3A_39 = arith.constant 0 : i32
      %dma_wait3A_40 = tpu.memref_slice %arg12[%sub3A_15, %dma_wait3A_39] : memref<10112x128xf32, #tpu.memory_space<vmem_shared>> -> memref<56x128xf32, #tpu.memory_space<vmem_shared>>
      %dma_wait3A_41 = arith.constant 0 : i32
      %dma_wait3A_42 = arith.constant 0 : i32
      %dma_wait3A_43 = tpu.memref_slice %arg8[%dma_wait3A_41, %dma_wait3A_42] : memref<64x128xf32, #tpu.memory_space<vmem>> -> memref<56x128xf32, #tpu.memory_space<vmem>>
      tpu.wait_dma2 semaphore(%run_scoped3A : memref<!tpu.dma_semaphore, #tpu.memory_space<semaphore_mem>>) src(%dma_wait3A_43 : memref<56x128xf32, #tpu.memory_space<vmem>>) dst(%dma_wait3A_40 : memref<56x128xf32, #tpu.memory_space<vmem_shared>>)
      tpu.yield
    }) : () -> ()
    %barrier3A = arith.constant 0 : index
    tpu.barrier barrier_id(%barrier3A)
    %scan3A_16 = arith.constant 0 : i32
    %scan3A_17 = arith.constant 5 : i32
    %scan3A_18 = arith.addi %scan3A_16, %scan3A_17 : i32
    %scan3A_19 = arith.constant 1 : i32
    scf.for %scan3A_26 = %scan3A_16 to %scan3A_18 step %scan3A_19  : i32 {
      %mul3A_27 = arith.constant 1 : i32
      %mul3A_28 = arith.muli %scan3A_26, %mul3A_27 : i32
      %add3A_29 = arith.constant 0 : i32
      %add3A_30 = arith.addi %add3A_29, %mul3A_28 : i32
      %mul3A_31 = arith.constant 5 : i32
      %mul3A_32 = arith.muli %add3A, %mul3A_31 : i32
      %add3A_33 = arith.addi %mul3A_32, %add3A_30 : i32
      "tpu.region"() ({
        %run_scoped3A = tpu.sem_alloc : memref<!tpu.dma_semaphore, #tpu.memory_space<semaphore_mem>>
        %dma_start3A_152 = arith.constant 0 : i32
        %dma_start3A_153 = arith.constant 0 : i32
        %dma_start3A_154 = tpu.memref_slice %arg3[%add3A_33, %dma_start3A_152, %dma_start3A_153] : memref<160x32x64xi32, #tpu.memory_space<hbm>> -> memref<1x32x64xi32, #tpu.memory_space<hbm>>
        %dma_start3A_155 = tpu.memref_squeeze %dma_start3A_154 : memref<1x32x64xi32, #tpu.memory_space<hbm>> -> memref<32x64xi32, #tpu.memory_space<hbm>>
        %dma_start3A_156 = arith.constant 0 : i32
        %dma_start3A_157 = arith.constant 0 : i32
        %dma_start3A_158 = tpu.memref_slice %arg3[%add3A_33, %dma_start3A_156, %dma_start3A_157] : memref<160x32x64xi32, #tpu.memory_space<hbm>> -> memref<1x32x64xi32, #tpu.memory_space<hbm>>
        %dma_start3A_159 = tpu.memref_squeeze %dma_start3A_158 : memref<1x32x64xi32, #tpu.memory_space<hbm>> -> memref<32x64xi32, #tpu.memory_space<hbm>>
        tpu.enqueue_dma source(%dma_start3A_159 : memref<32x64xi32, #tpu.memory_space<hbm>>) target(%arg6 : memref<32x64xi32, #tpu.memory_space<vmem>>) target_semaphore(%run_scoped3A : memref<!tpu.dma_semaphore, #tpu.memory_space<semaphore_mem>>)
        %dma_wait3A_160 = arith.constant 0 : i32
        %dma_wait3A_161 = arith.constant 0 : i32
        %dma_wait3A_162 = tpu.memref_slice %arg3[%add3A_33, %dma_wait3A_160, %dma_wait3A_161] : memref<160x32x64xi32, #tpu.memory_space<hbm>> -> memref<1x32x64xi32, #tpu.memory_space<hbm>>
        %dma_wait3A_163 = tpu.memref_squeeze %dma_wait3A_162 : memref<1x32x64xi32, #tpu.memory_space<hbm>> -> memref<32x64xi32, #tpu.memory_space<hbm>>
        %dma_wait3A_164 = arith.constant 0 : i32
        %dma_wait3A_165 = arith.constant 0 : i32
        %dma_wait3A_166 = tpu.memref_slice %arg3[%add3A_33, %dma_wait3A_164, %dma_wait3A_165] : memref<160x32x64xi32, #tpu.memory_space<hbm>> -> memref<1x32x64xi32, #tpu.memory_space<hbm>>
        %dma_wait3A_167 = tpu.memref_squeeze %dma_wait3A_166 : memref<1x32x64xi32, #tpu.memory_space<hbm>> -> memref<32x64xi32, #tpu.memory_space<hbm>>
        tpu.wait_dma2 semaphore(%run_scoped3A : memref<!tpu.dma_semaphore, #tpu.memory_space<semaphore_mem>>) src(%dma_wait3A_167 : memref<32x64xi32, #tpu.memory_space<hbm>>) dst(%arg6 : memref<32x64xi32, #tpu.memory_space<vmem>>)
        tpu.yield
      }) : () -> ()
      %mul3A_34 = arith.constant 5 : i32
      %mul3A_35 = arith.muli %add3A, %mul3A_34 : i32
      %add3A_36 = arith.addi %mul3A_35, %add3A_30 : i32
      "tpu.region"() ({
        %run_scoped3A = tpu.sem_alloc : memref<!tpu.dma_semaphore, #tpu.memory_space<semaphore_mem>>
        %dma_start3A_152 = arith.constant 0 : i32
        %dma_start3A_153 = arith.constant 0 : i32
        %dma_start3A_154 = tpu.memref_slice %arg4[%add3A_36, %dma_start3A_152, %dma_start3A_153] : memref<160x32x64xi32, #tpu.memory_space<hbm>> -> memref<1x32x64xi32, #tpu.memory_space<hbm>>
        %dma_start3A_155 = tpu.memref_squeeze %dma_start3A_154 : memref<1x32x64xi32, #tpu.memory_space<hbm>> -> memref<32x64xi32, #tpu.memory_space<hbm>>
        %dma_start3A_156 = arith.constant 0 : i32
        %dma_start3A_157 = arith.constant 0 : i32
        %dma_start3A_158 = tpu.memref_slice %arg4[%add3A_36, %dma_start3A_156, %dma_start3A_157] : memref<160x32x64xi32, #tpu.memory_space<hbm>> -> memref<1x32x64xi32, #tpu.memory_space<hbm>>
        %dma_start3A_159 = tpu.memref_squeeze %dma_start3A_158 : memref<1x32x64xi32, #tpu.memory_space<hbm>> -> memref<32x64xi32, #tpu.memory_space<hbm>>
        tpu.enqueue_dma source(%dma_start3A_159 : memref<32x64xi32, #tpu.memory_space<hbm>>) target(%arg7 : memref<32x64xi32, #tpu.memory_space<vmem>>) target_semaphore(%run_scoped3A : memref<!tpu.dma_semaphore, #tpu.memory_space<semaphore_mem>>)
        %dma_wait3A_160 = arith.constant 0 : i32
        %dma_wait3A_161 = arith.constant 0 : i32
        %dma_wait3A_162 = tpu.memref_slice %arg4[%add3A_36, %dma_wait3A_160, %dma_wait3A_161] : memref<160x32x64xi32, #tpu.memory_space<hbm>> -> memref<1x32x64xi32, #tpu.memory_space<hbm>>
        %dma_wait3A_163 = tpu.memref_squeeze %dma_wait3A_162 : memref<1x32x64xi32, #tpu.memory_space<hbm>> -> memref<32x64xi32, #tpu.memory_space<hbm>>
        %dma_wait3A_164 = arith.constant 0 : i32
        %dma_wait3A_165 = arith.constant 0 : i32
        %dma_wait3A_166 = tpu.memref_slice %arg4[%add3A_36, %dma_wait3A_164, %dma_wait3A_165] : memref<160x32x64xi32, #tpu.memory_space<hbm>> -> memref<1x32x64xi32, #tpu.memory_space<hbm>>
        %dma_wait3A_167 = tpu.memref_squeeze %dma_wait3A_166 : memref<1x32x64xi32, #tpu.memory_space<hbm>> -> memref<32x64xi32, #tpu.memory_space<hbm>>
        tpu.wait_dma2 semaphore(%run_scoped3A : memref<!tpu.dma_semaphore, #tpu.memory_space<semaphore_mem>>) src(%dma_wait3A_167 : memref<32x64xi32, #tpu.memory_space<hbm>>) dst(%arg7 : memref<32x64xi32, #tpu.memory_space<vmem>>)
        tpu.yield
      }) : () -> ()
      %dma_start3A = arith.constant 0 : i32
      %dma_start3A_37 = arith.constant 0 : i32
      %dma_start3A_38 = tpu.memref_slice %arg6[%dma_start3A, %dma_start3A_37] : memref<32x64xi32, #tpu.memory_space<vmem>> -> memref<1x64xi32, #tpu.memory_space<vmem>>
      %dma_start3A_39 = tpu.memref_squeeze %dma_start3A_38 : memref<1x64xi32, #tpu.memory_space<vmem>> -> memref<64xi32, #tpu.memory_space<vmem>>
      %dma_start3A_40 = arith.constant 0 : i32
      %dma_start3A_41 = arith.constant 0 : i32
      %dma_start3A_42 = tpu.memref_slice %arg2[%dma_start3A_40, %dma_start3A_41] : memref<10000x128xf32, #tpu.memory_space<hbm>> -> memref<10000x128xf32, #tpu.memory_space<hbm>>
      tpu.enqueue_indirect_dma source(%dma_start3A_42 : memref<10000x128xf32, #tpu.memory_space<hbm>>) target(%arg8 : memref<64x128xf32, #tpu.memory_space<vmem>>) offsets(%dma_start3A_39 : memref<64xi32, #tpu.memory_space<vmem>>) semaphore(%arg13 : memref<!tpu.dma_semaphore, #tpu.memory_space<semaphore_mem>>)
      %dma_start3A_43 = arith.constant 1 : i32
      %dma_start3A_44 = arith.constant 0 : i32
      %dma_start3A_45 = tpu.memref_slice %arg6[%dma_start3A_43, %dma_start3A_44] : memref<32x64xi32, #tpu.memory_space<vmem>> -> memref<1x64xi32, #tpu.memory_space<vmem>>
      %dma_start3A_46 = tpu.memref_squeeze %dma_start3A_45 : memref<1x64xi32, #tpu.memory_space<vmem>> -> memref<64xi32, #tpu.memory_space<vmem>>
      %dma_start3A_47 = arith.constant 0 : i32
      %dma_start3A_48 = arith.constant 0 : i32
      %dma_start3A_49 = tpu.memref_slice %arg2[%dma_start3A_47, %dma_start3A_48] : memref<10000x128xf32, #tpu.memory_space<hbm>> -> memref<10000x128xf32, #tpu.memory_space<hbm>>
      tpu.enqueue_indirect_dma source(%dma_start3A_49 : memref<10000x128xf32, #tpu.memory_space<hbm>>) target(%arg9 : memref<64x128xf32, #tpu.memory_space<vmem>>) offsets(%dma_start3A_46 : memref<64xi32, #tpu.memory_space<vmem>>) semaphore(%arg14 : memref<!tpu.dma_semaphore, #tpu.memory_space<semaphore_mem>>)
      %dma_start3A_50 = arith.constant 2 : i32
      %dma_start3A_51 = arith.constant 0 : i32
      %dma_start3A_52 = tpu.memref_slice %arg6[%dma_start3A_50, %dma_start3A_51] : memref<32x64xi32, #tpu.memory_space<vmem>> -> memref<1x64xi32, #tpu.memory_space<vmem>>
      %dma_start3A_53 = tpu.memref_squeeze %dma_start3A_52 : memref<1x64xi32, #tpu.memory_space<vmem>> -> memref<64xi32, #tpu.memory_space<vmem>>
      %dma_start3A_54 = arith.constant 0 : i32
      %dma_start3A_55 = arith.constant 0 : i32
      %dma_start3A_56 = tpu.memref_slice %arg2[%dma_start3A_54, %dma_start3A_55] : memref<10000x128xf32, #tpu.memory_space<hbm>> -> memref<10000x128xf32, #tpu.memory_space<hbm>>
      tpu.enqueue_indirect_dma source(%dma_start3A_56 : memref<10000x128xf32, #tpu.memory_space<hbm>>) target(%arg10 : memref<64x128xf32, #tpu.memory_space<vmem>>) offsets(%dma_start3A_53 : memref<64xi32, #tpu.memory_space<vmem>>) semaphore(%arg15 : memref<!tpu.dma_semaphore, #tpu.memory_space<semaphore_mem>>)
      %dma_start3A_57 = arith.constant 3 : i32
      %dma_start3A_58 = arith.constant 0 : i32
      %dma_start3A_59 = tpu.memref_slice %arg6[%dma_start3A_57, %dma_start3A_58] : memref<32x64xi32, #tpu.memory_space<vmem>> -> memref<1x64xi32, #tpu.memory_space<vmem>>
      %dma_start3A_60 = tpu.memref_squeeze %dma_start3A_59 : memref<1x64xi32, #tpu.memory_space<vmem>> -> memref<64xi32, #tpu.memory_space<vmem>>
      %dma_start3A_61 = arith.constant 0 : i32
      %dma_start3A_62 = arith.constant 0 : i32
      %dma_start3A_63 = tpu.memref_slice %arg2[%dma_start3A_61, %dma_start3A_62] : memref<10000x128xf32, #tpu.memory_space<hbm>> -> memref<10000x128xf32, #tpu.memory_space<hbm>>
      tpu.enqueue_indirect_dma source(%dma_start3A_63 : memref<10000x128xf32, #tpu.memory_space<hbm>>) target(%arg11 : memref<64x128xf32, #tpu.memory_space<vmem>>) offsets(%dma_start3A_60 : memref<64xi32, #tpu.memory_space<vmem>>) semaphore(%arg16 : memref<!tpu.dma_semaphore, #tpu.memory_space<semaphore_mem>>)
      %scan3A_64 = arith.constant 0 : i32
      %scan3A_65 = arith.constant 7 : i32
      %scan3A_66 = arith.addi %scan3A_64, %scan3A_65 : i32
      %scan3A_67 = arith.constant 1 : i32
      scf.for %scan3A_152 = %scan3A_64 to %scan3A_66 step %scan3A_67  : i32 {
        %mul3A_153 = arith.constant 4 : i32
        %mul3A_154 = arith.muli %scan3A_152, %mul3A_153 : i32
        %add3A_155 = arith.constant 0 : i32
        %add3A_156 = arith.addi %add3A_155, %mul3A_154 : i32
        %dma_wait3A_157 = arith.constant 0 : i32
        %dma_wait3A_158 = arith.constant 0 : i32
        %dma_wait3A_159 = tpu.memref_slice %arg6[%dma_wait3A_157, %dma_wait3A_158] : memref<32x64xi32, #tpu.memory_space<vmem>> -> memref<1x64xi32, #tpu.memory_space<vmem>>
        %dma_wait3A_160 = tpu.memref_squeeze %dma_wait3A_159 : memref<1x64xi32, #tpu.memory_space<vmem>> -> memref<64xi32, #tpu.memory_space<vmem>>
        %dma_wait3A_161 = arith.constant 0 : i32
        %dma_wait3A_162 = arith.constant 0 : i32
        %dma_wait3A_163 = tpu.memref_slice %arg2[%dma_wait3A_161, %dma_wait3A_162] : memref<10000x128xf32, #tpu.memory_space<hbm>> -> memref<10000x128xf32, #tpu.memory_space<hbm>>
        tpu.wait_indirect_dma semaphore(%arg13 : memref<!tpu.dma_semaphore, #tpu.memory_space<semaphore_mem>>) src(%dma_wait3A_163 : memref<10000x128xf32, #tpu.memory_space<hbm>>) dst(%arg8 : memref<64x128xf32, #tpu.memory_space<vmem>>)
        %add3A_164 = arith.constant 0 : i32
        %add3A_165 = arith.addi %add3A_156, %add3A_164 : i32
        %dma_start3A_166 = arith.constant 0 : i32
        %dma_start3A_167 = tpu.memref_slice %arg7[%add3A_165, %dma_start3A_166] : memref<32x64xi32, #tpu.memory_space<vmem>> -> memref<1x64xi32, #tpu.memory_space<vmem>>
        %dma_start3A_168 = tpu.memref_squeeze %dma_start3A_167 : memref<1x64xi32, #tpu.memory_space<vmem>> -> memref<64xi32, #tpu.memory_space<vmem>>
        %dma_start3A_169 = arith.constant 0 : i32
        %dma_start3A_170 = arith.constant 0 : i32
        %dma_start3A_171 = tpu.memref_slice %arg12[%dma_start3A_169, %dma_start3A_170] : memref<10112x128xf32, #tpu.memory_space<vmem_shared>> -> memref<10112x128xf32, #tpu.memory_space<vmem_shared>>
        tpu.enqueue_indirect_dma source(%arg8 : memref<64x128xf32, #tpu.memory_space<vmem>>) target(%dma_start3A_171 : memref<10112x128xf32, #tpu.memory_space<vmem_shared>>) offsets(%dma_start3A_168 : memref<64xi32, #tpu.memory_space<vmem>>) semaphore(%arg17 : memref<!tpu.dma_semaphore, #tpu.memory_space<semaphore_mem>>) {add = true}
        %dma_wait3A_172 = arith.constant 0 : i32
        %dma_wait3A_173 = arith.constant 0 : i32
        %dma_wait3A_174 = tpu.memref_slice %arg6[%dma_wait3A_172, %dma_wait3A_173] : memref<32x64xi32, #tpu.memory_space<vmem>> -> memref<1x64xi32, #tpu.memory_space<vmem>>
        %dma_wait3A_175 = tpu.memref_squeeze %dma_wait3A_174 : memref<1x64xi32, #tpu.memory_space<vmem>> -> memref<64xi32, #tpu.memory_space<vmem>>
        %dma_wait3A_176 = arith.constant 0 : i32
        %dma_wait3A_177 = arith.constant 0 : i32
        %dma_wait3A_178 = tpu.memref_slice %arg2[%dma_wait3A_176, %dma_wait3A_177] : memref<10000x128xf32, #tpu.memory_space<hbm>> -> memref<10000x128xf32, #tpu.memory_space<hbm>>
        tpu.wait_indirect_dma semaphore(%arg14 : memref<!tpu.dma_semaphore, #tpu.memory_space<semaphore_mem>>) src(%dma_wait3A_178 : memref<10000x128xf32, #tpu.memory_space<hbm>>) dst(%arg9 : memref<64x128xf32, #tpu.memory_space<vmem>>)
        %add3A_179 = arith.constant 1 : i32
        %add3A_180 = arith.addi %add3A_156, %add3A_179 : i32
        %dma_start3A_181 = arith.constant 0 : i32
        %dma_start3A_182 = tpu.memref_slice %arg7[%add3A_180, %dma_start3A_181] : memref<32x64xi32, #tpu.memory_space<vmem>> -> memref<1x64xi32, #tpu.memory_space<vmem>>
        %dma_start3A_183 = tpu.memref_squeeze %dma_start3A_182 : memref<1x64xi32, #tpu.memory_space<vmem>> -> memref<64xi32, #tpu.memory_space<vmem>>
        %dma_start3A_184 = arith.constant 0 : i32
        %dma_start3A_185 = arith.constant 0 : i32
        %dma_start3A_186 = tpu.memref_slice %arg12[%dma_start3A_184, %dma_start3A_185] : memref<10112x128xf32, #tpu.memory_space<vmem_shared>> -> memref<10112x128xf32, #tpu.memory_space<vmem_shared>>
        tpu.enqueue_indirect_dma source(%arg9 : memref<64x128xf32, #tpu.memory_space<vmem>>) target(%dma_start3A_186 : memref<10112x128xf32, #tpu.memory_space<vmem_shared>>) offsets(%dma_start3A_183 : memref<64xi32, #tpu.memory_space<vmem>>) semaphore(%arg18 : memref<!tpu.dma_semaphore, #tpu.memory_space<semaphore_mem>>) {add = true}
        %dma_wait3A_187 = arith.constant 0 : i32
        %dma_wait3A_188 = arith.constant 0 : i32
        %dma_wait3A_189 = tpu.memref_slice %arg6[%dma_wait3A_187, %dma_wait3A_188] : memref<32x64xi32, #tpu.memory_space<vmem>> -> memref<1x64xi32, #tpu.memory_space<vmem>>
        %dma_wait3A_190 = tpu.memref_squeeze %dma_wait3A_189 : memref<1x64xi32, #tpu.memory_space<vmem>> -> memref<64xi32, #tpu.memory_space<vmem>>
        %dma_wait3A_191 = arith.constant 0 : i32
        %dma_wait3A_192 = arith.constant 0 : i32
        %dma_wait3A_193 = tpu.memref_slice %arg2[%dma_wait3A_191, %dma_wait3A_192] : memref<10000x128xf32, #tpu.memory_space<hbm>> -> memref<10000x128xf32, #tpu.memory_space<hbm>>
        tpu.wait_indirect_dma semaphore(%arg15 : memref<!tpu.dma_semaphore, #tpu.memory_space<semaphore_mem>>) src(%dma_wait3A_193 : memref<10000x128xf32, #tpu.memory_space<hbm>>) dst(%arg10 : memref<64x128xf32, #tpu.memory_space<vmem>>)
        %add3A_194 = arith.constant 2 : i32
        %add3A_195 = arith.addi %add3A_156, %add3A_194 : i32
        %dma_start3A_196 = arith.constant 0 : i32
        %dma_start3A_197 = tpu.memref_slice %arg7[%add3A_195, %dma_start3A_196] : memref<32x64xi32, #tpu.memory_space<vmem>> -> memref<1x64xi32, #tpu.memory_space<vmem>>
        %dma_start3A_198 = tpu.memref_squeeze %dma_start3A_197 : memref<1x64xi32, #tpu.memory_space<vmem>> -> memref<64xi32, #tpu.memory_space<vmem>>
        %dma_start3A_199 = arith.constant 0 : i32
        %dma_start3A_200 = arith.constant 0 : i32
        %dma_start3A_201 = tpu.memref_slice %arg12[%dma_start3A_199, %dma_start3A_200] : memref<10112x128xf32, #tpu.memory_space<vmem_shared>> -> memref<10112x128xf32, #tpu.memory_space<vmem_shared>>
        tpu.enqueue_indirect_dma source(%arg10 : memref<64x128xf32, #tpu.memory_space<vmem>>) target(%dma_start3A_201 : memref<10112x128xf32, #tpu.memory_space<vmem_shared>>) offsets(%dma_start3A_198 : memref<64xi32, #tpu.memory_space<vmem>>) semaphore(%arg19 : memref<!tpu.dma_semaphore, #tpu.memory_space<semaphore_mem>>) {add = true}
        %dma_wait3A_202 = arith.constant 0 : i32
        %dma_wait3A_203 = arith.constant 0 : i32
        %dma_wait3A_204 = tpu.memref_slice %arg6[%dma_wait3A_202, %dma_wait3A_203] : memref<32x64xi32, #tpu.memory_space<vmem>> -> memref<1x64xi32, #tpu.memory_space<vmem>>
        %dma_wait3A_205 = tpu.memref_squeeze %dma_wait3A_204 : memref<1x64xi32, #tpu.memory_space<vmem>> -> memref<64xi32, #tpu.memory_space<vmem>>
        %dma_wait3A_206 = arith.constant 0 : i32
        %dma_wait3A_207 = arith.constant 0 : i32
        %dma_wait3A_208 = tpu.memref_slice %arg2[%dma_wait3A_206, %dma_wait3A_207] : memref<10000x128xf32, #tpu.memory_space<hbm>> -> memref<10000x128xf32, #tpu.memory_space<hbm>>
        tpu.wait_indirect_dma semaphore(%arg16 : memref<!tpu.dma_semaphore, #tpu.memory_space<semaphore_mem>>) src(%dma_wait3A_208 : memref<10000x128xf32, #tpu.memory_space<hbm>>) dst(%arg11 : memref<64x128xf32, #tpu.memory_space<vmem>>)
        %add3A_209 = arith.constant 3 : i32
        %add3A_210 = arith.addi %add3A_156, %add3A_209 : i32
        %dma_start3A_211 = arith.constant 0 : i32
        %dma_start3A_212 = tpu.memref_slice %arg7[%add3A_210, %dma_start3A_211] : memref<32x64xi32, #tpu.memory_space<vmem>> -> memref<1x64xi32, #tpu.memory_space<vmem>>
        %dma_start3A_213 = tpu.memref_squeeze %dma_start3A_212 : memref<1x64xi32, #tpu.memory_space<vmem>> -> memref<64xi32, #tpu.memory_space<vmem>>
        %dma_start3A_214 = arith.constant 0 : i32
        %dma_start3A_215 = arith.constant 0 : i32
        %dma_start3A_216 = tpu.memref_slice %arg12[%dma_start3A_214, %dma_start3A_215] : memref<10112x128xf32, #tpu.memory_space<vmem_shared>> -> memref<10112x128xf32, #tpu.memory_space<vmem_shared>>
        tpu.enqueue_indirect_dma source(%arg11 : memref<64x128xf32, #tpu.memory_space<vmem>>) target(%dma_start3A_216 : memref<10112x128xf32, #tpu.memory_space<vmem_shared>>) offsets(%dma_start3A_213 : memref<64xi32, #tpu.memory_space<vmem>>) semaphore(%arg20 : memref<!tpu.dma_semaphore, #tpu.memory_space<semaphore_mem>>) {add = true}
        %dma_wait3A_217 = arith.constant 0 : i32
        %dma_wait3A_218 = arith.constant 0 : i32
        %dma_wait3A_219 = tpu.memref_slice %arg7[%dma_wait3A_217, %dma_wait3A_218] : memref<32x64xi32, #tpu.memory_space<vmem>> -> memref<1x64xi32, #tpu.memory_space<vmem>>
        %dma_wait3A_220 = tpu.memref_squeeze %dma_wait3A_219 : memref<1x64xi32, #tpu.memory_space<vmem>> -> memref<64xi32, #tpu.memory_space<vmem>>
        %dma_wait3A_221 = arith.constant 0 : i32
        %dma_wait3A_222 = arith.constant 0 : i32
        %dma_wait3A_223 = tpu.memref_slice %arg12[%dma_wait3A_221, %dma_wait3A_222] : memref<10112x128xf32, #tpu.memory_space<vmem_shared>> -> memref<10112x128xf32, #tpu.memory_space<vmem_shared>>
        tpu.wait_indirect_dma semaphore(%arg17 : memref<!tpu.dma_semaphore, #tpu.memory_space<semaphore_mem>>) src(%arg8 : memref<64x128xf32, #tpu.memory_space<vmem>>) dst(%dma_wait3A_223 : memref<10112x128xf32, #tpu.memory_space<vmem_shared>>)
        %add3A_224 = arith.constant 4 : i32
        %add3A_225 = arith.addi %add3A_156, %add3A_224 : i32
        %add3A_226 = arith.constant 0 : i32
        %add3A_227 = arith.addi %add3A_225, %add3A_226 : i32
        %dma_start3A_228 = arith.constant 0 : i32
        %dma_start3A_229 = tpu.memref_slice %arg6[%add3A_227, %dma_start3A_228] : memref<32x64xi32, #tpu.memory_space<vmem>> -> memref<1x64xi32, #tpu.memory_space<vmem>>
        %dma_start3A_230 = tpu.memref_squeeze %dma_start3A_229 : memref<1x64xi32, #tpu.memory_space<vmem>> -> memref<64xi32, #tpu.memory_space<vmem>>
        %dma_start3A_231 = arith.constant 0 : i32
        %dma_start3A_232 = arith.constant 0 : i32
        %dma_start3A_233 = tpu.memref_slice %arg2[%dma_start3A_231, %dma_start3A_232] : memref<10000x128xf32, #tpu.memory_space<hbm>> -> memref<10000x128xf32, #tpu.memory_space<hbm>>
        tpu.enqueue_indirect_dma source(%dma_start3A_233 : memref<10000x128xf32, #tpu.memory_space<hbm>>) target(%arg8 : memref<64x128xf32, #tpu.memory_space<vmem>>) offsets(%dma_start3A_230 : memref<64xi32, #tpu.memory_space<vmem>>) semaphore(%arg13 : memref<!tpu.dma_semaphore, #tpu.memory_space<semaphore_mem>>)
        %dma_wait3A_234 = arith.constant 0 : i32
        %dma_wait3A_235 = arith.constant 0 : i32
        %dma_wait3A_236 = tpu.memref_slice %arg7[%dma_wait3A_234, %dma_wait3A_235] : memref<32x64xi32, #tpu.memory_space<vmem>> -> memref<1x64xi32, #tpu.memory_space<vmem>>
        %dma_wait3A_237 = tpu.memref_squeeze %dma_wait3A_236 : memref<1x64xi32, #tpu.memory_space<vmem>> -> memref<64xi32, #tpu.memory_space<vmem>>
        %dma_wait3A_238 = arith.constant 0 : i32
        %dma_wait3A_239 = arith.constant 0 : i32
        %dma_wait3A_240 = tpu.memref_slice %arg12[%dma_wait3A_238, %dma_wait3A_239] : memref<10112x128xf32, #tpu.memory_space<vmem_shared>> -> memref<10112x128xf32, #tpu.memory_space<vmem_shared>>
        tpu.wait_indirect_dma semaphore(%arg18 : memref<!tpu.dma_semaphore, #tpu.memory_space<semaphore_mem>>) src(%arg9 : memref<64x128xf32, #tpu.memory_space<vmem>>) dst(%dma_wait3A_240 : memref<10112x128xf32, #tpu.memory_space<vmem_shared>>)
        %add3A_241 = arith.constant 4 : i32
        %add3A_242 = arith.addi %add3A_156, %add3A_241 : i32
        %add3A_243 = arith.constant 1 : i32
        %add3A_244 = arith.addi %add3A_242, %add3A_243 : i32
        %dma_start3A_245 = arith.constant 0 : i32
        %dma_start3A_246 = tpu.memref_slice %arg6[%add3A_244, %dma_start3A_245] : memref<32x64xi32, #tpu.memory_space<vmem>> -> memref<1x64xi32, #tpu.memory_space<vmem>>
        %dma_start3A_247 = tpu.memref_squeeze %dma_start3A_246 : memref<1x64xi32, #tpu.memory_space<vmem>> -> memref<64xi32, #tpu.memory_space<vmem>>
        %dma_start3A_248 = arith.constant 0 : i32
        %dma_start3A_249 = arith.constant 0 : i32
        %dma_start3A_250 = tpu.memref_slice %arg2[%dma_start3A_248, %dma_start3A_249] : memref<10000x128xf32, #tpu.memory_space<hbm>> -> memref<10000x128xf32, #tpu.memory_space<hbm>>
        tpu.enqueue_indirect_dma source(%dma_start3A_250 : memref<10000x128xf32, #tpu.memory_space<hbm>>) target(%arg9 : memref<64x128xf32, #tpu.memory_space<vmem>>) offsets(%dma_start3A_247 : memref<64xi32, #tpu.memory_space<vmem>>) semaphore(%arg14 : memref<!tpu.dma_semaphore, #tpu.memory_space<semaphore_mem>>)
        %dma_wait3A_251 = arith.constant 0 : i32
        %dma_wait3A_252 = arith.constant 0 : i32
        %dma_wait3A_253 = tpu.memref_slice %arg7[%dma_wait3A_251, %dma_wait3A_252] : memref<32x64xi32, #tpu.memory_space<vmem>> -> memref<1x64xi32, #tpu.memory_space<vmem>>
        %dma_wait3A_254 = tpu.memref_squeeze %dma_wait3A_253 : memref<1x64xi32, #tpu.memory_space<vmem>> -> memref<64xi32, #tpu.memory_space<vmem>>
        %dma_wait3A_255 = arith.constant 0 : i32
        %dma_wait3A_256 = arith.constant 0 : i32
        %dma_wait3A_257 = tpu.memref_slice %arg12[%dma_wait3A_255, %dma_wait3A_256] : memref<10112x128xf32, #tpu.memory_space<vmem_shared>> -> memref<10112x128xf32, #tpu.memory_space<vmem_shared>>
        tpu.wait_indirect_dma semaphore(%arg19 : memref<!tpu.dma_semaphore, #tpu.memory_space<semaphore_mem>>) src(%arg10 : memref<64x128xf32, #tpu.memory_space<vmem>>) dst(%dma_wait3A_257 : memref<10112x128xf32, #tpu.memory_space<vmem_shared>>)
        %add3A_258 = arith.constant 4 : i32
        %add3A_259 = arith.addi %add3A_156, %add3A_258 : i32
        %add3A_260 = arith.constant 2 : i32
        %add3A_261 = arith.addi %add3A_259, %add3A_260 : i32
        %dma_start3A_262 = arith.constant 0 : i32
        %dma_start3A_263 = tpu.memref_slice %arg6[%add3A_261, %dma_start3A_262] : memref<32x64xi32, #tpu.memory_space<vmem>> -> memref<1x64xi32, #tpu.memory_space<vmem>>
        %dma_start3A_264 = tpu.memref_squeeze %dma_start3A_263 : memref<1x64xi32, #tpu.memory_space<vmem>> -> memref<64xi32, #tpu.memory_space<vmem>>
        %dma_start3A_265 = arith.constant 0 : i32
        %dma_start3A_266 = arith.constant 0 : i32
        %dma_start3A_267 = tpu.memref_slice %arg2[%dma_start3A_265, %dma_start3A_266] : memref<10000x128xf32, #tpu.memory_space<hbm>> -> memref<10000x128xf32, #tpu.memory_space<hbm>>
        tpu.enqueue_indirect_dma source(%dma_start3A_267 : memref<10000x128xf32, #tpu.memory_space<hbm>>) target(%arg10 : memref<64x128xf32, #tpu.memory_space<vmem>>) offsets(%dma_start3A_264 : memref<64xi32, #tpu.memory_space<vmem>>) semaphore(%arg15 : memref<!tpu.dma_semaphore, #tpu.memory_space<semaphore_mem>>)
        %dma_wait3A_268 = arith.constant 0 : i32
        %dma_wait3A_269 = arith.constant 0 : i32
        %dma_wait3A_270 = tpu.memref_slice %arg7[%dma_wait3A_268, %dma_wait3A_269] : memref<32x64xi32, #tpu.memory_space<vmem>> -> memref<1x64xi32, #tpu.memory_space<vmem>>
        %dma_wait3A_271 = tpu.memref_squeeze %dma_wait3A_270 : memref<1x64xi32, #tpu.memory_space<vmem>> -> memref<64xi32, #tpu.memory_space<vmem>>
        %dma_wait3A_272 = arith.constant 0 : i32
        %dma_wait3A_273 = arith.constant 0 : i32
        %dma_wait3A_274 = tpu.memref_slice %arg12[%dma_wait3A_272, %dma_wait3A_273] : memref<10112x128xf32, #tpu.memory_space<vmem_shared>> -> memref<10112x128xf32, #tpu.memory_space<vmem_shared>>
        tpu.wait_indirect_dma semaphore(%arg20 : memref<!tpu.dma_semaphore, #tpu.memory_space<semaphore_mem>>) src(%arg11 : memref<64x128xf32, #tpu.memory_space<vmem>>) dst(%dma_wait3A_274 : memref<10112x128xf32, #tpu.memory_space<vmem_shared>>)
        %add3A_275 = arith.constant 4 : i32
        %add3A_276 = arith.addi %add3A_156, %add3A_275 : i32
        %add3A_277 = arith.constant 3 : i32
        %add3A_278 = arith.addi %add3A_276, %add3A_277 : i32
        %dma_start3A_279 = arith.constant 0 : i32
        %dma_start3A_280 = tpu.memref_slice %arg6[%add3A_278, %dma_start3A_279] : memref<32x64xi32, #tpu.memory_space<vmem>> -> memref<1x64xi32, #tpu.memory_space<vmem>>
        %dma_start3A_281 = tpu.memref_squeeze %dma_start3A_280 : memref<1x64xi32, #tpu.memory_space<vmem>> -> memref<64xi32, #tpu.memory_space<vmem>>
        %dma_start3A_282 = arith.constant 0 : i32
        %dma_start3A_283 = arith.constant 0 : i32
        %dma_start3A_284 = tpu.memref_slice %arg2[%dma_start3A_282, %dma_start3A_283] : memref<10000x128xf32, #tpu.memory_space<hbm>> -> memref<10000x128xf32, #tpu.memory_space<hbm>>
        tpu.enqueue_indirect_dma source(%dma_start3A_284 : memref<10000x128xf32, #tpu.memory_space<hbm>>) target(%arg11 : memref<64x128xf32, #tpu.memory_space<vmem>>) offsets(%dma_start3A_281 : memref<64xi32, #tpu.memory_space<vmem>>) semaphore(%arg16 : memref<!tpu.dma_semaphore, #tpu.memory_space<semaphore_mem>>)
      }
      %scan3A_68 = arith.constant 7 : i32
      %dma_wait3A = arith.constant 0 : i32
      %dma_wait3A_69 = arith.constant 0 : i32
      %dma_wait3A_70 = tpu.memref_slice %arg6[%dma_wait3A, %dma_wait3A_69] : memref<32x64xi32, #tpu.memory_space<vmem>> -> memref<1x64xi32, #tpu.memory_space<vmem>>
      %dma_wait3A_71 = tpu.memref_squeeze %dma_wait3A_70 : memref<1x64xi32, #tpu.memory_space<vmem>> -> memref<64xi32, #tpu.memory_space<vmem>>
      %dma_wait3A_72 = arith.constant 0 : i32
      %dma_wait3A_73 = arith.constant 0 : i32
      %dma_wait3A_74 = tpu.memref_slice %arg2[%dma_wait3A_72, %dma_wait3A_73] : memref<10000x128xf32, #tpu.memory_space<hbm>> -> memref<10000x128xf32, #tpu.memory_space<hbm>>
      tpu.wait_indirect_dma semaphore(%arg13 : memref<!tpu.dma_semaphore, #tpu.memory_space<semaphore_mem>>) src(%dma_wait3A_74 : memref<10000x128xf32, #tpu.memory_space<hbm>>) dst(%arg8 : memref<64x128xf32, #tpu.memory_space<vmem>>)
      %dma_start3A_75 = arith.constant 28 : i32
      %dma_start3A_76 = arith.constant 0 : i32
      %dma_start3A_77 = tpu.memref_slice %arg7[%dma_start3A_75, %dma_start3A_76] : memref<32x64xi32, #tpu.memory_space<vmem>> -> memref<1x64xi32, #tpu.memory_space<vmem>>
      %dma_start3A_78 = tpu.memref_squeeze %dma_start3A_77 : memref<1x64xi32, #tpu.memory_space<vmem>> -> memref<64xi32, #tpu.memory_space<vmem>>
      %dma_start3A_79 = arith.constant 0 : i32
      %dma_start3A_80 = arith.constant 0 : i32
      %dma_start3A_81 = tpu.memref_slice %arg12[%dma_start3A_79, %dma_start3A_80] : memref<10112x128xf32, #tpu.memory_space<vmem_shared>> -> memref<10112x128xf32, #tpu.memory_space<vmem_shared>>
      tpu.enqueue_indirect_dma source(%arg8 : memref<64x128xf32, #tpu.memory_space<vmem>>) target(%dma_start3A_81 : memref<10112x128xf32, #tpu.memory_space<vmem_shared>>) offsets(%dma_start3A_78 : memref<64xi32, #tpu.memory_space<vmem>>) semaphore(%arg17 : memref<!tpu.dma_semaphore, #tpu.memory_space<semaphore_mem>>) {add = true}
      %dma_wait3A_82 = arith.constant 0 : i32
      %dma_wait3A_83 = arith.constant 0 : i32
      %dma_wait3A_84 = tpu.memref_slice %arg6[%dma_wait3A_82, %dma_wait3A_83] : memref<32x64xi32, #tpu.memory_space<vmem>> -> memref<1x64xi32, #tpu.memory_space<vmem>>
      %dma_wait3A_85 = tpu.memref_squeeze %dma_wait3A_84 : memref<1x64xi32, #tpu.memory_space<vmem>> -> memref<64xi32, #tpu.memory_space<vmem>>
      %dma_wait3A_86 = arith.constant 0 : i32
      %dma_wait3A_87 = arith.constant 0 : i32
      %dma_wait3A_88 = tpu.memref_slice %arg2[%dma_wait3A_86, %dma_wait3A_87] : memref<10000x128xf32, #tpu.memory_space<hbm>> -> memref<10000x128xf32, #tpu.memory_space<hbm>>
      tpu.wait_indirect_dma semaphore(%arg14 : memref<!tpu.dma_semaphore, #tpu.memory_space<semaphore_mem>>) src(%dma_wait3A_88 : memref<10000x128xf32, #tpu.memory_space<hbm>>) dst(%arg9 : memref<64x128xf32, #tpu.memory_space<vmem>>)
      %dma_start3A_89 = arith.constant 29 : i32
      %dma_start3A_90 = arith.constant 0 : i32
      %dma_start3A_91 = tpu.memref_slice %arg7[%dma_start3A_89, %dma_start3A_90] : memref<32x64xi32, #tpu.memory_space<vmem>> -> memref<1x64xi32, #tpu.memory_space<vmem>>
      %dma_start3A_92 = tpu.memref_squeeze %dma_start3A_91 : memref<1x64xi32, #tpu.memory_space<vmem>> -> memref<64xi32, #tpu.memory_space<vmem>>
      %dma_start3A_93 = arith.constant 0 : i32
      %dma_start3A_94 = arith.constant 0 : i32
      %dma_start3A_95 = tpu.memref_slice %arg12[%dma_start3A_93, %dma_start3A_94] : memref<10112x128xf32, #tpu.memory_space<vmem_shared>> -> memref<10112x128xf32, #tpu.memory_space<vmem_shared>>
      tpu.enqueue_indirect_dma source(%arg9 : memref<64x128xf32, #tpu.memory_space<vmem>>) target(%dma_start3A_95 : memref<10112x128xf32, #tpu.memory_space<vmem_shared>>) offsets(%dma_start3A_92 : memref<64xi32, #tpu.memory_space<vmem>>) semaphore(%arg18 : memref<!tpu.dma_semaphore, #tpu.memory_space<semaphore_mem>>) {add = true}
      %dma_wait3A_96 = arith.constant 0 : i32
      %dma_wait3A_97 = arith.constant 0 : i32
      %dma_wait3A_98 = tpu.memref_slice %arg6[%dma_wait3A_96, %dma_wait3A_97] : memref<32x64xi32, #tpu.memory_space<vmem>> -> memref<1x64xi32, #tpu.memory_space<vmem>>
      %dma_wait3A_99 = tpu.memref_squeeze %dma_wait3A_98 : memref<1x64xi32, #tpu.memory_space<vmem>> -> memref<64xi32, #tpu.memory_space<vmem>>
      %dma_wait3A_100 = arith.constant 0 : i32
      %dma_wait3A_101 = arith.constant 0 : i32
      %dma_wait3A_102 = tpu.memref_slice %arg2[%dma_wait3A_100, %dma_wait3A_101] : memref<10000x128xf32, #tpu.memory_space<hbm>> -> memref<10000x128xf32, #tpu.memory_space<hbm>>
      tpu.wait_indirect_dma semaphore(%arg15 : memref<!tpu.dma_semaphore, #tpu.memory_space<semaphore_mem>>) src(%dma_wait3A_102 : memref<10000x128xf32, #tpu.memory_space<hbm>>) dst(%arg10 : memref<64x128xf32, #tpu.memory_space<vmem>>)
      %dma_start3A_103 = arith.constant 30 : i32
      %dma_start3A_104 = arith.constant 0 : i32
      %dma_start3A_105 = tpu.memref_slice %arg7[%dma_start3A_103, %dma_start3A_104] : memref<32x64xi32, #tpu.memory_space<vmem>> -> memref<1x64xi32, #tpu.memory_space<vmem>>
      %dma_start3A_106 = tpu.memref_squeeze %dma_start3A_105 : memref<1x64xi32, #tpu.memory_space<vmem>> -> memref<64xi32, #tpu.memory_space<vmem>>
      %dma_start3A_107 = arith.constant 0 : i32
      %dma_start3A_108 = arith.constant 0 : i32
      %dma_start3A_109 = tpu.memref_slice %arg12[%dma_start3A_107, %dma_start3A_108] : memref<10112x128xf32, #tpu.memory_space<vmem_shared>> -> memref<10112x128xf32, #tpu.memory_space<vmem_shared>>
      tpu.enqueue_indirect_dma source(%arg10 : memref<64x128xf32, #tpu.memory_space<vmem>>) target(%dma_start3A_109 : memref<10112x128xf32, #tpu.memory_space<vmem_shared>>) offsets(%dma_start3A_106 : memref<64xi32, #tpu.memory_space<vmem>>) semaphore(%arg19 : memref<!tpu.dma_semaphore, #tpu.memory_space<semaphore_mem>>) {add = true}
      %dma_wait3A_110 = arith.constant 0 : i32
      %dma_wait3A_111 = arith.constant 0 : i32
      %dma_wait3A_112 = tpu.memref_slice %arg6[%dma_wait3A_110, %dma_wait3A_111] : memref<32x64xi32, #tpu.memory_space<vmem>> -> memref<1x64xi32, #tpu.memory_space<vmem>>
      %dma_wait3A_113 = tpu.memref_squeeze %dma_wait3A_112 : memref<1x64xi32, #tpu.memory_space<vmem>> -> memref<64xi32, #tpu.memory_space<vmem>>
      %dma_wait3A_114 = arith.constant 0 : i32
      %dma_wait3A_115 = arith.constant 0 : i32
      %dma_wait3A_116 = tpu.memref_slice %arg2[%dma_wait3A_114, %dma_wait3A_115] : memref<10000x128xf32, #tpu.memory_space<hbm>> -> memref<10000x128xf32, #tpu.memory_space<hbm>>
      tpu.wait_indirect_dma semaphore(%arg16 : memref<!tpu.dma_semaphore, #tpu.memory_space<semaphore_mem>>) src(%dma_wait3A_116 : memref<10000x128xf32, #tpu.memory_space<hbm>>) dst(%arg11 : memref<64x128xf32, #tpu.memory_space<vmem>>)
      %dma_start3A_117 = arith.constant 31 : i32
      %dma_start3A_118 = arith.constant 0 : i32
      %dma_start3A_119 = tpu.memref_slice %arg7[%dma_start3A_117, %dma_start3A_118] : memref<32x64xi32, #tpu.memory_space<vmem>> -> memref<1x64xi32, #tpu.memory_space<vmem>>
      %dma_start3A_120 = tpu.memref_squeeze %dma_start3A_119 : memref<1x64xi32, #tpu.memory_space<vmem>> -> memref<64xi32, #tpu.memory_space<vmem>>
      %dma_start3A_121 = arith.constant 0 : i32
      %dma_start3A_122 = arith.constant 0 : i32
      %dma_start3A_123 = tpu.memref_slice %arg12[%dma_start3A_121, %dma_start3A_122] : memref<10112x128xf32, #tpu.memory_space<vmem_shared>> -> memref<10112x128xf32, #tpu.memory_space<vmem_shared>>
      tpu.enqueue_indirect_dma source(%arg11 : memref<64x128xf32, #tpu.memory_space<vmem>>) target(%dma_start3A_123 : memref<10112x128xf32, #tpu.memory_space<vmem_shared>>) offsets(%dma_start3A_120 : memref<64xi32, #tpu.memory_space<vmem>>) semaphore(%arg20 : memref<!tpu.dma_semaphore, #tpu.memory_space<semaphore_mem>>) {add = true}
      %dma_wait3A_124 = arith.constant 0 : i32
      %dma_wait3A_125 = arith.constant 0 : i32
      %dma_wait3A_126 = tpu.memref_slice %arg7[%dma_wait3A_124, %dma_wait3A_125] : memref<32x64xi32, #tpu.memory_space<vmem>> -> memref<1x64xi32, #tpu.memory_space<vmem>>
      %dma_wait3A_127 = tpu.memref_squeeze %dma_wait3A_126 : memref<1x64xi32, #tpu.memory_space<vmem>> -> memref<64xi32, #tpu.memory_space<vmem>>
      %dma_wait3A_128 = arith.constant 0 : i32
      %dma_wait3A_129 = arith.constant 0 : i32
      %dma_wait3A_130 = tpu.memref_slice %arg12[%dma_wait3A_128, %dma_wait3A_129] : memref<10112x128xf32, #tpu.memory_space<vmem_shared>> -> memref<10112x128xf32, #tpu.memory_space<vmem_shared>>
      tpu.wait_indirect_dma semaphore(%arg17 : memref<!tpu.dma_semaphore, #tpu.memory_space<semaphore_mem>>) src(%arg8 : memref<64x128xf32, #tpu.memory_space<vmem>>) dst(%dma_wait3A_130 : memref<10112x128xf32, #tpu.memory_space<vmem_shared>>)
      %dma_wait3A_131 = arith.constant 0 : i32
      %dma_wait3A_132 = arith.constant 0 : i32
      %dma_wait3A_133 = tpu.memref_slice %arg7[%dma_wait3A_131, %dma_wait3A_132] : memref<32x64xi32, #tpu.memory_space<vmem>> -> memref<1x64xi32, #tpu.memory_space<vmem>>
      %dma_wait3A_134 = tpu.memref_squeeze %dma_wait3A_133 : memref<1x64xi32, #tpu.memory_space<vmem>> -> memref<64xi32, #tpu.memory_space<vmem>>
      %dma_wait3A_135 = arith.constant 0 : i32
      %dma_wait3A_136 = arith.constant 0 : i32
      %dma_wait3A_137 = tpu.memref_slice %arg12[%dma_wait3A_135, %dma_wait3A_136] : memref<10112x128xf32, #tpu.memory_space<vmem_shared>> -> memref<10112x128xf32, #tpu.memory_space<vmem_shared>>
      tpu.wait_indirect_dma semaphore(%arg18 : memref<!tpu.dma_semaphore, #tpu.memory_space<semaphore_mem>>) src(%arg9 : memref<64x128xf32, #tpu.memory_space<vmem>>) dst(%dma_wait3A_137 : memref<10112x128xf32, #tpu.memory_space<vmem_shared>>)
      %dma_wait3A_138 = arith.constant 0 : i32
      %dma_wait3A_139 = arith.constant 0 : i32
      %dma_wait3A_140 = tpu.memref_slice %arg7[%dma_wait3A_138, %dma_wait3A_139] : memref<32x64xi32, #tpu.memory_space<vmem>> -> memref<1x64xi32, #tpu.memory_space<vmem>>
      %dma_wait3A_141 = tpu.memref_squeeze %dma_wait3A_140 : memref<1x64xi32, #tpu.memory_space<vmem>> -> memref<64xi32, #tpu.memory_space<vmem>>
      %dma_wait3A_142 = arith.constant 0 : i32
      %dma_wait3A_143 = arith.constant 0 : i32
      %dma_wait3A_144 = tpu.memref_slice %arg12[%dma_wait3A_142, %dma_wait3A_143] : memref<10112x128xf32, #tpu.memory_space<vmem_shared>> -> memref<10112x128xf32, #tpu.memory_space<vmem_shared>>
      tpu.wait_indirect_dma semaphore(%arg19 : memref<!tpu.dma_semaphore, #tpu.memory_space<semaphore_mem>>) src(%arg10 : memref<64x128xf32, #tpu.memory_space<vmem>>) dst(%dma_wait3A_144 : memref<10112x128xf32, #tpu.memory_space<vmem_shared>>)
      %dma_wait3A_145 = arith.constant 0 : i32
      %dma_wait3A_146 = arith.constant 0 : i32
      %dma_wait3A_147 = tpu.memref_slice %arg7[%dma_wait3A_145, %dma_wait3A_146] : memref<32x64xi32, #tpu.memory_space<vmem>> -> memref<1x64xi32, #tpu.memory_space<vmem>>
      %dma_wait3A_148 = tpu.memref_squeeze %dma_wait3A_147 : memref<1x64xi32, #tpu.memory_space<vmem>> -> memref<64xi32, #tpu.memory_space<vmem>>
      %dma_wait3A_149 = arith.constant 0 : i32
      %dma_wait3A_150 = arith.constant 0 : i32
      %dma_wait3A_151 = tpu.memref_slice %arg12[%dma_wait3A_149, %dma_wait3A_150] : memref<10112x128xf32, #tpu.memory_space<vmem_shared>> -> memref<10112x128xf32, #tpu.memory_space<vmem_shared>>
      tpu.wait_indirect_dma semaphore(%arg20 : memref<!tpu.dma_semaphore, #tpu.memory_space<semaphore_mem>>) src(%arg11 : memref<64x128xf32, #tpu.memory_space<vmem>>) dst(%dma_wait3A_151 : memref<10112x128xf32, #tpu.memory_space<vmem_shared>>)
    }
    %scan3A_20 = arith.constant 5 : i32
    %barrier3A_21 = arith.constant 0 : index
    tpu.barrier barrier_id(%barrier3A_21)
    %mul3A_22 = arith.constant 632 : i32
    %mul3A_23 = arith.muli %arg1, %mul3A_22 : i32
    %mul3A_24 = arith.constant 632 : i32
    %mul3A_25 = arith.muli %arg1, %mul3A_24 : i32
    "tpu.region"() ({
      %run_scoped3A = tpu.sem_alloc : memref<!tpu.dma_semaphore, #tpu.memory_space<semaphore_mem>>
      %dma_start3A = arith.constant 0 : i32
      %dma_start3A_26 = tpu.memref_slice %arg5[%arg0, %mul3A_25, %dma_start3A] : memref<2x10112x128xf32, #tpu.memory_space<hbm>> -> memref<1x632x128xf32, #tpu.memory_space<hbm>>
      %dma_start3A_27 = tpu.memref_squeeze %dma_start3A_26 : memref<1x632x128xf32, #tpu.memory_space<hbm>> -> memref<632x128xf32, #tpu.memory_space<hbm>>
      %dma_start3A_28 = arith.constant 0 : i32
      %dma_start3A_29 = tpu.memref_slice %arg12[%mul3A_23, %dma_start3A_28] : memref<10112x128xf32, #tpu.memory_space<vmem_shared>> -> memref<632x128xf32, #tpu.memory_space<vmem_shared>>
      tpu.enqueue_dma source(%dma_start3A_29 : memref<632x128xf32, #tpu.memory_space<vmem_shared>>) target(%dma_start3A_27 : memref<632x128xf32, #tpu.memory_space<hbm>>) target_semaphore(%run_scoped3A : memref<!tpu.dma_semaphore, #tpu.memory_space<semaphore_mem>>)
      %dma_wait3A = arith.constant 0 : i32
      %dma_wait3A_30 = tpu.memref_slice %arg5[%arg0, %mul3A_25, %dma_wait3A] : memref<2x10112x128xf32, #tpu.memory_space<hbm>> -> memref<1x632x128xf32, #tpu.memory_space<hbm>>
      %dma_wait3A_31 = tpu.memref_squeeze %dma_wait3A_30 : memref<1x632x128xf32, #tpu.memory_space<hbm>> -> memref<632x128xf32, #tpu.memory_space<hbm>>
      %dma_wait3A_32 = arith.constant 0 : i32
      %dma_wait3A_33 = tpu.memref_slice %arg12[%mul3A_23, %dma_wait3A_32] : memref<10112x128xf32, #tpu.memory_space<vmem_shared>> -> memref<632x128xf32, #tpu.memory_space<vmem_shared>>
      tpu.wait_dma2 semaphore(%run_scoped3A : memref<!tpu.dma_semaphore, #tpu.memory_space<semaphore_mem>>) src(%dma_wait3A_33 : memref<632x128xf32, #tpu.memory_space<vmem_shared>>) dst(%dma_wait3A_31 : memref<632x128xf32, #tpu.memory_space<hbm>>)
      tpu.yield
    }) : () -> ()
    return
  }
}

#map = affine_map<(d0, d1) -> (0)>
module attributes {stable_mosaic.version = 14 : i64} {
  func.func @_deg_kernel(%arg0: i32, %arg1: i32, %arg2: memref<640000xi32, #tpu.memory_space<hbm>>, %arg3: memref<10240xf32, #tpu.memory_space<hbm>>, %arg4: memref<20000xi32, #tpu.memory_space<vmem>>, %arg5: memref<10240xf32, #tpu.memory_space<vmem>>, %arg6: memref<640xf32, #tpu.memory_space<vmem>>, %arg7: memref<640xf32, #tpu.memory_space<vmem>>, %arg8: memref<16x10240xf32, #tpu.memory_space<vmem_shared>>) attributes {dimension_semantics = [#tpu.dimension_semantics<core_parallel>, #tpu.dimension_semantics<subcore_parallel>], iteration_bounds = array<i64: 2, 16>, scalar_prefetch = 0 : i64, scratch_operands = 5 : i64, tpu.core_type = #tpu.core_type<sc_vector_subcore>, window_params = [{transform_indices = #map}, {transform_indices = #map}]} {
    %eq3A = arith.constant 0 : i32
    %eq3A_0 = arith.cmpi eq, %arg0, %eq3A : i32
    %convert_element_type3A = arith.extui %eq3A_0 : i1 to i32
    %cond3A = arith.constant 0 : i32
    %cond3A_1 = arith.cmpi ne, %convert_element_type3A, %cond3A : i32
    scf.if %cond3A_1 {
      %broadcast_in_dim3A = arith.constant 0.000000e+00 : f32
      %broadcast_in_dim3A_7 = vector.broadcast %broadcast_in_dim3A : f32 to vector<16xf32>
      %scan3A = arith.constant 0 : i32
      %scan3A_8 = arith.constant 640 : i32
      %scan3A_9 = arith.addi %scan3A, %scan3A_8 : i32
      %scan3A_10 = arith.constant 1 : i32
      scf.for %scan3A_21 = %scan3A to %scan3A_9 step %scan3A_10  : i32 {
        %mul3A_22 = arith.constant 16 : i32
        %mul3A_23 = arith.muli %scan3A_21, %mul3A_22 : i32
        %add3A_24 = arith.constant 0 : i32
        %add3A_25 = arith.addi %add3A_24, %mul3A_23 : i32
        %swap3A = arith.index_cast %add3A_25 : i32 to index
        %swap3A_26 = tpu.vector_load %arg5[%swap3A] {strides = array<i32>} : memref<10240xf32, #tpu.memory_space<vmem>>, vector<16xf32>,
        tpu.vector_store %arg5[%swap3A], %broadcast_in_dim3A_7 {strides = array<i32>} : memref<10240xf32, #tpu.memory_space<vmem>>, vector<16xf32>,
      }
      %scan3A_11 = arith.constant 640 : i32
      %mul3A = arith.constant 20000 : i32
      %mul3A_12 = arith.muli %arg1, %mul3A : i32
      %add3A = arith.constant 320000 : i32
      %add3A_13 = arith.addi %add3A, %mul3A_12 : i32
      "tpu.region"() ({
        %run_scoped3A = tpu.sem_alloc : memref<!tpu.dma_semaphore, #tpu.memory_space<semaphore_mem>>
        %dma_start3A = tpu.memref_slice %arg2[%add3A_13] : memref<640000xi32, #tpu.memory_space<hbm>> -> memref<20000xi32, #tpu.memory_space<hbm>>
        %dma_start3A_21 = tpu.memref_slice %arg2[%add3A_13] : memref<640000xi32, #tpu.memory_space<hbm>> -> memref<20000xi32, #tpu.memory_space<hbm>>
        tpu.enqueue_dma source(%dma_start3A_21 : memref<20000xi32, #tpu.memory_space<hbm>>) target(%arg4 : memref<20000xi32, #tpu.memory_space<vmem>>) target_semaphore(%run_scoped3A : memref<!tpu.dma_semaphore, #tpu.memory_space<semaphore_mem>>)
        %dma_wait3A = tpu.memref_slice %arg2[%add3A_13] : memref<640000xi32, #tpu.memory_space<hbm>> -> memref<20000xi32, #tpu.memory_space<hbm>>
        %dma_wait3A_22 = tpu.memref_slice %arg2[%add3A_13] : memref<640000xi32, #tpu.memory_space<hbm>> -> memref<20000xi32, #tpu.memory_space<hbm>>
        tpu.wait_dma2 semaphore(%run_scoped3A : memref<!tpu.dma_semaphore, #tpu.memory_space<semaphore_mem>>) src(%dma_wait3A_22 : memref<20000xi32, #tpu.memory_space<hbm>>) dst(%arg4 : memref<20000xi32, #tpu.memory_space<vmem>>)
        tpu.yield
      }) : () -> ()
      %broadcast_in_dim3A_14 = arith.constant 1.000000e+00 : f32
      %broadcast_in_dim3A_15 = vector.broadcast %broadcast_in_dim3A_14 : f32 to vector<16xf32>
      %scan3A_16 = arith.constant 0 : i32
      %scan3A_17 = arith.constant 1250 : i32
      %scan3A_18 = arith.addi %scan3A_16, %scan3A_17 : i32
      %scan3A_19 = arith.constant 1 : i32
      scf.for %scan3A_21 = %scan3A_16 to %scan3A_18 step %scan3A_19  : i32 {
        %mul3A_22 = arith.constant 16 : i32
        %mul3A_23 = arith.muli %scan3A_21, %mul3A_22 : i32
        %add3A_24 = arith.constant 0 : i32
        %add3A_25 = arith.addi %add3A_24, %mul3A_23 : i32
        %get3A = arith.index_cast %add3A_25 : i32 to index
        %get3A_26 = tpu.vector_load %arg4[%get3A] {strides = array<i32>} : memref<20000xi32, #tpu.memory_space<vmem>>, vector<16xi32>,
        tpu.vector_store_idx %arg5[%get3A_26], %broadcast_in_dim3A_15 {add = true} : memref<10240xf32, #tpu.memory_space<vmem>>[vector<16xi32>], vector<16xf32>,
      }
      %scan3A_20 = arith.constant 1250 : i32
      "tpu.region"() ({
        %run_scoped3A = tpu.sem_alloc : memref<!tpu.dma_semaphore, #tpu.memory_space<semaphore_mem>>
        %dma_start3A = arith.constant 0 : i32
        %dma_start3A_21 = tpu.memref_slice %arg8[%arg1, %dma_start3A] : memref<16x10240xf32, #tpu.memory_space<vmem_shared>> -> memref<1x10240xf32, #tpu.memory_space<vmem_shared>>
        %dma_start3A_22 = tpu.memref_squeeze %dma_start3A_21 : memref<1x10240xf32, #tpu.memory_space<vmem_shared>> -> memref<10240xf32, #tpu.memory_space<vmem_shared>>
        %dma_start3A_23 = arith.constant 0 : i32
        %dma_start3A_24 = tpu.memref_slice %arg8[%arg1, %dma_start3A_23] : memref<16x10240xf32, #tpu.memory_space<vmem_shared>> -> memref<1x10240xf32, #tpu.memory_space<vmem_shared>>
        %dma_start3A_25 = tpu.memref_squeeze %dma_start3A_24 : memref<1x10240xf32, #tpu.memory_space<vmem_shared>> -> memref<10240xf32, #tpu.memory_space<vmem_shared>>
        tpu.enqueue_dma source(%arg5 : memref<10240xf32, #tpu.memory_space<vmem>>) target(%dma_start3A_25 : memref<10240xf32, #tpu.memory_space<vmem_shared>>) target_semaphore(%run_scoped3A : memref<!tpu.dma_semaphore, #tpu.memory_space<semaphore_mem>>)
        %dma_wait3A = arith.constant 0 : i32
        %dma_wait3A_26 = tpu.memref_slice %arg8[%arg1, %dma_wait3A] : memref<16x10240xf32, #tpu.memory_space<vmem_shared>> -> memref<1x10240xf32, #tpu.memory_space<vmem_shared>>
        %dma_wait3A_27 = tpu.memref_squeeze %dma_wait3A_26 : memref<1x10240xf32, #tpu.memory_space<vmem_shared>> -> memref<10240xf32, #tpu.memory_space<vmem_shared>>
        %dma_wait3A_28 = arith.constant 0 : i32
        %dma_wait3A_29 = tpu.memref_slice %arg8[%arg1, %dma_wait3A_28] : memref<16x10240xf32, #tpu.memory_space<vmem_shared>> -> memref<1x10240xf32, #tpu.memory_space<vmem_shared>>
        %dma_wait3A_30 = tpu.memref_squeeze %dma_wait3A_29 : memref<1x10240xf32, #tpu.memory_space<vmem_shared>> -> memref<10240xf32, #tpu.memory_space<vmem_shared>>
        tpu.wait_dma2 semaphore(%run_scoped3A : memref<!tpu.dma_semaphore, #tpu.memory_space<semaphore_mem>>) src(%arg5 : memref<10240xf32, #tpu.memory_space<vmem>>) dst(%dma_wait3A_30 : memref<10240xf32, #tpu.memory_space<vmem_shared>>)
        tpu.yield
      }) : () -> ()
    } else {
    }
    %barrier3A = arith.constant 0 : index
    tpu.barrier barrier_id(%barrier3A)
    %eq3A_2 = arith.constant 0 : i32
    %eq3A_3 = arith.cmpi eq, %arg0, %eq3A_2 : i32
    %convert_element_type3A_4 = arith.extui %eq3A_3 : i1 to i32
    %cond3A_5 = arith.constant 0 : i32
    %cond3A_6 = arith.cmpi ne, %convert_element_type3A_4, %cond3A_5 : i32
    scf.if %cond3A_6 {
      %broadcast_in_dim3A = arith.constant 1.000000e+00 : f32
      %broadcast_in_dim3A_7 = vector.broadcast %broadcast_in_dim3A : f32 to vector<16xf32>
      %scan3A = arith.constant 0 : i32
      %scan3A_8 = arith.constant 40 : i32
      %scan3A_9 = arith.addi %scan3A, %scan3A_8 : i32
      %scan3A_10 = arith.constant 1 : i32
      scf.for %scan3A_18 = %scan3A to %scan3A_9 step %scan3A_10  : i32 {
        %mul3A_19 = arith.constant 16 : i32
        %mul3A_20 = arith.muli %scan3A_18, %mul3A_19 : i32
        %add3A = arith.constant 0 : i32
        %add3A_21 = arith.addi %add3A, %mul3A_20 : i32
        %swap3A = arith.index_cast %add3A_21 : i32 to index
        %swap3A_22 = tpu.vector_load %arg7[%swap3A] {strides = array<i32>} : memref<640xf32, #tpu.memory_space<vmem>>, vector<16xf32>,
        tpu.vector_store %arg7[%swap3A], %broadcast_in_dim3A_7 {strides = array<i32>} : memref<640xf32, #tpu.memory_space<vmem>>, vector<16xf32>,
      }
      %scan3A_11 = arith.constant 40 : i32
      %scan3A_12 = arith.constant 0 : i32
      %scan3A_13 = arith.constant 16 : i32
      %scan3A_14 = arith.addi %scan3A_12, %scan3A_13 : i32
      %scan3A_15 = arith.constant 1 : i32
      scf.for %scan3A_18 = %scan3A_12 to %scan3A_14 step %scan3A_15  : i32 {
        %mul3A_19 = arith.constant 1 : i32
        %mul3A_20 = arith.muli %scan3A_18, %mul3A_19 : i32
        %add3A = arith.constant 0 : i32
        %add3A_21 = arith.addi %add3A, %mul3A_20 : i32
        %mul3A_22 = arith.constant 640 : i32
        %mul3A_23 = arith.muli %arg1, %mul3A_22 : i32
        "tpu.region"() ({
          %run_scoped3A = tpu.sem_alloc : memref<!tpu.dma_semaphore, #tpu.memory_space<semaphore_mem>>
          %dma_start3A = tpu.memref_slice %arg8[%add3A_21, %mul3A_23] : memref<16x10240xf32, #tpu.memory_space<vmem_shared>> -> memref<1x640xf32, #tpu.memory_space<vmem_shared>>
          %dma_start3A_29 = tpu.memref_squeeze %dma_start3A : memref<1x640xf32, #tpu.memory_space<vmem_shared>> -> memref<640xf32, #tpu.memory_space<vmem_shared>>
          %dma_start3A_30 = tpu.memref_slice %arg8[%add3A_21, %mul3A_23] : memref<16x10240xf32, #tpu.memory_space<vmem_shared>> -> memref<1x640xf32, #tpu.memory_space<vmem_shared>>
          %dma_start3A_31 = tpu.memref_squeeze %dma_start3A_30 : memref<1x640xf32, #tpu.memory_space<vmem_shared>> -> memref<640xf32, #tpu.memory_space<vmem_shared>>
          tpu.enqueue_dma source(%dma_start3A_31 : memref<640xf32, #tpu.memory_space<vmem_shared>>) target(%arg6 : memref<640xf32, #tpu.memory_space<vmem>>) target_semaphore(%run_scoped3A : memref<!tpu.dma_semaphore, #tpu.memory_space<semaphore_mem>>)
          %dma_wait3A = tpu.memref_slice %arg8[%add3A_21, %mul3A_23] : memref<16x10240xf32, #tpu.memory_space<vmem_shared>> -> memref<1x640xf32, #tpu.memory_space<vmem_shared>>
          %dma_wait3A_32 = tpu.memref_squeeze %dma_wait3A : memref<1x640xf32, #tpu.memory_space<vmem_shared>> -> memref<640xf32, #tpu.memory_space<vmem_shared>>
          %dma_wait3A_33 = tpu.memref_slice %arg8[%add3A_21, %mul3A_23] : memref<16x10240xf32, #tpu.memory_space<vmem_shared>> -> memref<1x640xf32, #tpu.memory_space<vmem_shared>>
          %dma_wait3A_34 = tpu.memref_squeeze %dma_wait3A_33 : memref<1x640xf32, #tpu.memory_space<vmem_shared>> -> memref<640xf32, #tpu.memory_space<vmem_shared>>
          tpu.wait_dma2 semaphore(%run_scoped3A : memref<!tpu.dma_semaphore, #tpu.memory_space<semaphore_mem>>) src(%dma_wait3A_34 : memref<640xf32, #tpu.memory_space<vmem_shared>>) dst(%arg6 : memref<640xf32, #tpu.memory_space<vmem>>)
          tpu.yield
        }) : () -> ()
        %scan3A_24 = arith.constant 0 : i32
        %scan3A_25 = arith.constant 40 : i32
        %scan3A_26 = arith.addi %scan3A_24, %scan3A_25 : i32
        %scan3A_27 = arith.constant 1 : i32
        scf.for %scan3A_29 = %scan3A_24 to %scan3A_26 step %scan3A_27  : i32 {
          %mul3A_30 = arith.constant 16 : i32
          %mul3A_31 = arith.muli %scan3A_29, %mul3A_30 : i32
          %add3A_32 = arith.constant 0 : i32
          %add3A_33 = arith.addi %add3A_32, %mul3A_31 : i32
          %get3A = arith.index_cast %add3A_33 : i32 to index
          %get3A_34 = tpu.vector_load %arg7[%get3A] {strides = array<i32>} : memref<640xf32, #tpu.memory_space<vmem>>, vector<16xf32>,
          %get3A_35 = arith.index_cast %add3A_33 : i32 to index
          %get3A_36 = tpu.vector_load %arg6[%get3A_35] {strides = array<i32>} : memref<640xf32, #tpu.memory_space<vmem>>, vector<16xf32>,
          %add3A_37 = arith.addf %get3A_34, %get3A_36 : vector<16xf32>
          %swap3A = arith.index_cast %add3A_33 : i32 to index
          %swap3A_38 = tpu.vector_load %arg7[%swap3A] {strides = array<i32>} : memref<640xf32, #tpu.memory_space<vmem>>, vector<16xf32>,
          tpu.vector_store %arg7[%swap3A], %add3A_37 {strides = array<i32>} : memref<640xf32, #tpu.memory_space<vmem>>, vector<16xf32>,
        }
        %scan3A_28 = arith.constant 40 : i32
      }
      %scan3A_16 = arith.constant 16 : i32
      %mul3A = arith.constant 640 : i32
      %mul3A_17 = arith.muli %arg1, %mul3A : i32
      "tpu.region"() ({
        %run_scoped3A = tpu.sem_alloc : memref<!tpu.dma_semaphore, #tpu.memory_space<semaphore_mem>>
        %dma_start3A = tpu.memref_slice %arg3[%mul3A_17] : memref<10240xf32, #tpu.memory_space<hbm>> -> memref<640xf32, #tpu.memory_space<hbm>>
        %dma_start3A_18 = tpu.memref_slice %arg3[%mul3A_17] : memref<10240xf32, #tpu.memory_space<hbm>> -> memref<640xf32, #tpu.memory_space<hbm>>
        tpu.enqueue_dma source(%arg7 : memref<640xf32, #tpu.memory_space<vmem>>) target(%dma_start3A_18 : memref<640xf32, #tpu.memory_space<hbm>>) target_semaphore(%run_scoped3A : memref<!tpu.dma_semaphore, #tpu.memory_space<semaphore_mem>>)
        %dma_wait3A = tpu.memref_slice %arg3[%mul3A_17] : memref<10240xf32, #tpu.memory_space<hbm>> -> memref<640xf32, #tpu.memory_space<hbm>>
        %dma_wait3A_19 = tpu.memref_slice %arg3[%mul3A_17] : memref<10240xf32, #tpu.memory_space<hbm>> -> memref<640xf32, #tpu.memory_space<hbm>>
        tpu.wait_dma2 semaphore(%run_scoped3A : memref<!tpu.dma_semaphore, #tpu.memory_space<semaphore_mem>>) src(%arg7 : memref<640xf32, #tpu.memory_space<vmem>>) dst(%dma_wait3A_19 : memref<640xf32, #tpu.memory_space<hbm>>)
        tpu.yield
      }) : () -> ()
    } else {
    }
    return
  }
}

module attributes {stable_mosaic.version = 14 : i64} {
  func.func @_t0_body(%arg0: i32, %arg1: memref<2000x128xf32, #tpu.memory_space<vmem>>, %arg2: memref<128x128xf32, #tpu.memory_space<vmem>>, %arg3: memref<2000x128xf32, #tpu.memory_space<vmem>>) attributes {dimension_semantics = [#tpu.dimension_semantics<arbitrary>], iteration_bounds = array<i64: 5>, scalar_prefetch = 0 : i64, scratch_operands = 0 : i64, tpu.core_type = #tpu.core_type<tc>, window_params = [{transform_indices = @transform_0, window_bounds = array<i64: 2000, 128>}, {pipeline_mode = #tpu.pipeline_mode<synchronous>, transform_indices = @transform_1, window_bounds = array<i64: 128, 128>}, {transform_indices = @transform_2, window_bounds = array<i64: 2000, 128>}]} {
    %get3A = arith.constant 0 : index
    %get3A_0 = arith.constant 0 : index
    %get3A_1 = vector.load %arg1[%get3A, %get3A_0] : memref<2000x128xf32, #tpu.memory_space<vmem>>, vector<2000x128xf32>
    %get3A_2 = arith.constant 0 : index
    %get3A_3 = arith.constant 0 : index
    %get3A_4 = vector.load %arg2[%get3A_2, %get3A_3] : memref<128x128xf32, #tpu.memory_space<vmem>>, vector<128x128xf32>
    %dot_general3A = arith.constant dense<0.000000e+00> : vector<2000x128xf32>
    %dot_general3A_5 = tpu.matmul %get3A_1, %get3A_4, %dot_general3A {dimension_numbers = #tpu.dot_dimension_numbers<[1], [0], [0], [1], [0, 0, 1, 1], [], []>, transpose_lhs_hint = false} : vector<2000x128xf32>, vector<128x128xf32>, vector<2000x128xf32> -> vector<2000x128xf32>
    %swap3A = arith.constant 0 : index
    %swap3A_6 = arith.constant 0 : index
    %swap3A_7 = vector.load %arg3[%swap3A, %swap3A_6] : memref<2000x128xf32, #tpu.memory_space<vmem>>, vector<2000x128xf32>
    tpu.vector_store %arg3[%swap3A, %swap3A_6], %dot_general3A_5 {strides = array<i32>} : memref<2000x128xf32, #tpu.memory_space<vmem>>, vector<2000x128xf32>,
    return
  }
  func.func @transform_0(%arg0: i32) -> (i32, i32) {
    %c0_i32 = arith.constant 0 : i32
    %c0_i32_0 = arith.constant 0 : i32
    return %arg0, %c0_i32 : i32, i32
  }
  func.func @transform_1(%arg0: i32) -> (i32, i32) {
    %c0_i32 = arith.constant 0 : i32
    %c0_i32_0 = arith.constant 0 : i32
    %c0_i32_1 = arith.constant 0 : i32
    return %c0_i32, %c0_i32_0 : i32, i32
  }
  func.func @transform_2(%arg0: i32) -> (i32, i32) {
    %c0_i32 = arith.constant 0 : i32
    %c0_i32_0 = arith.constant 0 : i32
    return %arg0, %c0_i32 : i32, i32
  }
}

module attributes {stable_mosaic.version = 14 : i64} {
  func.func @_t1_body(%arg0: i32, %arg1: memref<2000x128xf32, #tpu.memory_space<vmem>>, %arg2: memref<2000x1xf32, #tpu.memory_space<vmem>>, %arg3: memref<2000x128xf32, #tpu.memory_space<vmem>>) attributes {dimension_semantics = [#tpu.dimension_semantics<arbitrary>], iteration_bounds = array<i64: 5>, scalar_prefetch = 0 : i64, scratch_operands = 0 : i64, tpu.core_type = #tpu.core_type<tc>, window_params = [{transform_indices = @transform_0, window_bounds = array<i64: 2000, 128>}, {transform_indices = @transform_1, window_bounds = array<i64: 2000, 1>}, {transform_indices = @transform_2, window_bounds = array<i64: 2000, 128>}]} {
    %get3A = arith.constant 0 : index
    %get3A_0 = arith.constant 0 : index
    %get3A_1 = vector.load %arg2[%get3A, %get3A_0] : memref<2000x1xf32, #tpu.memory_space<vmem>>, vector<2000x1xf32>
    %rsqrt3A = math.rsqrt %get3A_1 : vector<2000x1xf32>
    %get3A_2 = arith.constant 0 : index
    %get3A_3 = arith.constant 0 : index
    %get3A_4 = vector.load %arg1[%get3A_2, %get3A_3] : memref<2000x128xf32, #tpu.memory_space<vmem>>, vector<2000x128xf32>
    %mul3A = vector.broadcast %rsqrt3A : vector<2000x1xf32> to vector<2000x128xf32>
    %mul3A_5 = arith.mulf %mul3A, %get3A_4 : vector<2000x128xf32>
    %swap3A = arith.constant 0 : index
    %swap3A_6 = arith.constant 0 : index
    %swap3A_7 = vector.load %arg3[%swap3A, %swap3A_6] : memref<2000x128xf32, #tpu.memory_space<vmem>>, vector<2000x128xf32>
    tpu.vector_store %arg3[%swap3A, %swap3A_6], %mul3A_5 {strides = array<i32>} : memref<2000x128xf32, #tpu.memory_space<vmem>>, vector<2000x128xf32>,
    return
  }
  func.func @transform_0(%arg0: i32) -> (i32, i32) {
    %c0_i32 = arith.constant 0 : i32
    %c0_i32_0 = arith.constant 0 : i32
    return %arg0, %c0_i32 : i32, i32
  }
  func.func @transform_1(%arg0: i32) -> (i32, i32) {
    %c0_i32 = arith.constant 0 : i32
    %c0_i32_0 = arith.constant 0 : i32
    return %arg0, %c0_i32 : i32, i32
  }
  func.func @transform_2(%arg0: i32) -> (i32, i32) {
    %c0_i32 = arith.constant 0 : i32
    %c0_i32_0 = arith.constant 0 : i32
    return %arg0, %c0_i32 : i32, i32
  }
}

module attributes {stable_mosaic.version = 14 : i64} {
  func.func @_t2_body(%arg0: i32, %arg1: memref<2x2000x128xf32, #tpu.memory_space<vmem>>, %arg2: memref<2000x128xf32, #tpu.memory_space<vmem>>, %arg3: memref<2000x1xf32, #tpu.memory_space<vmem>>, %arg4: memref<1x128xf32, #tpu.memory_space<vmem>>, %arg5: memref<128x128xf32, #tpu.memory_space<vmem>>, %arg6: memref<2000x128xf32, #tpu.memory_space<vmem>>) attributes {dimension_semantics = [#tpu.dimension_semantics<arbitrary>], iteration_bounds = array<i64: 5>, scalar_prefetch = 0 : i64, scratch_operands = 0 : i64, tpu.core_type = #tpu.core_type<tc>, window_params = [{transform_indices = @transform_0, window_bounds = array<i64: 2, 2000, 128>}, {transform_indices = @transform_1, window_bounds = array<i64: 2000, 128>}, {transform_indices = @transform_2, window_bounds = array<i64: 2000, 1>}, {pipeline_mode = #tpu.pipeline_mode<synchronous>, transform_indices = @transform_3, window_bounds = array<i64: 1, 128>}, {pipeline_mode = #tpu.pipeline_mode<synchronous>, transform_indices = @transform_4, window_bounds = array<i64: 128, 128>}, {transform_indices = @transform_5, window_bounds = array<i64: 2000, 128>}]} {
    %get3A = arith.constant 0 : index
    %get3A_0 = arith.constant 0 : index
    %get3A_1 = vector.load %arg3[%get3A, %get3A_0] : memref<2000x1xf32, #tpu.memory_space<vmem>>, vector<2000x1xf32>
    %rsqrt3A = math.rsqrt %get3A_1 : vector<2000x1xf32>
    %get3A_2 = arith.constant 0 : index
    %get3A_3 = arith.constant 0 : index
    %get3A_4 = arith.constant 0 : index
    %get3A_5 = vector.load %arg1[%get3A_2, %get3A_3, %get3A_4] : memref<2x2000x128xf32, #tpu.memory_space<vmem>>, vector<1x2000x128xf32>
    %get3A_6 = vector.shape_cast %get3A_5 : vector<1x2000x128xf32> to vector<2000x128xf32>
    %get3A_7 = arith.constant 1 : index
    %get3A_8 = arith.constant 0 : index
    %get3A_9 = arith.constant 0 : index
    %get3A_10 = vector.load %arg1[%get3A_7, %get3A_8, %get3A_9] : memref<2x2000x128xf32, #tpu.memory_space<vmem>>, vector<1x2000x128xf32>
    %get3A_11 = vector.shape_cast %get3A_10 : vector<1x2000x128xf32> to vector<2000x128xf32>
    %add3A = arith.addf %get3A_6, %get3A_11 : vector<2000x128xf32>
    %get3A_12 = arith.constant 0 : index
    %get3A_13 = arith.constant 0 : index
    %get3A_14 = vector.load %arg2[%get3A_12, %get3A_13] : memref<2000x128xf32, #tpu.memory_space<vmem>>, vector<2000x128xf32>
    %add3A_15 = arith.addf %add3A, %get3A_14 : vector<2000x128xf32>
    %mul3A = vector.broadcast %rsqrt3A : vector<2000x1xf32> to vector<2000x128xf32>
    %mul3A_16 = arith.mulf %mul3A, %add3A_15 : vector<2000x128xf32>
    %get3A_17 = arith.constant 0 : index
    %get3A_18 = arith.constant 0 : index
    %get3A_19 = vector.load %arg4[%get3A_17, %get3A_18] : memref<1x128xf32, #tpu.memory_space<vmem>>, vector<1x128xf32>
    %add3A_20 = vector.broadcast %get3A_19 : vector<1x128xf32> to vector<2000x128xf32>
    %add3A_21 = arith.addf %mul3A_16, %add3A_20 : vector<2000x128xf32>
    %max3A = arith.constant 0.000000e+00 : f32
    %max3A_22 = vector.broadcast %max3A : f32 to vector<2000x128xf32>
    %max3A_23 = arith.maximumf %add3A_21, %max3A_22 : vector<2000x128xf32>
    %get3A_24 = arith.constant 0 : index
    %get3A_25 = arith.constant 0 : index
    %get3A_26 = vector.load %arg5[%get3A_24, %get3A_25] : memref<128x128xf32, #tpu.memory_space<vmem>>, vector<128x128xf32>
    %dot_general3A = arith.constant dense<0.000000e+00> : vector<2000x128xf32>
    %dot_general3A_27 = tpu.matmul %max3A_23, %get3A_26, %dot_general3A {dimension_numbers = #tpu.dot_dimension_numbers<[1], [0], [0], [1], [0, 0, 1, 1], [], []>, transpose_lhs_hint = false} : vector<2000x128xf32>, vector<128x128xf32>, vector<2000x128xf32> -> vector<2000x128xf32>
    %mul3A_28 = vector.broadcast %rsqrt3A : vector<2000x1xf32> to vector<2000x128xf32>
    %mul3A_29 = arith.mulf %mul3A_28, %dot_general3A_27 : vector<2000x128xf32>
    %swap3A = arith.constant 0 : index
    %swap3A_30 = arith.constant 0 : index
    %swap3A_31 = vector.load %arg6[%swap3A, %swap3A_30] : memref<2000x128xf32, #tpu.memory_space<vmem>>, vector<2000x128xf32>
    tpu.vector_store %arg6[%swap3A, %swap3A_30], %mul3A_29 {strides = array<i32>} : memref<2000x128xf32, #tpu.memory_space<vmem>>, vector<2000x128xf32>,
    return
  }
  func.func @transform_0(%arg0: i32) -> (i32, i32, i32) {
    %c0_i32 = arith.constant 0 : i32
    %c0_i32_0 = arith.constant 0 : i32
    %c0_i32_1 = arith.constant 0 : i32
    return %c0_i32, %arg0, %c0_i32_0 : i32, i32, i32
  }
  func.func @transform_1(%arg0: i32) -> (i32, i32) {
    %c0_i32 = arith.constant 0 : i32
    %c0_i32_0 = arith.constant 0 : i32
    return %arg0, %c0_i32 : i32, i32
  }
  func.func @transform_2(%arg0: i32) -> (i32, i32) {
    %c0_i32 = arith.constant 0 : i32
    %c0_i32_0 = arith.constant 0 : i32
    return %arg0, %c0_i32 : i32, i32
  }
  func.func @transform_3(%arg0: i32) -> (i32, i32) {
    %c0_i32 = arith.constant 0 : i32
    %c0_i32_0 = arith.constant 0 : i32
    %c0_i32_1 = arith.constant 0 : i32
    return %c0_i32, %c0_i32_0 : i32, i32
  }
  func.func @transform_4(%arg0: i32) -> (i32, i32) {
    %c0_i32 = arith.constant 0 : i32
    %c0_i32_0 = arith.constant 0 : i32
    %c0_i32_1 = arith.constant 0 : i32
    return %c0_i32, %c0_i32_0 : i32, i32
  }
  func.func @transform_5(%arg0: i32) -> (i32, i32) {
    %c0_i32 = arith.constant 0 : i32
    %c0_i32_0 = arith.constant 0 : i32
    return %arg0, %c0_i32 : i32, i32
  }
}

module attributes {stable_mosaic.version = 14 : i64} {
  func.func @_t3_body(%arg0: i32, %arg1: memref<2x2000x128xf32, #tpu.memory_space<vmem>>, %arg2: memref<2000x128xf32, #tpu.memory_space<vmem>>, %arg3: memref<2000x1xf32, #tpu.memory_space<vmem>>, %arg4: memref<1x128xf32, #tpu.memory_space<vmem>>, %arg5: memref<2000x128xf32, #tpu.memory_space<vmem>>) attributes {dimension_semantics = [#tpu.dimension_semantics<arbitrary>], iteration_bounds = array<i64: 5>, scalar_prefetch = 0 : i64, scratch_operands = 0 : i64, tpu.core_type = #tpu.core_type<tc>, window_params = [{transform_indices = @transform_0, window_bounds = array<i64: 2, 2000, 128>}, {transform_indices = @transform_1, window_bounds = array<i64: 2000, 128>}, {transform_indices = @transform_2, window_bounds = array<i64: 2000, 1>}, {pipeline_mode = #tpu.pipeline_mode<synchronous>, transform_indices = @transform_3, window_bounds = array<i64: 1, 128>}, {transform_indices = @transform_4, window_bounds = array<i64: 2000, 128>}]} {
    %get3A = arith.constant 0 : index
    %get3A_0 = arith.constant 0 : index
    %get3A_1 = vector.load %arg3[%get3A, %get3A_0] : memref<2000x1xf32, #tpu.memory_space<vmem>>, vector<2000x1xf32>
    %rsqrt3A = math.rsqrt %get3A_1 : vector<2000x1xf32>
    %get3A_2 = arith.constant 0 : index
    %get3A_3 = arith.constant 0 : index
    %get3A_4 = arith.constant 0 : index
    %get3A_5 = vector.load %arg1[%get3A_2, %get3A_3, %get3A_4] : memref<2x2000x128xf32, #tpu.memory_space<vmem>>, vector<1x2000x128xf32>
    %get3A_6 = vector.shape_cast %get3A_5 : vector<1x2000x128xf32> to vector<2000x128xf32>
    %get3A_7 = arith.constant 1 : index
    %get3A_8 = arith.constant 0 : index
    %get3A_9 = arith.constant 0 : index
    %get3A_10 = vector.load %arg1[%get3A_7, %get3A_8, %get3A_9] : memref<2x2000x128xf32, #tpu.memory_space<vmem>>, vector<1x2000x128xf32>
    %get3A_11 = vector.shape_cast %get3A_10 : vector<1x2000x128xf32> to vector<2000x128xf32>
    %add3A = arith.addf %get3A_6, %get3A_11 : vector<2000x128xf32>
    %get3A_12 = arith.constant 0 : index
    %get3A_13 = arith.constant 0 : index
    %get3A_14 = vector.load %arg2[%get3A_12, %get3A_13] : memref<2000x128xf32, #tpu.memory_space<vmem>>, vector<2000x128xf32>
    %add3A_15 = arith.addf %add3A, %get3A_14 : vector<2000x128xf32>
    %mul3A = vector.broadcast %rsqrt3A : vector<2000x1xf32> to vector<2000x128xf32>
    %mul3A_16 = arith.mulf %mul3A, %add3A_15 : vector<2000x128xf32>
    %get3A_17 = arith.constant 0 : index
    %get3A_18 = arith.constant 0 : index
    %get3A_19 = vector.load %arg4[%get3A_17, %get3A_18] : memref<1x128xf32, #tpu.memory_space<vmem>>, vector<1x128xf32>
    %add3A_20 = vector.broadcast %get3A_19 : vector<1x128xf32> to vector<2000x128xf32>
    %add3A_21 = arith.addf %mul3A_16, %add3A_20 : vector<2000x128xf32>
    %swap3A = arith.constant 0 : index
    %swap3A_22 = arith.constant 0 : index
    %swap3A_23 = vector.load %arg5[%swap3A, %swap3A_22] : memref<2000x128xf32, #tpu.memory_space<vmem>>, vector<2000x128xf32>
    tpu.vector_store %arg5[%swap3A, %swap3A_22], %add3A_21 {strides = array<i32>} : memref<2000x128xf32, #tpu.memory_space<vmem>>, vector<2000x128xf32>,
    return
  }
  func.func @transform_0(%arg0: i32) -> (i32, i32, i32) {
    %c0_i32 = arith.constant 0 : i32
    %c0_i32_0 = arith.constant 0 : i32
    %c0_i32_1 = arith.constant 0 : i32
    return %c0_i32, %arg0, %c0_i32_0 : i32, i32, i32
  }
  func.func @transform_1(%arg0: i32) -> (i32, i32) {
    %c0_i32 = arith.constant 0 : i32
    %c0_i32_0 = arith.constant 0 : i32
    return %arg0, %c0_i32 : i32, i32
  }
  func.func @transform_2(%arg0: i32) -> (i32, i32) {
    %c0_i32 = arith.constant 0 : i32
    %c0_i32_0 = arith.constant 0 : i32
    return %arg0, %c0_i32 : i32, i32
  }
  func.func @transform_3(%arg0: i32) -> (i32, i32) {
    %c0_i32 = arith.constant 0 : i32
    %c0_i32_0 = arith.constant 0 : i32
    %c0_i32_1 = arith.constant 0 : i32
    return %c0_i32, %c0_i32_0 : i32, i32
  }
  func.func @transform_4(%arg0: i32) -> (i32, i32) {
    %c0_i32 = arith.constant 0 : i32
    %c0_i32_0 = arith.constant 0 : i32
    return %arg0, %c0_i32 : i32, i32
  }
}

</mosaic_0001>

<sc_bundles>
// kernel: kernel.12.cloned.1.call-start
scs
__scs_entry_jumppad:
0x0: {  	(pc) =	sbr.rel $0x88, $3  }
0x1: {  	(tag) =	ssettag $0x0;
	lr =	simm.s32 $0x1  }
0x2: {  	[smem:$0x3F9B] =	sst lr;
	_ =	strace $0xD0000000  }
0x3: {  	_ = 	snop  }
0x4: {  	_ = 	snop  }
0x5: {  	_ = 	snop  }
0x6: {  	_ = 	snop  }
0x7: {  	_ = 	snop  }
__scs_overlays_trampoline_lowered:
0x8: {  	[smem:$0x3FAA] =	sst s0  }
0x9: {  	[smem:$0x3FAB] =	sst s1  }
0xa: {  	[smem:$0x3FAC] =	sst s2  }
0xb: {  	[smem:$0x3FAD] =	sst s3  }
0xc: {  	[smem:$0x3FAE] =	sst s4  }
0xd: {  	[smem:$0x3FAF] =	sst s5  }
0xe: {  	[smem:$0x3FB0] =	sst s6  }
0xf: {  	[smem:$0x3FB1] =	sst s7  }
0x10: {  	[smem:$0x3FB2] =	sst s8  }
0x11: {  	[smem:$0x3FB3] =	sst s9;
	s0 =	simm.s32 @!p0 $0x0  }
0x12: {  	s1 =	sld [smem:$0x3F99];
	s0 =	simm.s32 @p0 $0x1  }
0x13: {  	[smem:$0x3FB4] =	sst s0;
	s0 =	simm.s32 @!p1 $0x0  }
0x14: {  	s2 =	sld [smem:$0x3F98];
	s0 =	simm.s32 @p1 $0x1  }
0x15: {  	[smem:$0x3FB5] =	sst s0;
	s0 =	simm.s32 @!p2 $0x0  }
0x16: {  	s3 =	sld [smem:$0x3FDB];
	s0 =	simm.s32 @p2 $0x1  }
0x17: {  	s4 =	simm.s32 $0x1BF5;
	[smem:$0x3FB7] =	sst s0  }
0x18: {  	s0 =	sld [smem:$0x3F9A];
	_ =	swait.ge [sflag:s4], $0x0  }
0x19: {  	s7 =	sld [smem:$0x3F9B]  }
0x1a: {  	s8 =	sadd.s32 $0xFFFFE003, lr  }
0x1b: {  	s9 =	sadd.s32 $0xFFFFFEF7, lr;
	s5 =	simm.s32 $0xFFFFFFFF;
	p2 =	slt.u32 s8, $0xFFFFF086  }
0x1c: {  	p1 =	slt.u32 s9, $0xF7A;
	s5 =	simm.s32 @!p2 $0x0  }
0x1d: {  	s5 =	simm.s32 @p1 $0x1;
	p0 =	seq.s32 s7, s2  }
0x1e: {  	s7 =	smul.u32 @!p0 $0xF7A, s2;
	p2 =	seq.s32 @!p0 s5, $0x0  }
0x1f: {  	s9 =	smul.u32 $0xF7A, s1;
	s8 =	simm.s32 @!p0 $0x1BF5;
	p2 =	por !p2, p0  }
0x20: {  	[sflag:s8] =	ssyncset.s32 @!p0 $0xFFFFF086;
	s6 =	sadd.s32 @!p0 s3, s7;
	s7 =	simm.s32 @!p0 $0x108  }
0x21: {  	s3 =	sadd.s32 s3, s9;
	s6 =	sadd.s32 @!p0 $0x88, s6;
	s7 =	simm.s32 @p2 $0x1082  }
0x22: {  	[simem:s7], [sflag:s8] =	dma.local @!p0 [hbm:s6], $0xF7A  }
0x23: {  	s9 =	sor.u32 $0xD0000000, s2;
	s6 =	simm.s32 $0x108;
	_ =	swait.ge @!p0 [sflag:s8], $0x0  }
0x24: {  	s3 =	sadd.s32 $0x88, s3;
	s6 =	simm.s32 @!p1 $0x1082;
	[sflag:s4] =	ssyncset.s32 $0xFFFFF086  }
0x25: {  	[simem:s6], [sflag:s4] =	dma.local [hbm:s3], $0xF7A  }
0x26: {  	[smem:$0x3F9B] =	sst s1;
	(tag) =	ssettag s2;
	_ =	strace s9  }
0x27: {  	s1 =	sld [smem:$0x3FAB]  }
0x28: {  	s2 =	sld [smem:$0x3FAC]  }
0x29: {  	s4 =	sld [smem:$0x3FAE]  }
0x2a: {  	p0 =	seq.s32 s5, $0x0;
	s5 =	sld [smem:$0x3FAF]  }
0x2b: {  	s6 =	sld [smem:$0x3FB0]  }
0x2c: {  	s7 =	sld [smem:$0x3FB1]  }
0x2d: {  	s3 =	simm.s32 $0x108;
	s8 =	sld [smem:$0x3FB2]  }
0x2e: {  	s3 =	simm.s32 @!p0 $0x1082;
	s9 =	sld [smem:$0x3FB3]  }
0x2f: {  	lr =	sadd.s32 s0, s3;
	s0 =	sld [smem:$0x3FAA]  }
0x30: {  	s3 =	sld [smem:$0x3FAD]  }
0x31: {  	[smem:$0x3FB6] =	sst s10  }
0x32: {  	s10 =	sld [smem:$0x3FB4];
	_ =	sdelay $0x3  }
0x33: {  	p0 =	seq.s32 s10, $0x1;
	s10 =	sld [smem:$0x3FB6];
	_ =	sdelay $0x3  }
0x34: {  	[smem:$0x3FB6] =	sst s10  }
0x35: {  	s10 =	sld [smem:$0x3FB5];
	_ =	sdelay $0x3  }
0x36: {  	p1 =	seq.s32 s10, $0x1;
	s10 =	sld [smem:$0x3FB6];
	_ =	sdelay $0x3  }
0x37: {  	[smem:$0x3FB6] =	sst s10  }
0x38: {  	s10 =	sld [smem:$0x3FB7]  }
0x39: {  	_ = 	snop;
	(pc) =	sbr.ind lr, $3  }
0x3a: {  	_ = 	snop  }
0x3b: {  	_ = 	snop  }
0x3c: {  	p2 =	seq.s32 s10, $0x1;
	s10 =	sld [smem:$0x3FB6]  }
0x3d: {  	_ =	shalt  }
0x3e: {  	_ =	shalt  }
0x3f: {  	_ =	shalt  }
0x40: {  	_ =	shalt  }
0x41: {  	_ =	shalt  }
0x42: {  	_ =	shalt  }
0x43: {  	_ =	shalt  }
0x44: {  	_ =	shalt  }
0x45: {  	_ =	shalt  }
0x46: {  	_ =	shalt  }
0x47: {  	_ =	shalt  }
0x48: {  	_ =	shalt  }
0x49: {  	_ =	shalt  }
0x4a: {  	_ =	shalt  }
0x4b: {  	_ =	shalt  }
0x4c: {  	_ =	shalt  }
0x4d: {  	_ =	shalt  }
0x4e: {  	_ =	shalt  }
0x4f: {  	_ =	shalt  }
0x50: {  	_ =	shalt  }
0x51: {  	_ =	shalt  }
0x52: {  	_ =	shalt  }
0x53: {  	_ =	shalt  }
0x54: {  	_ =	shalt  }
0x55: {  	_ =	shalt  }
0x56: {  	_ =	shalt  }
0x57: {  	_ =	shalt  }
0x58: {  	_ =	shalt  }
0x59: {  	_ =	shalt  }
0x5a: {  	_ =	shalt  }
0x5b: {  	_ =	shalt  }
0x5c: {  	_ =	shalt  }
0x5d: {  	_ =	shalt  }
0x5e: {  	_ =	shalt  }
0x5f: {  	_ =	shalt  }
0x60: {  	_ =	shalt  }
0x61: {  	_ =	shalt  }
0x62: {  	_ =	shalt  }
0x63: {  	_ =	shalt  }
0x64: {  	_ =	shalt  }
0x65: {  	_ =	shalt  }
0x66: {  	_ =	shalt  }
0x67: {  	_ =	shalt  }
0x68: {  	_ =	shalt  }
0x69: {  	_ =	shalt  }
0x6a: {  	_ =	shalt  }
0x6b: {  	_ =	shalt  }
0x6c: {  	_ =	shalt  }
0x6d: {  	_ =	shalt  }
0x6e: {  	_ =	shalt  }
0x6f: {  	_ =	shalt  }
0x70: {  	_ =	shalt  }
0x71: {  	_ =	shalt  }
0x72: {  	_ =	shalt  }
0x73: {  	_ =	shalt  }
0x74: {  	_ =	shalt  }
0x75: {  	_ =	shalt  }
0x76: {  	_ =	shalt  }
0x77: {  	_ =	shalt  }
0x78: {  	_ =	shalt  }
0x79: {  	_ =	shalt  }
0x7a: {  	_ =	shalt  }
0x7b: {  	_ =	shalt  }
0x7c: {  	_ =	shalt  }
0x7d: {  	_ =	shalt  }
0x7e: {  	_ =	shalt  }
0x7f: {  	_ =	shalt  }
0x80: {  	_ =	shalt  }
0x81: {  	_ =	shalt  }
0x82: {  	_ =	shalt  }
0x83: {  	_ =	shalt  }
0x84: {  	_ =	shalt  }
0x85: {  	_ =	shalt  }
0x86: {  	_ =	shalt  }
0x87: {  	_ =	shalt  }
.Lfunc_end0:
.L_simem_size_0:
called_computation.1_lowered:
.L_overlay_start_0:
0x88: {  	s2 =	sld [smem:$0x3FD9]  }
0x89: {  	s3 =	sld [smem:$0x3FFE];
	_ =	sdelay $0x1  }
0x8a: {  	s1 =	srdreg.scid  }
0x8b: {  	s0 =	sand.u32 $0x1, s1  }
0x8c: {  	s17 =	sshll.u32 s0, $0xA;
	s2 =	sadd.s32 s3, s2  }
0x8d: {  	s2 =	sadd.s32 s2, s17  }
0x8e: {  	[smem:$0x3FC2] =	sst s2  }
0x8f: {  	_ = 	snop  }
0x90: {  	s2 =	sld [smem:$0x3FD0];
	(tm) =	ssettm $0x1  }
0x91: {  	s18 =	sld [smem:$0x3FFB];
	_ =	sdelay $0x3  }
0x92: {  	_ =	strace s18  }
0x93: {  	s3 =	sld [smem:$0x3FFC];
	_ =	sdelay $0x3  }
0x94: {  	_ =	strace s3  }
0x95: {  	s3 =	sld [smem:$0x3FFD];
	_ =	sdelay $0x3  }
0x96: {  	_ =	strace s3  }
0x97: {  	_ =	strace $0x8FFFFFFF  }
0x98: {  	s19 =	sld [smem:$0x3FDB];
	_ =	sdelay $0x1  }
0x99: {  	s4 =	simm.s32 $_scs_section_size  }
0x9a: {  	s5 =	simm.s32 $_size__tile_overlayer_lowered;
	s6 =	simm.s32 $_tile_overlayer_lowered  }
0x9b: {  	s22 =	simm.s32 $0x1BFF;
	s21 =	sshll.u32 s6, $0x1;
	s3 =	sadd.s32 s4, s19  }
0x9c: {  	s7 =	simm.s32 $0x0;
	s20 =	sshll.u32 s5, $0x1;
	s5 =	sadd.s32 s21, s3  }
0x9d: {  	[timem:s7], [sflag:s22] =	dma.local [hbm:s5], s20  }
0x9e: {  	_ =	swait.ge [sflag:s22], s20  }
0x9f: {  	s4 =	ssub.s32 $0x0, s20;
	[sflag:s22] =	ssyncset.done $0x0  }
0xa0: {  	[sflag:s22] =	ssyncadd.s32 s4;
	_ =	sdelay $0x1  }
0xa1: {  	s23 =	simm.s32 $0x1B8B  }
0xa2: {  	_ =	swait.ge [sflag:s23], $0x1  }
0xa3: {  	[sflag:s23] =	ssyncset.done $0x0  }
0xa4: {  	s25 =	simm.s32 $0x1B8E;
	s24 =	sld [smem:$0x3FFE];
	[sflag:s23] =	ssyncadd.s32 $0xFFFFFFFF  }
0xa5: {  	s26 =	simm.s32 $execute0_lowered;
	[smem:$0x3FD2] =	sst s25  }
0xa6: {  	s5 =	sshll.u32 s26, $0x1;
	_ =	strace $0x80000049;
	[dreg:$0x1] =	wrdreg $0xFFFFFFFF  }
0xa7: {  	s28 =	simm.s32 $_size_execute0_lowered;
	s3 =	sadd.s32 s3, s5;
	[dreg:$0x0] =	wrdreg $0x0  }
0xa8: {  	s5 =	sshll.u32 s28, $0x1;
	[dreg:$0x2] =	wrdreg s3  }
0xa9: {  	[dreg:$0x3] =	wrdreg s5  }
0xaa: {  	[dreg:$0x4] =	wrdreg $0xC0  }
0xab: {  	_ =	task [dreg:s7], $0x5FFFF  }
0xac: {  	[dreg:$0x1] =	wrdreg $0xFFFFFFFF  }
0xad: {  	[dreg:$0x0] =	wrdreg $0x60  }
0xae: {  	[dreg:$0x2] =	wrdreg s2  }
0xaf: {  	[dreg:$0x3] =	wrdreg s24  }
0xb0: {  	[dreg:$0x4] =	wrdreg $0xA0000  }
0xb1: {  	[dreg:$0x5] =	wrdreg $0x9  }
0xb2: {  	_ =	task.clear_ibuf [dreg:s7], $0x6FFFF;
	_ =	strace $0x90000049  }
0xb3: {  	s29 =	simm.s32 $0x9;
	_ =	strace $0x8000004B  }
0xb4: {  	_ =	swait.ge [sflag:s29], $0x1  }
0xb5: {  	[sflag:s29] =	ssyncadd.s32 $0xFFFFFFFF  }
0xb6: {  	_ =	strace $0x9000004B  }
0xb7: {  	_ =	sfence  }
0xb8: {  	s30 =	sld [smem:$0x0];
	_ =	sdelay $0x2  }
0xb9: {  	s31 =	sshll.u32 s1, $0xD;
	s1 =	sshrl.u32 s1, $0x2  }
0xba: {  	s3 =	sand.u32 $0x4000, s31;
	s1 =	sadd.s32 s1, s30  }
0xbb: {  	s0 =	sor.u32 s3, s0;
	s1 =	sshll.u32 s1, $0x11  }
0xbc: {  	s0 =	sor.u32 s1, s0  }
0xbd: {  	s0 =	sadd.s32 $0x8F2B, s0  }
0xbe: {  	[sflag:s0] =	ssyncadd.remote.s32 $0x1  }
0xbf: {  	_ =	sfence.sel $0xFFFF  }
0xc0: {  	[dreg:$0x0] =	wrdreg $0xFFFFFFFF;
	(pc) =	sbr.abs _section_cstart, $3  }
0xc1: {  	[dreg:$0x1] =	wrdreg $0xFFFFFFFF  }
0xc2: {  	_ =	task.clear_ibuf [dreg:s7], $0x2FFFF;
	_ =	strace $0x9FFFFFFF  }
0xc3: {  	(tm) =	ssettm $0x7FFFFFFF  }
tec
execute0_lowered:
.L_overlay_start_1:
0x0: {  	(tag) =	ssettag $0x1  }
0x1: {  	s0 =	rddreg [dreg:$0x0]  }
0x2: {  	s1 =	rddreg [dreg:$0x1];
	s2 =	srdreg.scid  }
0x3: {  	s3 =	rddreg [dreg:$0x2];
	s9 =	stileid.u32;
	s18 =	simm.s32 $0x0  }
0x4: {  	s28 =	simm.s32 $0x6000;
	s29 =	simm.s32 $0x180;
	s30 =	simm.s32 $0x8000  }
0x5: {  	s31 =	simm.s32 $0x1;
	s10 =	simm.s32 $0x5;
	s11 =	simm.s32 $0x6  }
0x6: {  	s12 =	simm.s32 $0x7;
	s13 =	simm.s32 $0x8;
	s7 =	smul.u32 $0x4F000, s9  }
0x7: {  	s14 =	simm.s32 $0x1E00;
	s2 =	sand.u32 $0x1, s2;
	s5 =	smul.u32 $0x13C00, s9  }
0x8: {  	[smem:$0x7FF] =	sst s18;
	s6 =	sadd.s32 $0x16800, s1;
	s7 =	sshrl.u32 s7, $0x2  }
0x9: {  	s4 =	smul.u32 $0x13C000, s2;
	_ =	strace $0x8000004A;
	s19 =	sadd.s32 s7, s3  }
0xa: {  	s15 =	ssub.s32 $0x2, s2;
	s7 =	sadd.s32 $0x12000, s19;
	[dreg:$0x5] =	wrdreg s19  }
0xb: {  	s2 =	sshll.u32 s2, $0x4;
	s17 =	sadd.s32 $0x2000, s19;
	[dreg:$0x6] =	wrdreg s7  }
0xc: {  	s8 =	sshrl.u32 s15, $0x1;
	s20 =	sadd.s32 $0x4000, s19;
	[dreg:$0x9] =	wrdreg s17  }
0xd: {  	s2 =	sor.u32 s9, s2;
	s21 =	sadd.s32 $0x6000, s19;
	[dreg:$0xa] =	wrdreg s20  }
0xe: {  	s4 =	sadd.s32 s5, s4;
	s22 =	sadd.s32 $0x8000, s19;
	[dreg:$0xb] =	wrdreg s21  }
0xf: {  	s5 =	sadd.s32 $0x2800, s1;
	s23 =	sadd.s32 $0xA000, s19;
	[dreg:$0xc] =	wrdreg s22  }
0x10: {  	s9 =	smul.u32 $0x5, s2;
	s24 =	sadd.s32 $0xC000, s19;
	[dreg:$0xd] =	wrdreg s23  }
0x11: {  	s2 =	simm.s32 $0x3;
	s25 =	sadd.s32 $0xE000, s19;
	[dreg:$0xe] =	wrdreg s24  }
0x12: {  	s4 =	sshrl.u32 s4, $0x3;
	s26 =	sadd.s32 $0x10000, s19;
	[dreg:$0xf] =	wrdreg s25  }
0x13: {  	s1 =	sadd.s32 s4, s1;
	s4 =	ssub.s32 s15, s8;
	[dreg:$0x10] =	wrdreg s26  }
0x14: {  	s20 =	simm.s32 $0x2000;
	s21 =	simm.s32 $0x9;
	s23 =	simm.s32 $0x40  }
0x15: {  	s24 =	simm.s32 $0x80;
	s25 =	simm.s32 $0x4000;
	s26 =	simm.s32 $0x100  }
0x16: {  	s8 =	simm.s32 $0x4;
	s15 =	simm.s32 $0x1E80;
	s1 =	sadd.s32 $0x2A800, s1  }
0x17: {  	s17 =	simm.s32 $0x1F80;
	s16 =	smax.u32 s4, $0x1;
	[dreg:$0x7] =	wrdreg s1  }
0x18: {  	v0 =	vimm.f32 $0.0e+00;
	[dreg:$0x8] =	wrdreg s16;
	s1 =	simm.s32 $0x2;
	s16 =	simm.s32 $0x1F00  }
.LBB2_1:
0x19: {  	[dreg:$0x4] =	wrdreg s18;
	s4 =	simm.s32 $0x0;
	s7 =	simm.s32 $0x200  }
.LBB2_2:
0x1a: {  	p0 =	sne.s32 s7, $0x7E00;
	[tilespmem:s4+$0x2070] =	vst v0  }
0x1b: {  	[tilespmem:s4+$0x2000] =	vst v0  }
0x1c: {  	[tilespmem:s4+$0x2010] =	vst v0  }
.Ltmp0:
0x1d: {  	[tilespmem:s4+$0x2020] =	vst v0;
	(pc) =	sbr.rel @p0 .LBB2_2-.Ltmp0, $4  }
0x1e: {  	[tilespmem:s4+$0x2030] =	vst v0  }
0x1f: {  	[tilespmem:s4+$0x2040] =	vst v0  }
0x20: {  	[tilespmem:s4+$0x2050] =	vst v0  }
0x21: {  	[tilespmem:s4+$0x2060] =	vst v0;
	s4 =	sshra.s32 s7, $0x2;
	s7 =	sadd.s32 $0x200, s7  }
0x22: {  	[tilespmem:s4+$0x2070] =	vst v0  }
0x23: {  	[tilespmem:s4+$0x2000] =	vst v0  }
0x24: {  	[tilespmem:s4+$0x2010] =	vst v0  }
0x25: {  	[tilespmem:s4+$0x2020] =	vst v0  }
0x26: {  	[tilespmem:s4+$0x2030] =	vst v0  }
0x27: {  	[tilespmem:s4+$0x2040] =	vst v0  }
0x28: {  	[tilespmem:s4+$0x2050] =	vst v0  }
0x29: {  	[tilespmem:s4+$0x2060] =	vst v0  }
0x2a: {  	[spmem:s19] =	stream.linear.scatter [tilespmem:s20], [sflag:$0x9], $0x2000, $0x38;
	[tilespmem:$0x1DC00] =	vst v63  }
0x2b: {  	_ =	swait.ge [sflag:s21], $0x2000  }
0x2c: {  	[sflag:s21] =	ssyncset.done $0x0  }
0x2d: {  	s22 =	rddreg [dreg:$0x9];
	[sflag:s21] =	ssyncadd.s32 $0xFFFFE000  }
0x2e: {  	[spmem:s22] =	stream.linear.scatter [tilespmem:s20], [sflag:$0x9], $0x2000, $0x38;
	[tilespmem:$0x1DC00] =	vst v63  }
0x2f: {  	_ =	swait.ge [sflag:s21], $0x2000  }
0x30: {  	[sflag:s21] =	ssyncset.done $0x0  }
0x31: {  	s7 =	rddreg [dreg:$0xa];
	[sflag:s21] =	ssyncadd.s32 $0xFFFFE000  }
0x32: {  	[spmem:s7] =	stream.linear.scatter [tilespmem:s20], [sflag:$0x9], $0x2000, $0x38;
	[tilespmem:$0x1DC00] =	vst v63  }
0x33: {  	_ =	swait.ge [sflag:s21], $0x2000  }
0x34: {  	[sflag:s21] =	ssyncset.done $0x0  }
0x35: {  	s18 =	rddreg [dreg:$0xb];
	[sflag:s21] =	ssyncadd.s32 $0xFFFFE000  }
0x36: {  	[spmem:s18] =	stream.linear.scatter [tilespmem:s20], [sflag:$0x9], $0x2000, $0x38;
	[tilespmem:$0x1DC00] =	vst v63  }
0x37: {  	_ =	swait.ge [sflag:s21], $0x2000  }
0x38: {  	[sflag:s21] =	ssyncset.done $0x0  }
0x39: {  	s19 =	rddreg [dreg:$0xc];
	[sflag:s21] =	ssyncadd.s32 $0xFFFFE000  }
0x3a: {  	[spmem:s19] =	stream.linear.scatter [tilespmem:s20], [sflag:$0x9], $0x2000, $0x38;
	[tilespmem:$0x1DC00] =	vst v63  }
0x3b: {  	_ =	swait.ge [sflag:s21], $0x2000  }
0x3c: {  	[sflag:s21] =	ssyncset.done $0x0  }
0x3d: {  	s22 =	rddreg [dreg:$0xd];
	[sflag:s21] =	ssyncadd.s32 $0xFFFFE000  }
0x3e: {  	[spmem:s22] =	stream.linear.scatter [tilespmem:s20], [sflag:$0x9], $0x2000, $0x38;
	[tilespmem:$0x1DC00] =	vst v63  }
0x3f: {  	_ =	swait.ge [sflag:s21], $0x2000  }
0x40: {  	[sflag:s21] =	ssyncset.done $0x0  }
0x41: {  	s7 =	rddreg [dreg:$0xe];
	[sflag:s21] =	ssyncadd.s32 $0xFFFFE000  }
0x42: {  	[spmem:s7] =	stream.linear.scatter [tilespmem:s20], [sflag:$0x9], $0x2000, $0x38;
	[tilespmem:$0x1DC00] =	vst v63  }
0x43: {  	_ =	swait.ge [sflag:s21], $0x2000  }
0x44: {  	[sflag:s21] =	ssyncset.done $0x0  }
0x45: {  	s18 =	rddreg [dreg:$0xf];
	[sflag:s21] =	ssyncadd.s32 $0xFFFFE000  }
0x46: {  	[spmem:s18] =	stream.linear.scatter [tilespmem:s20], [sflag:$0x9], $0x2000, $0x38;
	[tilespmem:$0x1DC00] =	vst v63  }
0x47: {  	_ =	swait.ge [sflag:s21], $0x2000  }
0x48: {  	[sflag:s21] =	ssyncset.done $0x0  }
0x49: {  	s19 =	rddreg [dreg:$0x10];
	[sflag:s21] =	ssyncadd.s32 $0xFFFFE000  }
0x4a: {  	[spmem:s19] =	stream.linear.scatter [tilespmem:s20], [sflag:$0x9], $0x2000, $0x38;
	[tilespmem:$0x1DC00] =	vst v63  }
0x4b: {  	_ =	swait.ge [sflag:s21], $0x2000  }
0x4c: {  	[sflag:s21] =	ssyncset.done $0x0  }
0x4d: {  	s22 =	rddreg [dreg:$0x6];
	[sflag:s21] =	ssyncadd.s32 $0xFFFFE000  }
0x4e: {  	[spmem:s22] =	stream.linear.scatter [tilespmem:s20], [sflag:$0x9], $0x1C00, $0x38;
	[tilespmem:$0x1DC00] =	vst v63  }
0x4f: {  	_ =	swait.ge [sflag:s21], $0x1C00  }
0x50: {  	[sflag:s21] =	ssyncset.done $0x0  }
0x51: {  	[sflag:s21] =	ssyncadd.s32 $0xFFFFE400  }
0x52: {  	s18 =	simm.s32 $0x0;
	s19 =	simm.s32 $0x0;
	[bflag:$0x0] =	sbarrier.arrive $0xFFFF  }
.LBB2_4:
0x53: {  	s4 =	sadd.s32 s9, s19  }
0x54: {  	s4 =	sshll.u32 s4, $0x9  }
0x55: {  	s7 =	sadd.s32 s5, s4  }
0x56: {  	[tilespmem:s18], [sflag:$0x9] =	stream.linear.gather [hbm4b:s7+s18], $0x1000, $0x38;
	[tilespmem:$0x1DC00] =	vst v63  }
0x57: {  	_ =	swait.ge [sflag:s21], $0x1000  }
0x58: {  	[sflag:s21] =	ssyncset.done $0x0  }
0x59: {  	s22 =	simm.s32 $0x1000;
	s4 =	sadd.s32 s6, s4;
	[sflag:s21] =	ssyncadd.s32 $0xFFFFF000  }
0x5a: {  	[tilespmem:s22], [sflag:$0x9] =	stream.linear.gather [hbm4b:s4+s18], $0x1000, $0x38;
	[tilespmem:$0x1DC00] =	vst v63  }
0x5b: {  	_ =	swait.ge [sflag:s21], $0x1000  }
0x5c: {  	[sflag:s21] =	ssyncset.done $0x0  }
0x5d: {  	[sflag:s21] =	ssyncadd.s32 $0xFFFFF000  }
0x5e: {  	[tilespmem:s20], [sflag:$0x1] =	stream.indirect.gather [hbm4b:s0+s23], $0x80, s18, s23, $0xb8;
	[tilespmem:$0x1DC00] =	vst v63  }
0x5f: {  	_ = 	snop  }
0x60: {  	[tilespmem:s25], [sflag:$0x2] =	stream.indirect.gather [hbm4b:s0+s23], $0x80, s24, s23, $0xb8;
	[tilespmem:$0x1DC00] =	vst v63  }
0x61: {  	_ = 	snop  }
0x62: {  	[tilespmem:s28], [sflag:$0x3] =	stream.indirect.gather [hbm4b:s0+s23], $0x80, s26, s23, $0xb8;
	[tilespmem:$0x1DC00] =	vst v63  }
0x63: {  	_ = 	snop  }
0x64: {  	[tilespmem:s30], [sflag:$0x4] =	stream.indirect.gather [hbm4b:s0+s23], $0x80, s29, s23, $0xb8;
	[tilespmem:$0x1DC00] =	vst v63  }
0x65: {  	_ =	swait.ge [sflag:s31], $0x2000  }
0x66: {  	[sflag:s31] =	ssyncset.done $0x0  }
0x67: {  	s22 =	simm.s32 $0x1000;
	[sflag:s31] =	ssyncadd.s32 $0xFFFFE000  }
0x68: {  	[spmem:s3] =	stream.indirect.scatter.add.f32 [tilespmem:s20], [sflag:$0x5], $0x80, s22, s23, $0xb8;
	[tilespmem:$0x1DC00] =	vst v63  }
0x69: {  	_ =	swait.ge [sflag:s1], $0x2000  }
0x6a: {  	[sflag:s1] =	ssyncset.done $0x0  }
0x6b: {  	s7 =	simm.s32 $0x1080;
	[sflag:s1] =	ssyncadd.s32 $0xFFFFE000  }
0x6c: {  	[spmem:s3] =	stream.indirect.scatter.add.f32 [tilespmem:s25], [sflag:$0x6], $0x80, s7, s23, $0xb8;
	[tilespmem:$0x1DC00] =	vst v63  }
0x6d: {  	_ =	swait.ge [sflag:s2], $0x2000  }
0x6e: {  	[sflag:s2] =	ssyncset.done $0x0  }
0x6f: {  	s22 =	simm.s32 $0x1100;
	[sflag:s2] =	ssyncadd.s32 $0xFFFFE000  }
0x70: {  	[spmem:s3] =	stream.indirect.scatter.add.f32 [tilespmem:s28], [sflag:$0x7], $0x80, s22, s23, $0xb8;
	[tilespmem:$0x1DC00] =	vst v63  }
0x71: {  	_ =	swait.ge [sflag:s8], $0x2000  }
0x72: {  	[sflag:s8] =	ssyncset.done $0x0  }
0x73: {  	s7 =	simm.s32 $0x1180;
	[sflag:s8] =	ssyncadd.s32 $0xFFFFE000  }
0x74: {  	[spmem:s3] =	stream.indirect.scatter.add.f32 [tilespmem:s30], [sflag:$0x8], $0x80, s7, s23, $0xb8;
	[tilespmem:$0x1DC00] =	vst v63  }
0x75: {  	_ =	swait.ge [sflag:s10], $0x2000  }
0x76: {  	[sflag:s10] =	ssyncset.done $0x0  }
0x77: {  	s22 =	simm.s32 $0x200;
	[sflag:s10] =	ssyncadd.s32 $0xFFFFE000  }
0x78: {  	[tilespmem:s20], [sflag:$0x1] =	stream.indirect.gather [hbm4b:s0+s23], $0x80, s22, s23, $0xb8;
	[tilespmem:$0x1DC00] =	vst v63  }
0x79: {  	_ =	swait.ge [sflag:s11], $0x2000  }
0x7a: {  	[sflag:s11] =	ssyncset.done $0x0  }
0x7b: {  	s7 =	simm.s32 $0x280;
	[sflag:s11] =	ssyncadd.s32 $0xFFFFE000  }
0x7c: {  	[tilespmem:s25], [sflag:$0x2] =	stream.indirect.gather [hbm4b:s0+s23], $0x80, s7, s23, $0xb8;
	[tilespmem:$0x1DC00] =	vst v63  }
0x7d: {  	_ =	swait.ge [sflag:s12], $0x2000  }
0x7e: {  	[sflag:s12] =	ssyncset.done $0x0  }
0x7f: {  	s22 =	simm.s32 $0x300;
	[sflag:s12] =	ssyncadd.s32 $0xFFFFE000  }
0x80: {  	[tilespmem:s28], [sflag:$0x3] =	stream.indirect.gather [hbm4b:s0+s23], $0x80, s22, s23, $0xb8;
	[tilespmem:$0x1DC00] =	vst v63  }
0x81: {  	_ =	swait.ge [sflag:s13], $0x2000  }
0x82: {  	[sflag:s13] =	ssyncset.done $0x0  }
0x83: {  	s4 =	simm.s32 $0x380;
	s7 =	simm.s32 $0x800;
	[sflag:s13] =	ssyncadd.s32 $0xFFFFE000  }
.LBB2_5:
0x84: {  	[tilespmem:s30], [sflag:$0x4] =	stream.indirect.gather [hbm4b:s0+s23], $0x80, s4, s23, $0xb8;
	[tilespmem:$0x1DC00] =	vst v63  }
0x85: {  	s4 =	smov.u32 s7  }
0x86: {  	p0 =	sne.s32 s7, $0x3000;
	s7 =	sadd.s32 $0x800, s7;
	_ =	swait.ge [sflag:s31], $0x2000  }
0x87: {  	s4 =	sshra.s32 s4, $0x2;
	[sflag:s31] =	ssyncset.done $0x0  }
0x88: {  	s22 =	sadd.s32 $0x1000, s4;
	[sflag:s31] =	ssyncadd.s32 $0xFFFFE000  }
0x89: {  	[spmem:s3] =	stream.indirect.scatter.add.f32 [tilespmem:s20], [sflag:$0x5], $0x80, s22, s23, $0xb8;
	[tilespmem:$0x1DC00] =	vst v63  }
0x8a: {  	_ =	swait.ge [sflag:s1], $0x2000  }
0x8b: {  	[sflag:s1] =	ssyncset.done $0x0  }
0x8c: {  	s22 =	sadd.s32 $0x1080, s4;
	[sflag:s1] =	ssyncadd.s32 $0xFFFFE000  }
0x8d: {  	[spmem:s3] =	stream.indirect.scatter.add.f32 [tilespmem:s25], [sflag:$0x6], $0x80, s22, s23, $0xb8;
	[tilespmem:$0x1DC00] =	vst v63  }
0x8e: {  	_ =	swait.ge [sflag:s2], $0x2000  }
0x8f: {  	[sflag:s2] =	ssyncset.done $0x0  }
0x90: {  	s22 =	sadd.s32 $0x1100, s4;
	[sflag:s2] =	ssyncadd.s32 $0xFFFFE000  }
0x91: {  	[spmem:s3] =	stream.indirect.scatter.add.f32 [tilespmem:s28], [sflag:$0x7], $0x80, s22, s23, $0xb8;
	[tilespmem:$0x1DC00] =	vst v63  }
0x92: {  	_ =	swait.ge [sflag:s8], $0x2000  }
0x93: {  	[sflag:s8] =	ssyncset.done $0x0  }
0x94: {  	s22 =	sadd.s32 $0x1180, s4;
	[sflag:s8] =	ssyncadd.s32 $0xFFFFE000  }
0x95: {  	[spmem:s3] =	stream.indirect.scatter.add.f32 [tilespmem:s30], [sflag:$0x8], $0x80, s22, s23, $0xb8;
	[tilespmem:$0x1DC00] =	vst v63  }
0x96: {  	_ =	swait.ge [sflag:s10], $0x2000  }
0x97: {  	[sflag:s10] =	ssyncset.done $0x0  }
0x98: {  	s22 =	sadd.s32 $0x200, s4;
	[sflag:s10] =	ssyncadd.s32 $0xFFFFE000  }
0x99: {  	[tilespmem:s20], [sflag:$0x1] =	stream.indirect.gather [hbm4b:s0+s23], $0x80, s22, s23, $0xb8;
	[tilespmem:$0x1DC00] =	vst v63  }
0x9a: {  	_ =	swait.ge [sflag:s11], $0x2000  }
0x9b: {  	[sflag:s11] =	ssyncset.done $0x0  }
0x9c: {  	s22 =	sadd.s32 $0x280, s4;
	[sflag:s11] =	ssyncadd.s32 $0xFFFFE000  }
0x9d: {  	[tilespmem:s25], [sflag:$0x2] =	stream.indirect.gather [hbm4b:s0+s23], $0x80, s22, s23, $0xb8;
	[tilespmem:$0x1DC00] =	vst v63  }
0x9e: {  	_ =	swait.ge [sflag:s12], $0x2000  }
0x9f: {  	[sflag:s12] =	ssyncset.done $0x0  }
.Ltmp1:
0xa0: {  	s22 =	sadd.s32 $0x300, s4;
	[sflag:s12] =	ssyncadd.s32 $0xFFFFE000;
	(pc) =	sbr.rel @p0 .LBB2_5-.Ltmp1, $4  }
0xa1: {  	[tilespmem:s28], [sflag:$0x3] =	stream.indirect.gather [hbm4b:s0+s23], $0x80, s22, s23, $0xb8;
	[tilespmem:$0x1DC00] =	vst v63  }
0xa2: {  	_ =	swait.ge [sflag:s13], $0x2000  }
0xa3: {  	[sflag:s13] =	ssyncset.done $0x0  }
0xa4: {  	s4 =	sadd.s32 $0x380, s4;
	[sflag:s13] =	ssyncadd.s32 $0xFFFFE000  }
0xa5: {  	[tilespmem:s30], [sflag:$0x4] =	stream.indirect.gather [hbm4b:s0+s23], $0x80, s4, s23, $0xb8;
	[tilespmem:$0x1DC00] =	vst v63  }
0xa6: {  	_ =	swait.ge [sflag:s31], $0x2000  }
0xa7: {  	[sflag:s31] =	ssyncset.done $0x0  }
0xa8: {  	[sflag:s31] =	ssyncadd.s32 $0xFFFFE000  }
0xa9: {  	[spmem:s3] =	stream.indirect.scatter.add.f32 [tilespmem:s20], [sflag:$0x5], $0x80, s14, s23, $0xb8;
	[tilespmem:$0x1DC00] =	vst v63  }
0xaa: {  	_ =	swait.ge [sflag:s1], $0x2000  }
0xab: {  	[sflag:s1] =	ssyncset.done $0x0  }
0xac: {  	[sflag:s1] =	ssyncadd.s32 $0xFFFFE000  }
0xad: {  	[spmem:s3] =	stream.indirect.scatter.add.f32 [tilespmem:s25], [sflag:$0x6], $0x80, s15, s23, $0xb8;
	[tilespmem:$0x1DC00] =	vst v63  }
0xae: {  	_ =	swait.ge [sflag:s2], $0x2000  }
0xaf: {  	[sflag:s2] =	ssyncset.done $0x0  }
0xb0: {  	[sflag:s2] =	ssyncadd.s32 $0xFFFFE000  }
0xb1: {  	[spmem:s3] =	stream.indirect.scatter.add.f32 [tilespmem:s28], [sflag:$0x7], $0x80, s16, s23, $0xb8;
	[tilespmem:$0x1DC00] =	vst v63  }
0xb2: {  	_ =	swait.ge [sflag:s8], $0x2000  }
0xb3: {  	[sflag:s8] =	ssyncset.done $0x0  }
0xb4: {  	[sflag:s8] =	ssyncadd.s32 $0xFFFFE000  }
0xb5: {  	[spmem:s3] =	stream.indirect.scatter.add.f32 [tilespmem:s30], [sflag:$0x8], $0x80, s17, s23, $0xb8;
	[tilespmem:$0x1DC00] =	vst v63  }
0xb6: {  	_ =	swait.ge [sflag:s10], $0x2000  }
0xb7: {  	[sflag:s10] =	ssyncset.done $0x0  }
0xb8: {  	[sflag:s10] =	ssyncadd.s32 $0xFFFFE000  }
0xb9: {  	_ =	swait.ge [sflag:s11], $0x2000  }
0xba: {  	[sflag:s11] =	ssyncset.done $0x0  }
0xbb: {  	s19 =	sadd.s32 $0x1, s19;
	[sflag:s11] =	ssyncadd.s32 $0xFFFFE000  }
0xbc: {  	p0 =	sne.s32 s19, $0x5;
	_ =	swait.ge [sflag:s12], $0x2000  }
.Ltmp2:
0xbd: {  	[sflag:s12] =	ssyncset.done $0x0;
	(pc) =	sbr.rel @p0 .LBB2_4-.Ltmp2, $4  }
0xbe: {  	[sflag:s12] =	ssyncadd.s32 $0xFFFFE000  }
0xbf: {  	_ =	swait.ge [sflag:s13], $0x2000  }
0xc0: {  	[sflag:s13] =	ssyncset.done $0x0  }
0xc1: {  	[sflag:s13] =	ssyncadd.s32 $0xFFFFE000  }
0xc2: {  	s4 =	stileid.u32;
	[bflag:$0x0] =	sbarrier.arrive $0xFFFF  }
0xc3: {  	s4 =	sshll.u32 s4, $0x6;
	s19 =	rddreg [dreg:$0x5]  }
0xc4: {  	s18 =	rddreg [dreg:$0x7];
	s4 =	sor.u32 $0x1C09, s4;
	s7 =	sshrl.u32 s19, $0x3  }
0xc5: {  	[hbm:s18], [sflag:s4] =	dma.local [spmem:s7], $0x2780  }
0xc6: {  	_ =	swait.ge [sflag:s21], $0x2780  }
0xc7: {  	s7 =	rddreg [dreg:$0x4]  }
0xc8: {  	s22 =	rddreg [dreg:$0x8];
	s18 =	sadd.s32 $0x1, s7  }
0xc9: {  	p0 =	sne.s32 s18, s22  }
.Ltmp3:
0xca: {  	_ = 	snop;
	(pc) =	sbr.rel @p0 .LBB2_1-.Ltmp3, $3  }
0xcb: {  	_ =	sdelay $0x1  }
0xcc: {  	[sflag:s21] =	ssyncset.done $0x0  }
0xcd: {  	[sflag:s21] =	ssyncadd.s32 $0xFFFFD880  }
0xce: {  	_ =	sfence.sel $0x180000  }
0xcf: {  	[bflag:$0x0] =	sbarrier.arrive $0xFFFF  }
0xd0: {  	_ =	strace $0x9000004A  }
0xd1: {  	s0 =	stileid.u32;
	[bflag:$0x2] =	sbarrier.arrive $0xFFFF  }
0xd2: {  	p0 =	sne.s32 s0, $0x0;
	s0 =	rddreg [dreg:$0x3]  }
0xd3: {  	s0 =	sadd.s32 @!p0 $0x100000, s0  }
0xd4: {  	[sflag:s0] =	ssyncadd.tile.s32 @!p0 $0x1;
	_ =	shalt  }
.Lfunc_end2:
_tile_overlayer_lowered:
.L_overlay_start_2:
0xd5: {  	(tag) =	ssettag $0x2  }
0xd6: {  	s0 =	rddreg [dreg:$0x0];
	s2 =	stileid.u32  }
0xd7: {  	s1 =	rddreg [dreg:$0x1];
	p0 =	sne.s32 s2, $0x0  }
0xd8: {  	s3 =	rddreg [dreg:$0x2];
	[bflag:$0x3] =	sbarrier.arrive $0xFFFF;
	s2 =	simm.s32 @!p0 $0x1C09  }
0xd9: {  	[timem:s3], [sflag:s2] =	dma.local @!p0 [hbm:s0], s1  }
0xda: {  	s0 =	simm.s32 @!p0 $0x9  }
0xdb: {  	_ =	swait.ge @!p0 [sflag:s0], s1  }
0xdc: {  	s1 =	ssub.s32 @!p0 $0x0, s1;
	[sflag:s0] =	ssyncset.done @!p0 $0x0  }
0xdd: {  	[sflag:s0] =	ssyncadd.s32 @!p0 s1  }
0xde: {  	[bflag:$0x3] =	sbarrier.arrive $0xFFFF  }
0xdf: {  	_ =	shalt  }

// kernel: kernel.15.cloned.1.call-start
scs
__scs_entry_jumppad:
0x0: {  	(pc) =	sbr.rel $0x88, $3  }
0x1: {  	(tag) =	ssettag $0x0;
	lr =	simm.s32 $0x1  }
0x2: {  	[smem:$0x3F9B] =	sst lr;
	_ =	strace $0xD0000000  }
0x3: {  	_ = 	snop  }
0x4: {  	_ = 	snop  }
0x5: {  	_ = 	snop  }
0x6: {  	_ = 	snop  }
0x7: {  	_ = 	snop  }
__scs_overlays_trampoline_lowered:
0x8: {  	[smem:$0x3FAA] =	sst s0  }
0x9: {  	[smem:$0x3FAB] =	sst s1  }
0xa: {  	[smem:$0x3FAC] =	sst s2  }
0xb: {  	[smem:$0x3FAD] =	sst s3  }
0xc: {  	[smem:$0x3FAE] =	sst s4  }
0xd: {  	[smem:$0x3FAF] =	sst s5  }
0xe: {  	[smem:$0x3FB0] =	sst s6  }
0xf: {  	[smem:$0x3FB1] =	sst s7  }
0x10: {  	[smem:$0x3FB2] =	sst s8  }
0x11: {  	[smem:$0x3FB3] =	sst s9;
	s0 =	simm.s32 @!p0 $0x0  }
0x12: {  	s1 =	sld [smem:$0x3F99];
	s0 =	simm.s32 @p0 $0x1  }
0x13: {  	[smem:$0x3FB4] =	sst s0;
	s0 =	simm.s32 @!p1 $0x0  }
0x14: {  	s2 =	sld [smem:$0x3F98];
	s0 =	simm.s32 @p1 $0x1  }
0x15: {  	[smem:$0x3FB5] =	sst s0;
	s0 =	simm.s32 @!p2 $0x0  }
0x16: {  	s3 =	sld [smem:$0x3FDB];
	s0 =	simm.s32 @p2 $0x1  }
0x17: {  	s4 =	simm.s32 $0x1BF5;
	[smem:$0x3FB7] =	sst s0  }
0x18: {  	s0 =	sld [smem:$0x3F9A];
	_ =	swait.ge [sflag:s4], $0x0  }
0x19: {  	s7 =	sld [smem:$0x3F9B]  }
0x1a: {  	s8 =	sadd.s32 $0xFFFFE003, lr  }
0x1b: {  	s9 =	sadd.s32 $0xFFFFFEF7, lr;
	s5 =	simm.s32 $0xFFFFFFFF;
	p2 =	slt.u32 s8, $0xFFFFF086  }
0x1c: {  	p1 =	slt.u32 s9, $0xF7A;
	s5 =	simm.s32 @!p2 $0x0  }
0x1d: {  	s5 =	simm.s32 @p1 $0x1;
	p0 =	seq.s32 s7, s2  }
0x1e: {  	s7 =	smul.u32 @!p0 $0xF7A, s2;
	p2 =	seq.s32 @!p0 s5, $0x0  }
0x1f: {  	s9 =	smul.u32 $0xF7A, s1;
	s8 =	simm.s32 @!p0 $0x1BF5;
	p2 =	por !p2, p0  }
0x20: {  	[sflag:s8] =	ssyncset.s32 @!p0 $0xFFFFF086;
	s6 =	sadd.s32 @!p0 s3, s7;
	s7 =	simm.s32 @!p0 $0x108  }
0x21: {  	s3 =	sadd.s32 s3, s9;
	s6 =	sadd.s32 @!p0 $0x88, s6;
	s7 =	simm.s32 @p2 $0x1082  }
0x22: {  	[simem:s7], [sflag:s8] =	dma.local @!p0 [hbm:s6], $0xF7A  }
0x23: {  	s9 =	sor.u32 $0xD0000000, s2;
	s6 =	simm.s32 $0x108;
	_ =	swait.ge @!p0 [sflag:s8], $0x0  }
0x24: {  	s3 =	sadd.s32 $0x88, s3;
	s6 =	simm.s32 @!p1 $0x1082;
	[sflag:s4] =	ssyncset.s32 $0xFFFFF086  }
0x25: {  	[simem:s6], [sflag:s4] =	dma.local [hbm:s3], $0xF7A  }
0x26: {  	[smem:$0x3F9B] =	sst s1;
	(tag) =	ssettag s2;
	_ =	strace s9  }
0x27: {  	s1 =	sld [smem:$0x3FAB]  }
0x28: {  	s2 =	sld [smem:$0x3FAC]  }
0x29: {  	s4 =	sld [smem:$0x3FAE]  }
0x2a: {  	p0 =	seq.s32 s5, $0x0;
	s5 =	sld [smem:$0x3FAF]  }
0x2b: {  	s6 =	sld [smem:$0x3FB0]  }
0x2c: {  	s7 =	sld [smem:$0x3FB1]  }
0x2d: {  	s3 =	simm.s32 $0x108;
	s8 =	sld [smem:$0x3FB2]  }
0x2e: {  	s3 =	simm.s32 @!p0 $0x1082;
	s9 =	sld [smem:$0x3FB3]  }
0x2f: {  	lr =	sadd.s32 s0, s3;
	s0 =	sld [smem:$0x3FAA]  }
0x30: {  	s3 =	sld [smem:$0x3FAD]  }
0x31: {  	[smem:$0x3FB6] =	sst s10  }
0x32: {  	s10 =	sld [smem:$0x3FB4];
	_ =	sdelay $0x3  }
0x33: {  	p0 =	seq.s32 s10, $0x1;
	s10 =	sld [smem:$0x3FB6];
	_ =	sdelay $0x3  }
0x34: {  	[smem:$0x3FB6] =	sst s10  }
0x35: {  	s10 =	sld [smem:$0x3FB5];
	_ =	sdelay $0x3  }
0x36: {  	p1 =	seq.s32 s10, $0x1;
	s10 =	sld [smem:$0x3FB6];
	_ =	sdelay $0x3  }
0x37: {  	[smem:$0x3FB6] =	sst s10  }
0x38: {  	s10 =	sld [smem:$0x3FB7]  }
0x39: {  	_ = 	snop;
	(pc) =	sbr.ind lr, $3  }
0x3a: {  	_ = 	snop  }
0x3b: {  	_ = 	snop  }
0x3c: {  	p2 =	seq.s32 s10, $0x1;
	s10 =	sld [smem:$0x3FB6]  }
0x3d: {  	_ =	shalt  }
0x3e: {  	_ =	shalt  }
0x3f: {  	_ =	shalt  }
0x40: {  	_ =	shalt  }
0x41: {  	_ =	shalt  }
0x42: {  	_ =	shalt  }
0x43: {  	_ =	shalt  }
0x44: {  	_ =	shalt  }
0x45: {  	_ =	shalt  }
0x46: {  	_ =	shalt  }
0x47: {  	_ =	shalt  }
0x48: {  	_ =	shalt  }
0x49: {  	_ =	shalt  }
0x4a: {  	_ =	shalt  }
0x4b: {  	_ =	shalt  }
0x4c: {  	_ =	shalt  }
0x4d: {  	_ =	shalt  }
0x4e: {  	_ =	shalt  }
0x4f: {  	_ =	shalt  }
0x50: {  	_ =	shalt  }
0x51: {  	_ =	shalt  }
0x52: {  	_ =	shalt  }
0x53: {  	_ =	shalt  }
0x54: {  	_ =	shalt  }
0x55: {  	_ =	shalt  }
0x56: {  	_ =	shalt  }
0x57: {  	_ =	shalt  }
0x58: {  	_ =	shalt  }
0x59: {  	_ =	shalt  }
0x5a: {  	_ =	shalt  }
0x5b: {  	_ =	shalt  }
0x5c: {  	_ =	shalt  }
0x5d: {  	_ =	shalt  }
0x5e: {  	_ =	shalt  }
0x5f: {  	_ =	shalt  }
0x60: {  	_ =	shalt  }
0x61: {  	_ =	shalt  }
0x62: {  	_ =	shalt  }
0x63: {  	_ =	shalt  }
0x64: {  	_ =	shalt  }
0x65: {  	_ =	shalt  }
0x66: {  	_ =	shalt  }
0x67: {  	_ =	shalt  }
0x68: {  	_ =	shalt  }
0x69: {  	_ =	shalt  }
0x6a: {  	_ =	shalt  }
0x6b: {  	_ =	shalt  }
0x6c: {  	_ =	shalt  }
0x6d: {  	_ =	shalt  }
0x6e: {  	_ =	shalt  }
0x6f: {  	_ =	shalt  }
0x70: {  	_ =	shalt  }
0x71: {  	_ =	shalt  }
0x72: {  	_ =	shalt  }
0x73: {  	_ =	shalt  }
0x74: {  	_ =	shalt  }
0x75: {  	_ =	shalt  }
0x76: {  	_ =	shalt  }
0x77: {  	_ =	shalt  }
0x78: {  	_ =	shalt  }
0x79: {  	_ =	shalt  }
0x7a: {  	_ =	shalt  }
0x7b: {  	_ =	shalt  }
0x7c: {  	_ =	shalt  }
0x7d: {  	_ =	shalt  }
0x7e: {  	_ =	shalt  }
0x7f: {  	_ =	shalt  }
0x80: {  	_ =	shalt  }
0x81: {  	_ =	shalt  }
0x82: {  	_ =	shalt  }
0x83: {  	_ =	shalt  }
0x84: {  	_ =	shalt  }
0x85: {  	_ =	shalt  }
0x86: {  	_ =	shalt  }
0x87: {  	_ =	shalt  }
.Lfunc_end0:
.L_simem_size_0:
called_computation.2_lowered:
.L_overlay_start_0:
0x88: {  	s2 =	sld [smem:$0x3FD9]  }
0x89: {  	s3 =	sld [smem:$0x3FFE];
	_ =	sdelay $0x1  }
0x8a: {  	s1 =	srdreg.scid  }
0x8b: {  	s0 =	sand.u32 $0x1, s1  }
0x8c: {  	s17 =	sshll.u32 s0, $0xA;
	s2 =	sadd.s32 s3, s2  }
0x8d: {  	s2 =	sadd.s32 s2, s17  }
0x8e: {  	[smem:$0x3FC2] =	sst s2  }
0x8f: {  	_ = 	snop  }
0x90: {  	s2 =	sld [smem:$0x3FD0];
	(tm) =	ssettm $0x1  }
0x91: {  	s18 =	sld [smem:$0x3FFB];
	_ =	sdelay $0x3  }
0x92: {  	_ =	strace s18  }
0x93: {  	s3 =	sld [smem:$0x3FFC];
	_ =	sdelay $0x3  }
0x94: {  	_ =	strace s3  }
0x95: {  	s3 =	sld [smem:$0x3FFD];
	_ =	sdelay $0x3  }
0x96: {  	_ =	strace s3  }
0x97: {  	_ =	strace $0x8FFFFFFF  }
0x98: {  	s19 =	sld [smem:$0x3FDB];
	_ =	sdelay $0x1  }
0x99: {  	s4 =	simm.s32 $_scs_section_size  }
0x9a: {  	s5 =	simm.s32 $_size__tile_overlayer_lowered;
	s6 =	simm.s32 $_tile_overlayer_lowered  }
0x9b: {  	s22 =	simm.s32 $0x1BFF;
	s21 =	sshll.u32 s6, $0x1;
	s3 =	sadd.s32 s4, s19  }
0x9c: {  	s7 =	simm.s32 $0x0;
	s20 =	sshll.u32 s5, $0x1;
	s5 =	sadd.s32 s21, s3  }
0x9d: {  	[timem:s7], [sflag:s22] =	dma.local [hbm:s5], s20  }
0x9e: {  	_ =	swait.ge [sflag:s22], s20  }
0x9f: {  	s4 =	ssub.s32 $0x0, s20;
	[sflag:s22] =	ssyncset.done $0x0  }
0xa0: {  	[sflag:s22] =	ssyncadd.s32 s4;
	_ =	sdelay $0x1  }
0xa1: {  	s23 =	simm.s32 $0x1B8B  }
0xa2: {  	_ =	swait.ge [sflag:s23], $0x1  }
0xa3: {  	[sflag:s23] =	ssyncset.done $0x0  }
0xa4: {  	s25 =	simm.s32 $0x1B8E;
	s24 =	sld [smem:$0x3FFE];
	[sflag:s23] =	ssyncadd.s32 $0xFFFFFFFF  }
0xa5: {  	s26 =	simm.s32 $execute0_lowered;
	[smem:$0x3FD2] =	sst s25  }
0xa6: {  	s5 =	sshll.u32 s26, $0x1;
	_ =	strace $0x8000004C;
	[dreg:$0x1] =	wrdreg $0xFFFFFFFF  }
0xa7: {  	s28 =	simm.s32 $_size_execute0_lowered;
	s3 =	sadd.s32 s3, s5;
	[dreg:$0x0] =	wrdreg $0x0  }
0xa8: {  	s5 =	sshll.u32 s28, $0x1;
	[dreg:$0x2] =	wrdreg s3  }
0xa9: {  	[dreg:$0x3] =	wrdreg s5  }
0xaa: {  	[dreg:$0x4] =	wrdreg $0xC0  }
0xab: {  	_ =	task [dreg:s7], $0x5FFFF  }
0xac: {  	[dreg:$0x1] =	wrdreg $0xFFFFFFFF  }
0xad: {  	[dreg:$0x0] =	wrdreg $0x60  }
0xae: {  	[dreg:$0x2] =	wrdreg s2  }
0xaf: {  	[dreg:$0x3] =	wrdreg s24  }
0xb0: {  	[dreg:$0x4] =	wrdreg $0xA0000  }
0xb1: {  	[dreg:$0x5] =	wrdreg $0x9  }
0xb2: {  	_ =	task.clear_ibuf [dreg:s7], $0x6FFFF;
	_ =	strace $0x9000004C  }
0xb3: {  	s29 =	simm.s32 $0x9;
	_ =	strace $0x8000004E  }
0xb4: {  	_ =	swait.ge [sflag:s29], $0x1  }
0xb5: {  	[sflag:s29] =	ssyncadd.s32 $0xFFFFFFFF  }
0xb6: {  	_ =	strace $0x9000004E  }
0xb7: {  	_ =	sfence  }
0xb8: {  	s30 =	sld [smem:$0x0];
	_ =	sdelay $0x2  }
0xb9: {  	s31 =	sshll.u32 s1, $0xD;
	s1 =	sshrl.u32 s1, $0x2  }
0xba: {  	s3 =	sand.u32 $0x4000, s31;
	s1 =	sadd.s32 s1, s30  }
0xbb: {  	s0 =	sor.u32 s3, s0;
	s1 =	sshll.u32 s1, $0x11  }
0xbc: {  	s0 =	sor.u32 s1, s0  }
0xbd: {  	s0 =	sadd.s32 $0x8F2B, s0  }
0xbe: {  	[sflag:s0] =	ssyncadd.remote.s32 $0x1  }
0xbf: {  	_ =	sfence.sel $0xFFFF  }
0xc0: {  	[dreg:$0x0] =	wrdreg $0xFFFFFFFF;
	(pc) =	sbr.abs _section_cstart, $3  }
0xc1: {  	[dreg:$0x1] =	wrdreg $0xFFFFFFFF  }
0xc2: {  	_ =	task.clear_ibuf [dreg:s7], $0x2FFFF;
	_ =	strace $0x9FFFFFFF  }
0xc3: {  	(tm) =	ssettm $0x7FFFFFFF  }
tec
execute0_lowered:
.L_overlay_start_1:
0x0: {  	(tag) =	ssettag $0x1  }
0x1: {  	s0 =	rddreg [dreg:$0x0]  }
0x2: {  	s1 =	rddreg [dreg:$0x1];
	s2 =	srdreg.scid  }
0x3: {  	s3 =	rddreg [dreg:$0x2];
	s9 =	stileid.u32;
	s18 =	simm.s32 $0x0  }
0x4: {  	s28 =	simm.s32 $0x6000;
	s29 =	simm.s32 $0x180;
	s30 =	simm.s32 $0x8000  }
0x5: {  	s31 =	simm.s32 $0x1;
	s10 =	simm.s32 $0x5;
	s11 =	simm.s32 $0x6  }
0x6: {  	s12 =	simm.s32 $0x7;
	s13 =	simm.s32 $0x8;
	s7 =	smul.u32 $0x4F000, s9  }
0x7: {  	s14 =	simm.s32 $0x1E00;
	s2 =	sand.u32 $0x1, s2;
	s5 =	smul.u32 $0x13C00, s9  }
0x8: {  	[smem:$0x7FF] =	sst s18;
	s6 =	sadd.s32 $0x16800, s1;
	s7 =	sshrl.u32 s7, $0x2  }
0x9: {  	s4 =	smul.u32 $0x13C000, s2;
	_ =	strace $0x8000004D;
	s19 =	sadd.s32 s7, s3  }
0xa: {  	s15 =	ssub.s32 $0x2, s2;
	s7 =	sadd.s32 $0x12000, s19;
	[dreg:$0x5] =	wrdreg s19  }
0xb: {  	s2 =	sshll.u32 s2, $0x4;
	s17 =	sadd.s32 $0x2000, s19;
	[dreg:$0x6] =	wrdreg s7  }
0xc: {  	s8 =	sshrl.u32 s15, $0x1;
	s20 =	sadd.s32 $0x4000, s19;
	[dreg:$0x9] =	wrdreg s17  }
0xd: {  	s2 =	sor.u32 s9, s2;
	s21 =	sadd.s32 $0x6000, s19;
	[dreg:$0xa] =	wrdreg s20  }
0xe: {  	s4 =	sadd.s32 s5, s4;
	s22 =	sadd.s32 $0x8000, s19;
	[dreg:$0xb] =	wrdreg s21  }
0xf: {  	s5 =	sadd.s32 $0x2800, s1;
	s23 =	sadd.s32 $0xA000, s19;
	[dreg:$0xc] =	wrdreg s22  }
0x10: {  	s9 =	smul.u32 $0x5, s2;
	s24 =	sadd.s32 $0xC000, s19;
	[dreg:$0xd] =	wrdreg s23  }
0x11: {  	s2 =	simm.s32 $0x3;
	s25 =	sadd.s32 $0xE000, s19;
	[dreg:$0xe] =	wrdreg s24  }
0x12: {  	s4 =	sshrl.u32 s4, $0x3;
	s26 =	sadd.s32 $0x10000, s19;
	[dreg:$0xf] =	wrdreg s25  }
0x13: {  	s1 =	sadd.s32 s4, s1;
	s4 =	ssub.s32 s15, s8;
	[dreg:$0x10] =	wrdreg s26  }
0x14: {  	s20 =	simm.s32 $0x2000;
	s21 =	simm.s32 $0x9;
	s23 =	simm.s32 $0x40  }
0x15: {  	s24 =	simm.s32 $0x80;
	s25 =	simm.s32 $0x4000;
	s26 =	simm.s32 $0x100  }
0x16: {  	s8 =	simm.s32 $0x4;
	s15 =	simm.s32 $0x1E80;
	s1 =	sadd.s32 $0x2A800, s1  }
0x17: {  	s17 =	simm.s32 $0x1F80;
	s16 =	smax.u32 s4, $0x1;
	[dreg:$0x7] =	wrdreg s1  }
0x18: {  	v0 =	vimm.f32 $0.0e+00;
	[dreg:$0x8] =	wrdreg s16;
	s1 =	simm.s32 $0x2;
	s16 =	simm.s32 $0x1F00  }
.LBB2_1:
0x19: {  	[dreg:$0x4] =	wrdreg s18;
	s4 =	simm.s32 $0x0;
	s7 =	simm.s32 $0x200  }
.LBB2_2:
0x1a: {  	p0 =	sne.s32 s7, $0x7E00;
	[tilespmem:s4+$0x2070] =	vst v0  }
0x1b: {  	[tilespmem:s4+$0x2000] =	vst v0  }
0x1c: {  	[tilespmem:s4+$0x2010] =	vst v0  }
.Ltmp0:
0x1d: {  	[tilespmem:s4+$0x2020] =	vst v0;
	(pc) =	sbr.rel @p0 .LBB2_2-.Ltmp0, $4  }
0x1e: {  	[tilespmem:s4+$0x2030] =	vst v0  }
0x1f: {  	[tilespmem:s4+$0x2040] =	vst v0  }
0x20: {  	[tilespmem:s4+$0x2050] =	vst v0  }
0x21: {  	[tilespmem:s4+$0x2060] =	vst v0;
	s4 =	sshra.s32 s7, $0x2;
	s7 =	sadd.s32 $0x200, s7  }
0x22: {  	[tilespmem:s4+$0x2070] =	vst v0  }
0x23: {  	[tilespmem:s4+$0x2000] =	vst v0  }
0x24: {  	[tilespmem:s4+$0x2010] =	vst v0  }
0x25: {  	[tilespmem:s4+$0x2020] =	vst v0  }
0x26: {  	[tilespmem:s4+$0x2030] =	vst v0  }
0x27: {  	[tilespmem:s4+$0x2040] =	vst v0  }
0x28: {  	[tilespmem:s4+$0x2050] =	vst v0  }
0x29: {  	[tilespmem:s4+$0x2060] =	vst v0  }
0x2a: {  	[spmem:s19] =	stream.linear.scatter [tilespmem:s20], [sflag:$0x9], $0x2000, $0x38;
	[tilespmem:$0x1DC00] =	vst v63  }
0x2b: {  	_ =	swait.ge [sflag:s21], $0x2000  }
0x2c: {  	[sflag:s21] =	ssyncset.done $0x0  }
0x2d: {  	s22 =	rddreg [dreg:$0x9];
	[sflag:s21] =	ssyncadd.s32 $0xFFFFE000  }
0x2e: {  	[spmem:s22] =	stream.linear.scatter [tilespmem:s20], [sflag:$0x9], $0x2000, $0x38;
	[tilespmem:$0x1DC00] =	vst v63  }
0x2f: {  	_ =	swait.ge [sflag:s21], $0x2000  }
0x30: {  	[sflag:s21] =	ssyncset.done $0x0  }
0x31: {  	s7 =	rddreg [dreg:$0xa];
	[sflag:s21] =	ssyncadd.s32 $0xFFFFE000  }
0x32: {  	[spmem:s7] =	stream.linear.scatter [tilespmem:s20], [sflag:$0x9], $0x2000, $0x38;
	[tilespmem:$0x1DC00] =	vst v63  }
0x33: {  	_ =	swait.ge [sflag:s21], $0x2000  }
0x34: {  	[sflag:s21] =	ssyncset.done $0x0  }
0x35: {  	s18 =	rddreg [dreg:$0xb];
	[sflag:s21] =	ssyncadd.s32 $0xFFFFE000  }
0x36: {  	[spmem:s18] =	stream.linear.scatter [tilespmem:s20], [sflag:$0x9], $0x2000, $0x38;
	[tilespmem:$0x1DC00] =	vst v63  }
0x37: {  	_ =	swait.ge [sflag:s21], $0x2000  }
0x38: {  	[sflag:s21] =	ssyncset.done $0x0  }
0x39: {  	s19 =	rddreg [dreg:$0xc];
	[sflag:s21] =	ssyncadd.s32 $0xFFFFE000  }
0x3a: {  	[spmem:s19] =	stream.linear.scatter [tilespmem:s20], [sflag:$0x9], $0x2000, $0x38;
	[tilespmem:$0x1DC00] =	vst v63  }
0x3b: {  	_ =	swait.ge [sflag:s21], $0x2000  }
0x3c: {  	[sflag:s21] =	ssyncset.done $0x0  }
0x3d: {  	s22 =	rddreg [dreg:$0xd];
	[sflag:s21] =	ssyncadd.s32 $0xFFFFE000  }
0x3e: {  	[spmem:s22] =	stream.linear.scatter [tilespmem:s20], [sflag:$0x9], $0x2000, $0x38;
	[tilespmem:$0x1DC00] =	vst v63  }
0x3f: {  	_ =	swait.ge [sflag:s21], $0x2000  }
0x40: {  	[sflag:s21] =	ssyncset.done $0x0  }
0x41: {  	s7 =	rddreg [dreg:$0xe];
	[sflag:s21] =	ssyncadd.s32 $0xFFFFE000  }
0x42: {  	[spmem:s7] =	stream.linear.scatter [tilespmem:s20], [sflag:$0x9], $0x2000, $0x38;
	[tilespmem:$0x1DC00] =	vst v63  }
0x43: {  	_ =	swait.ge [sflag:s21], $0x2000  }
0x44: {  	[sflag:s21] =	ssyncset.done $0x0  }
0x45: {  	s18 =	rddreg [dreg:$0xf];
	[sflag:s21] =	ssyncadd.s32 $0xFFFFE000  }
0x46: {  	[spmem:s18] =	stream.linear.scatter [tilespmem:s20], [sflag:$0x9], $0x2000, $0x38;
	[tilespmem:$0x1DC00] =	vst v63  }
0x47: {  	_ =	swait.ge [sflag:s21], $0x2000  }
0x48: {  	[sflag:s21] =	ssyncset.done $0x0  }
0x49: {  	s19 =	rddreg [dreg:$0x10];
	[sflag:s21] =	ssyncadd.s32 $0xFFFFE000  }
0x4a: {  	[spmem:s19] =	stream.linear.scatter [tilespmem:s20], [sflag:$0x9], $0x2000, $0x38;
	[tilespmem:$0x1DC00] =	vst v63  }
0x4b: {  	_ =	swait.ge [sflag:s21], $0x2000  }
0x4c: {  	[sflag:s21] =	ssyncset.done $0x0  }
0x4d: {  	s22 =	rddreg [dreg:$0x6];
	[sflag:s21] =	ssyncadd.s32 $0xFFFFE000  }
0x4e: {  	[spmem:s22] =	stream.linear.scatter [tilespmem:s20], [sflag:$0x9], $0x1C00, $0x38;
	[tilespmem:$0x1DC00] =	vst v63  }
0x4f: {  	_ =	swait.ge [sflag:s21], $0x1C00  }
0x50: {  	[sflag:s21] =	ssyncset.done $0x0  }
0x51: {  	[sflag:s21] =	ssyncadd.s32 $0xFFFFE400  }
0x52: {  	s18 =	simm.s32 $0x0;
	s19 =	simm.s32 $0x0;
	[bflag:$0x0] =	sbarrier.arrive $0xFFFF  }
.LBB2_4:
0x53: {  	s4 =	sadd.s32 s9, s19  }
0x54: {  	s4 =	sshll.u32 s4, $0x9  }
0x55: {  	s7 =	sadd.s32 s5, s4  }
0x56: {  	[tilespmem:s18], [sflag:$0x9] =	stream.linear.gather [hbm4b:s7+s18], $0x1000, $0x38;
	[tilespmem:$0x1DC00] =	vst v63  }
0x57: {  	_ =	swait.ge [sflag:s21], $0x1000  }
0x58: {  	[sflag:s21] =	ssyncset.done $0x0  }
0x59: {  	s22 =	simm.s32 $0x1000;
	s4 =	sadd.s32 s6, s4;
	[sflag:s21] =	ssyncadd.s32 $0xFFFFF000  }
0x5a: {  	[tilespmem:s22], [sflag:$0x9] =	stream.linear.gather [hbm4b:s4+s18], $0x1000, $0x38;
	[tilespmem:$0x1DC00] =	vst v63  }
0x5b: {  	_ =	swait.ge [sflag:s21], $0x1000  }
0x5c: {  	[sflag:s21] =	ssyncset.done $0x0  }
0x5d: {  	[sflag:s21] =	ssyncadd.s32 $0xFFFFF000  }
0x5e: {  	[tilespmem:s20], [sflag:$0x1] =	stream.indirect.gather [hbm4b:s0+s23], $0x80, s18, s23, $0xb8;
	[tilespmem:$0x1DC00] =	vst v63  }
0x5f: {  	_ = 	snop  }
0x60: {  	[tilespmem:s25], [sflag:$0x2] =	stream.indirect.gather [hbm4b:s0+s23], $0x80, s24, s23, $0xb8;
	[tilespmem:$0x1DC00] =	vst v63  }
0x61: {  	_ = 	snop  }
0x62: {  	[tilespmem:s28], [sflag:$0x3] =	stream.indirect.gather [hbm4b:s0+s23], $0x80, s26, s23, $0xb8;
	[tilespmem:$0x1DC00] =	vst v63  }
0x63: {  	_ = 	snop  }
0x64: {  	[tilespmem:s30], [sflag:$0x4] =	stream.indirect.gather [hbm4b:s0+s23], $0x80, s29, s23, $0xb8;
	[tilespmem:$0x1DC00] =	vst v63  }
0x65: {  	_ =	swait.ge [sflag:s31], $0x2000  }
0x66: {  	[sflag:s31] =	ssyncset.done $0x0  }
0x67: {  	s22 =	simm.s32 $0x1000;
	[sflag:s31] =	ssyncadd.s32 $0xFFFFE000  }
0x68: {  	[spmem:s3] =	stream.indirect.scatter.add.f32 [tilespmem:s20], [sflag:$0x5], $0x80, s22, s23, $0xb8;
	[tilespmem:$0x1DC00] =	vst v63  }
0x69: {  	_ =	swait.ge [sflag:s1], $0x2000  }
0x6a: {  	[sflag:s1] =	ssyncset.done $0x0  }
0x6b: {  	s7 =	simm.s32 $0x1080;
	[sflag:s1] =	ssyncadd.s32 $0xFFFFE000  }
0x6c: {  	[spmem:s3] =	stream.indirect.scatter.add.f32 [tilespmem:s25], [sflag:$0x6], $0x80, s7, s23, $0xb8;
	[tilespmem:$0x1DC00] =	vst v63  }
0x6d: {  	_ =	swait.ge [sflag:s2], $0x2000  }
0x6e: {  	[sflag:s2] =	ssyncset.done $0x0  }
0x6f: {  	s22 =	simm.s32 $0x1100;
	[sflag:s2] =	ssyncadd.s32 $0xFFFFE000  }
0x70: {  	[spmem:s3] =	stream.indirect.scatter.add.f32 [tilespmem:s28], [sflag:$0x7], $0x80, s22, s23, $0xb8;
	[tilespmem:$0x1DC00] =	vst v63  }
0x71: {  	_ =	swait.ge [sflag:s8], $0x2000  }
0x72: {  	[sflag:s8] =	ssyncset.done $0x0  }
0x73: {  	s7 =	simm.s32 $0x1180;
	[sflag:s8] =	ssyncadd.s32 $0xFFFFE000  }
0x74: {  	[spmem:s3] =	stream.indirect.scatter.add.f32 [tilespmem:s30], [sflag:$0x8], $0x80, s7, s23, $0xb8;
	[tilespmem:$0x1DC00] =	vst v63  }
0x75: {  	_ =	swait.ge [sflag:s10], $0x2000  }
0x76: {  	[sflag:s10] =	ssyncset.done $0x0  }
0x77: {  	s22 =	simm.s32 $0x200;
	[sflag:s10] =	ssyncadd.s32 $0xFFFFE000  }
0x78: {  	[tilespmem:s20], [sflag:$0x1] =	stream.indirect.gather [hbm4b:s0+s23], $0x80, s22, s23, $0xb8;
	[tilespmem:$0x1DC00] =	vst v63  }
0x79: {  	_ =	swait.ge [sflag:s11], $0x2000  }
0x7a: {  	[sflag:s11] =	ssyncset.done $0x0  }
0x7b: {  	s7 =	simm.s32 $0x280;
	[sflag:s11] =	ssyncadd.s32 $0xFFFFE000  }
0x7c: {  	[tilespmem:s25], [sflag:$0x2] =	stream.indirect.gather [hbm4b:s0+s23], $0x80, s7, s23, $0xb8;
	[tilespmem:$0x1DC00] =	vst v63  }
0x7d: {  	_ =	swait.ge [sflag:s12], $0x2000  }
0x7e: {  	[sflag:s12] =	ssyncset.done $0x0  }
0x7f: {  	s22 =	simm.s32 $0x300;
	[sflag:s12] =	ssyncadd.s32 $0xFFFFE000  }
0x80: {  	[tilespmem:s28], [sflag:$0x3] =	stream.indirect.gather [hbm4b:s0+s23], $0x80, s22, s23, $0xb8;
	[tilespmem:$0x1DC00] =	vst v63  }
0x81: {  	_ =	swait.ge [sflag:s13], $0x2000  }
0x82: {  	[sflag:s13] =	ssyncset.done $0x0  }
0x83: {  	s4 =	simm.s32 $0x380;
	s7 =	simm.s32 $0x800;
	[sflag:s13] =	ssyncadd.s32 $0xFFFFE000  }
.LBB2_5:
0x84: {  	[tilespmem:s30], [sflag:$0x4] =	stream.indirect.gather [hbm4b:s0+s23], $0x80, s4, s23, $0xb8;
	[tilespmem:$0x1DC00] =	vst v63  }
0x85: {  	s4 =	smov.u32 s7  }
0x86: {  	p0 =	sne.s32 s7, $0x3000;
	s7 =	sadd.s32 $0x800, s7;
	_ =	swait.ge [sflag:s31], $0x2000  }
0x87: {  	s4 =	sshra.s32 s4, $0x2;
	[sflag:s31] =	ssyncset.done $0x0  }
0x88: {  	s22 =	sadd.s32 $0x1000, s4;
	[sflag:s31] =	ssyncadd.s32 $0xFFFFE000  }
0x89: {  	[spmem:s3] =	stream.indirect.scatter.add.f32 [tilespmem:s20], [sflag:$0x5], $0x80, s22, s23, $0xb8;
	[tilespmem:$0x1DC00] =	vst v63  }
0x8a: {  	_ =	swait.ge [sflag:s1], $0x2000  }
0x8b: {  	[sflag:s1] =	ssyncset.done $0x0  }
0x8c: {  	s22 =	sadd.s32 $0x1080, s4;
	[sflag:s1] =	ssyncadd.s32 $0xFFFFE000  }
0x8d: {  	[spmem:s3] =	stream.indirect.scatter.add.f32 [tilespmem:s25], [sflag:$0x6], $0x80, s22, s23, $0xb8;
	[tilespmem:$0x1DC00] =	vst v63  }
0x8e: {  	_ =	swait.ge [sflag:s2], $0x2000  }
0x8f: {  	[sflag:s2] =	ssyncset.done $0x0  }
0x90: {  	s22 =	sadd.s32 $0x1100, s4;
	[sflag:s2] =	ssyncadd.s32 $0xFFFFE000  }
0x91: {  	[spmem:s3] =	stream.indirect.scatter.add.f32 [tilespmem:s28], [sflag:$0x7], $0x80, s22, s23, $0xb8;
	[tilespmem:$0x1DC00] =	vst v63  }
0x92: {  	_ =	swait.ge [sflag:s8], $0x2000  }
0x93: {  	[sflag:s8] =	ssyncset.done $0x0  }
0x94: {  	s22 =	sadd.s32 $0x1180, s4;
	[sflag:s8] =	ssyncadd.s32 $0xFFFFE000  }
0x95: {  	[spmem:s3] =	stream.indirect.scatter.add.f32 [tilespmem:s30], [sflag:$0x8], $0x80, s22, s23, $0xb8;
	[tilespmem:$0x1DC00] =	vst v63  }
0x96: {  	_ =	swait.ge [sflag:s10], $0x2000  }
0x97: {  	[sflag:s10] =	ssyncset.done $0x0  }
0x98: {  	s22 =	sadd.s32 $0x200, s4;
	[sflag:s10] =	ssyncadd.s32 $0xFFFFE000  }
0x99: {  	[tilespmem:s20], [sflag:$0x1] =	stream.indirect.gather [hbm4b:s0+s23], $0x80, s22, s23, $0xb8;
	[tilespmem:$0x1DC00] =	vst v63  }
0x9a: {  	_ =	swait.ge [sflag:s11], $0x2000  }
0x9b: {  	[sflag:s11] =	ssyncset.done $0x0  }
0x9c: {  	s22 =	sadd.s32 $0x280, s4;
	[sflag:s11] =	ssyncadd.s32 $0xFFFFE000  }
0x9d: {  	[tilespmem:s25], [sflag:$0x2] =	stream.indirect.gather [hbm4b:s0+s23], $0x80, s22, s23, $0xb8;
	[tilespmem:$0x1DC00] =	vst v63  }
0x9e: {  	_ =	swait.ge [sflag:s12], $0x2000  }
0x9f: {  	[sflag:s12] =	ssyncset.done $0x0  }
.Ltmp1:
0xa0: {  	s22 =	sadd.s32 $0x300, s4;
	[sflag:s12] =	ssyncadd.s32 $0xFFFFE000;
	(pc) =	sbr.rel @p0 .LBB2_5-.Ltmp1, $4  }
0xa1: {  	[tilespmem:s28], [sflag:$0x3] =	stream.indirect.gather [hbm4b:s0+s23], $0x80, s22, s23, $0xb8;
	[tilespmem:$0x1DC00] =	vst v63  }
0xa2: {  	_ =	swait.ge [sflag:s13], $0x2000  }
0xa3: {  	[sflag:s13] =	ssyncset.done $0x0  }
0xa4: {  	s4 =	sadd.s32 $0x380, s4;
	[sflag:s13] =	ssyncadd.s32 $0xFFFFE000  }
0xa5: {  	[tilespmem:s30], [sflag:$0x4] =	stream.indirect.gather [hbm4b:s0+s23], $0x80, s4, s23, $0xb8;
	[tilespmem:$0x1DC00] =	vst v63  }
0xa6: {  	_ =	swait.ge [sflag:s31], $0x2000  }
0xa7: {  	[sflag:s31] =	ssyncset.done $0x0  }
0xa8: {  	[sflag:s31] =	ssyncadd.s32 $0xFFFFE000  }
0xa9: {  	[spmem:s3] =	stream.indirect.scatter.add.f32 [tilespmem:s20], [sflag:$0x5], $0x80, s14, s23, $0xb8;
	[tilespmem:$0x1DC00] =	vst v63  }
0xaa: {  	_ =	swait.ge [sflag:s1], $0x2000  }
0xab: {  	[sflag:s1] =	ssyncset.done $0x0  }
0xac: {  	[sflag:s1] =	ssyncadd.s32 $0xFFFFE000  }
0xad: {  	[spmem:s3] =	stream.indirect.scatter.add.f32 [tilespmem:s25], [sflag:$0x6], $0x80, s15, s23, $0xb8;
	[tilespmem:$0x1DC00] =	vst v63  }
0xae: {  	_ =	swait.ge [sflag:s2], $0x2000  }
0xaf: {  	[sflag:s2] =	ssyncset.done $0x0  }
0xb0: {  	[sflag:s2] =	ssyncadd.s32 $0xFFFFE000  }
0xb1: {  	[spmem:s3] =	stream.indirect.scatter.add.f32 [tilespmem:s28], [sflag:$0x7], $0x80, s16, s23, $0xb8;
	[tilespmem:$0x1DC00] =	vst v63  }
0xb2: {  	_ =	swait.ge [sflag:s8], $0x2000  }
0xb3: {  	[sflag:s8] =	ssyncset.done $0x0  }
0xb4: {  	[sflag:s8] =	ssyncadd.s32 $0xFFFFE000  }
0xb5: {  	[spmem:s3] =	stream.indirect.scatter.add.f32 [tilespmem:s30], [sflag:$0x8], $0x80, s17, s23, $0xb8;
	[tilespmem:$0x1DC00] =	vst v63  }
0xb6: {  	_ =	swait.ge [sflag:s10], $0x2000  }
0xb7: {  	[sflag:s10] =	ssyncset.done $0x0  }
0xb8: {  	[sflag:s10] =	ssyncadd.s32 $0xFFFFE000  }
0xb9: {  	_ =	swait.ge [sflag:s11], $0x2000  }
0xba: {  	[sflag:s11] =	ssyncset.done $0x0  }
0xbb: {  	s19 =	sadd.s32 $0x1, s19;
	[sflag:s11] =	ssyncadd.s32 $0xFFFFE000  }
0xbc: {  	p0 =	sne.s32 s19, $0x5;
	_ =	swait.ge [sflag:s12], $0x2000  }
.Ltmp2:
0xbd: {  	[sflag:s12] =	ssyncset.done $0x0;
	(pc) =	sbr.rel @p0 .LBB2_4-.Ltmp2, $4  }
0xbe: {  	[sflag:s12] =	ssyncadd.s32 $0xFFFFE000  }
0xbf: {  	_ =	swait.ge [sflag:s13], $0x2000  }
0xc0: {  	[sflag:s13] =	ssyncset.done $0x0  }
0xc1: {  	[sflag:s13] =	ssyncadd.s32 $0xFFFFE000  }
0xc2: {  	s4 =	stileid.u32;
	[bflag:$0x0] =	sbarrier.arrive $0xFFFF  }
0xc3: {  	s4 =	sshll.u32 s4, $0x6;
	s19 =	rddreg [dreg:$0x5]  }
0xc4: {  	s18 =	rddreg [dreg:$0x7];
	s4 =	sor.u32 $0x1C09, s4;
	s7 =	sshrl.u32 s19, $0x3  }
0xc5: {  	[hbm:s18], [sflag:s4] =	dma.local [spmem:s7], $0x2780  }
0xc6: {  	_ =	swait.ge [sflag:s21], $0x2780  }
0xc7: {  	s7 =	rddreg [dreg:$0x4]  }
0xc8: {  	s22 =	rddreg [dreg:$0x8];
	s18 =	sadd.s32 $0x1, s7  }
0xc9: {  	p0 =	sne.s32 s18, s22  }
.Ltmp3:
0xca: {  	_ = 	snop;
	(pc) =	sbr.rel @p0 .LBB2_1-.Ltmp3, $3  }
0xcb: {  	_ =	sdelay $0x1  }
0xcc: {  	[sflag:s21] =	ssyncset.done $0x0  }
0xcd: {  	[sflag:s21] =	ssyncadd.s32 $0xFFFFD880  }
0xce: {  	_ =	sfence.sel $0x180000  }
0xcf: {  	[bflag:$0x0] =	sbarrier.arrive $0xFFFF  }
0xd0: {  	_ =	strace $0x9000004D  }
0xd1: {  	s0 =	stileid.u32;
	[bflag:$0x2] =	sbarrier.arrive $0xFFFF  }
0xd2: {  	p0 =	sne.s32 s0, $0x0;
	s0 =	rddreg [dreg:$0x3]  }
0xd3: {  	s0 =	sadd.s32 @!p0 $0x100000, s0  }
0xd4: {  	[sflag:s0] =	ssyncadd.tile.s32 @!p0 $0x1;
	_ =	shalt  }
.Lfunc_end2:
_tile_overlayer_lowered:
.L_overlay_start_2:
0xd5: {  	(tag) =	ssettag $0x2  }
0xd6: {  	s0 =	rddreg [dreg:$0x0];
	s2 =	stileid.u32  }
0xd7: {  	s1 =	rddreg [dreg:$0x1];
	p0 =	sne.s32 s2, $0x0  }
0xd8: {  	s3 =	rddreg [dreg:$0x2];
	[bflag:$0x3] =	sbarrier.arrive $0xFFFF;
	s2 =	simm.s32 @!p0 $0x1C09  }
0xd9: {  	[timem:s3], [sflag:s2] =	dma.local @!p0 [hbm:s0], s1  }
0xda: {  	s0 =	simm.s32 @!p0 $0x9  }
0xdb: {  	_ =	swait.ge @!p0 [sflag:s0], s1  }
0xdc: {  	s1 =	ssub.s32 @!p0 $0x0, s1;
	[sflag:s0] =	ssyncset.done @!p0 $0x0  }
0xdd: {  	[sflag:s0] =	ssyncadd.s32 @!p0 s1  }
0xde: {  	[bflag:$0x3] =	sbarrier.arrive $0xFFFF  }
0xdf: {  	_ =	shalt  }

// kernel: kernel.9.cloned.1.call-start
scs
__scs_entry_jumppad:
0x0: {  	(pc) =	sbr.rel $0x88, $3  }
0x1: {  	(tag) =	ssettag $0x0;
	lr =	simm.s32 $0x1  }
0x2: {  	[smem:$0x3F9B] =	sst lr;
	_ =	strace $0xD0000000  }
0x3: {  	_ = 	snop  }
0x4: {  	_ = 	snop  }
0x5: {  	_ = 	snop  }
0x6: {  	_ = 	snop  }
0x7: {  	_ = 	snop  }
__scs_overlays_trampoline_lowered:
0x8: {  	[smem:$0x3FAA] =	sst s0  }
0x9: {  	[smem:$0x3FAB] =	sst s1  }
0xa: {  	[smem:$0x3FAC] =	sst s2  }
0xb: {  	[smem:$0x3FAD] =	sst s3  }
0xc: {  	[smem:$0x3FAE] =	sst s4  }
0xd: {  	[smem:$0x3FAF] =	sst s5  }
0xe: {  	[smem:$0x3FB0] =	sst s6  }
0xf: {  	[smem:$0x3FB1] =	sst s7  }
0x10: {  	[smem:$0x3FB2] =	sst s8  }
0x11: {  	[smem:$0x3FB3] =	sst s9;
	s0 =	simm.s32 @!p0 $0x0  }
0x12: {  	s1 =	sld [smem:$0x3F99];
	s0 =	simm.s32 @p0 $0x1  }
0x13: {  	[smem:$0x3FB4] =	sst s0;
	s0 =	simm.s32 @!p1 $0x0  }
0x14: {  	s2 =	sld [smem:$0x3F98];
	s0 =	simm.s32 @p1 $0x1  }
0x15: {  	[smem:$0x3FB5] =	sst s0;
	s0 =	simm.s32 @!p2 $0x0  }
0x16: {  	s3 =	sld [smem:$0x3FDB];
	s0 =	simm.s32 @p2 $0x1  }
0x17: {  	s4 =	simm.s32 $0x1BF5;
	[smem:$0x3FB7] =	sst s0  }
0x18: {  	s0 =	sld [smem:$0x3F9A];
	_ =	swait.ge [sflag:s4], $0x0  }
0x19: {  	s7 =	sld [smem:$0x3F9B]  }
0x1a: {  	s8 =	sadd.s32 $0xFFFFE003, lr  }
0x1b: {  	s9 =	sadd.s32 $0xFFFFFEF7, lr;
	s5 =	simm.s32 $0xFFFFFFFF;
	p2 =	slt.u32 s8, $0xFFFFF086  }
0x1c: {  	p1 =	slt.u32 s9, $0xF7A;
	s5 =	simm.s32 @!p2 $0x0  }
0x1d: {  	s5 =	simm.s32 @p1 $0x1;
	p0 =	seq.s32 s7, s2  }
0x1e: {  	s7 =	smul.u32 @!p0 $0xF7A, s2;
	p2 =	seq.s32 @!p0 s5, $0x0  }
0x1f: {  	s9 =	smul.u32 $0xF7A, s1;
	s8 =	simm.s32 @!p0 $0x1BF5;
	p2 =	por !p2, p0  }
0x20: {  	[sflag:s8] =	ssyncset.s32 @!p0 $0xFFFFF086;
	s6 =	sadd.s32 @!p0 s3, s7;
	s7 =	simm.s32 @!p0 $0x108  }
0x21: {  	s3 =	sadd.s32 s3, s9;
	s6 =	sadd.s32 @!p0 $0x88, s6;
	s7 =	simm.s32 @p2 $0x1082  }
0x22: {  	[simem:s7], [sflag:s8] =	dma.local @!p0 [hbm:s6], $0xF7A  }
0x23: {  	s9 =	sor.u32 $0xD0000000, s2;
	s6 =	simm.s32 $0x108;
	_ =	swait.ge @!p0 [sflag:s8], $0x0  }
0x24: {  	s3 =	sadd.s32 $0x88, s3;
	s6 =	simm.s32 @!p1 $0x1082;
	[sflag:s4] =	ssyncset.s32 $0xFFFFF086  }
0x25: {  	[simem:s6], [sflag:s4] =	dma.local [hbm:s3], $0xF7A  }
0x26: {  	[smem:$0x3F9B] =	sst s1;
	(tag) =	ssettag s2;
	_ =	strace s9  }
0x27: {  	s1 =	sld [smem:$0x3FAB]  }
0x28: {  	s2 =	sld [smem:$0x3FAC]  }
0x29: {  	s4 =	sld [smem:$0x3FAE]  }
0x2a: {  	p0 =	seq.s32 s5, $0x0;
	s5 =	sld [smem:$0x3FAF]  }
0x2b: {  	s6 =	sld [smem:$0x3FB0]  }
0x2c: {  	s7 =	sld [smem:$0x3FB1]  }
0x2d: {  	s3 =	simm.s32 $0x108;
	s8 =	sld [smem:$0x3FB2]  }
0x2e: {  	s3 =	simm.s32 @!p0 $0x1082;
	s9 =	sld [smem:$0x3FB3]  }
0x2f: {  	lr =	sadd.s32 s0, s3;
	s0 =	sld [smem:$0x3FAA]  }
0x30: {  	s3 =	sld [smem:$0x3FAD]  }
0x31: {  	[smem:$0x3FB6] =	sst s10  }
0x32: {  	s10 =	sld [smem:$0x3FB4];
	_ =	sdelay $0x3  }
0x33: {  	p0 =	seq.s32 s10, $0x1;
	s10 =	sld [smem:$0x3FB6];
	_ =	sdelay $0x3  }
0x34: {  	[smem:$0x3FB6] =	sst s10  }
0x35: {  	s10 =	sld [smem:$0x3FB5];
	_ =	sdelay $0x3  }
0x36: {  	p1 =	seq.s32 s10, $0x1;
	s10 =	sld [smem:$0x3FB6];
	_ =	sdelay $0x3  }
0x37: {  	[smem:$0x3FB6] =	sst s10  }
0x38: {  	s10 =	sld [smem:$0x3FB7]  }
0x39: {  	_ = 	snop;
	(pc) =	sbr.ind lr, $3  }
0x3a: {  	_ = 	snop  }
0x3b: {  	_ = 	snop  }
0x3c: {  	p2 =	seq.s32 s10, $0x1;
	s10 =	sld [smem:$0x3FB6]  }
0x3d: {  	_ =	shalt  }
0x3e: {  	_ =	shalt  }
0x3f: {  	_ =	shalt  }
0x40: {  	_ =	shalt  }
0x41: {  	_ =	shalt  }
0x42: {  	_ =	shalt  }
0x43: {  	_ =	shalt  }
0x44: {  	_ =	shalt  }
0x45: {  	_ =	shalt  }
0x46: {  	_ =	shalt  }
0x47: {  	_ =	shalt  }
0x48: {  	_ =	shalt  }
0x49: {  	_ =	shalt  }
0x4a: {  	_ =	shalt  }
0x4b: {  	_ =	shalt  }
0x4c: {  	_ =	shalt  }
0x4d: {  	_ =	shalt  }
0x4e: {  	_ =	shalt  }
0x4f: {  	_ =	shalt  }
0x50: {  	_ =	shalt  }
0x51: {  	_ =	shalt  }
0x52: {  	_ =	shalt  }
0x53: {  	_ =	shalt  }
0x54: {  	_ =	shalt  }
0x55: {  	_ =	shalt  }
0x56: {  	_ =	shalt  }
0x57: {  	_ =	shalt  }
0x58: {  	_ =	shalt  }
0x59: {  	_ =	shalt  }
0x5a: {  	_ =	shalt  }
0x5b: {  	_ =	shalt  }
0x5c: {  	_ =	shalt  }
0x5d: {  	_ =	shalt  }
0x5e: {  	_ =	shalt  }
0x5f: {  	_ =	shalt  }
0x60: {  	_ =	shalt  }
0x61: {  	_ =	shalt  }
0x62: {  	_ =	shalt  }
0x63: {  	_ =	shalt  }
0x64: {  	_ =	shalt  }
0x65: {  	_ =	shalt  }
0x66: {  	_ =	shalt  }
0x67: {  	_ =	shalt  }
0x68: {  	_ =	shalt  }
0x69: {  	_ =	shalt  }
0x6a: {  	_ =	shalt  }
0x6b: {  	_ =	shalt  }
0x6c: {  	_ =	shalt  }
0x6d: {  	_ =	shalt  }
0x6e: {  	_ =	shalt  }
0x6f: {  	_ =	shalt  }
0x70: {  	_ =	shalt  }
0x71: {  	_ =	shalt  }
0x72: {  	_ =	shalt  }
0x73: {  	_ =	shalt  }
0x74: {  	_ =	shalt  }
0x75: {  	_ =	shalt  }
0x76: {  	_ =	shalt  }
0x77: {  	_ =	shalt  }
0x78: {  	_ =	shalt  }
0x79: {  	_ =	shalt  }
0x7a: {  	_ =	shalt  }
0x7b: {  	_ =	shalt  }
0x7c: {  	_ =	shalt  }
0x7d: {  	_ =	shalt  }
0x7e: {  	_ =	shalt  }
0x7f: {  	_ =	shalt  }
0x80: {  	_ =	shalt  }
0x81: {  	_ =	shalt  }
0x82: {  	_ =	shalt  }
0x83: {  	_ =	shalt  }
0x84: {  	_ =	shalt  }
0x85: {  	_ =	shalt  }
0x86: {  	_ =	shalt  }
0x87: {  	_ =	shalt  }
.Lfunc_end0:
.L_simem_size_0:
called_computation_lowered:
.L_overlay_start_0:
0x88: {  	s2 =	sld [smem:$0x3FD9]  }
0x89: {  	s3 =	sld [smem:$0x3FFE];
	_ =	sdelay $0x1  }
0x8a: {  	s1 =	srdreg.scid  }
0x8b: {  	s0 =	sand.u32 $0x1, s1  }
0x8c: {  	s17 =	sshll.u32 s0, $0xA;
	s2 =	sadd.s32 s3, s2  }
0x8d: {  	s2 =	sadd.s32 s2, s17  }
0x8e: {  	[smem:$0x3FC2] =	sst s2  }
0x8f: {  	_ = 	snop  }
0x90: {  	s2 =	sld [smem:$0x3FD0];
	(tm) =	ssettm $0x1  }
0x91: {  	s18 =	sld [smem:$0x3FFB];
	_ =	sdelay $0x3  }
0x92: {  	_ =	strace s18  }
0x93: {  	s3 =	sld [smem:$0x3FFC];
	_ =	sdelay $0x3  }
0x94: {  	_ =	strace s3  }
0x95: {  	s3 =	sld [smem:$0x3FFD];
	_ =	sdelay $0x3  }
0x96: {  	_ =	strace s3  }
0x97: {  	_ =	strace $0x8FFFFFFF  }
0x98: {  	s19 =	sld [smem:$0x3FDB];
	_ =	sdelay $0x1  }
0x99: {  	s4 =	simm.s32 $_scs_section_size  }
0x9a: {  	s5 =	simm.s32 $_size__tile_overlayer_lowered;
	s6 =	simm.s32 $_tile_overlayer_lowered  }
0x9b: {  	s22 =	simm.s32 $0x1BFF;
	s21 =	sshll.u32 s6, $0x1;
	s3 =	sadd.s32 s4, s19  }
0x9c: {  	s7 =	simm.s32 $0x0;
	s20 =	sshll.u32 s5, $0x1;
	s5 =	sadd.s32 s21, s3  }
0x9d: {  	[timem:s7], [sflag:s22] =	dma.local [hbm:s5], s20  }
0x9e: {  	_ =	swait.ge [sflag:s22], s20  }
0x9f: {  	s4 =	ssub.s32 $0x0, s20;
	[sflag:s22] =	ssyncset.done $0x0  }
0xa0: {  	[sflag:s22] =	ssyncadd.s32 s4;
	_ =	sdelay $0x1  }
0xa1: {  	s23 =	simm.s32 $0x1B8B  }
0xa2: {  	_ =	swait.ge [sflag:s23], $0x1  }
0xa3: {  	[sflag:s23] =	ssyncset.done $0x0  }
0xa4: {  	s25 =	simm.s32 $0x1B8E;
	s24 =	sld [smem:$0x3FFE];
	[sflag:s23] =	ssyncadd.s32 $0xFFFFFFFF  }
0xa5: {  	s26 =	simm.s32 $execute0_lowered;
	[smem:$0x3FD2] =	sst s25  }
0xa6: {  	s5 =	sshll.u32 s26, $0x1;
	_ =	strace $0x80000046;
	[dreg:$0x1] =	wrdreg $0xFFFFFFFF  }
0xa7: {  	s28 =	simm.s32 $_size_execute0_lowered;
	s3 =	sadd.s32 s3, s5;
	[dreg:$0x0] =	wrdreg $0x0  }
0xa8: {  	s5 =	sshll.u32 s28, $0x1;
	[dreg:$0x2] =	wrdreg s3  }
0xa9: {  	[dreg:$0x3] =	wrdreg s5  }
0xaa: {  	[dreg:$0x4] =	wrdreg $0xC0  }
0xab: {  	_ =	task [dreg:s7], $0x5FFFF  }
0xac: {  	[dreg:$0x1] =	wrdreg $0xFFFFFFFF  }
0xad: {  	[dreg:$0x0] =	wrdreg $0x60  }
0xae: {  	[dreg:$0x2] =	wrdreg s2  }
0xaf: {  	[dreg:$0x3] =	wrdreg s24  }
0xb0: {  	[dreg:$0x4] =	wrdreg $0x7B800  }
0xb1: {  	[dreg:$0x5] =	wrdreg $0x9  }
0xb2: {  	_ =	task.clear_ibuf [dreg:s7], $0x6FFFF;
	_ =	strace $0x90000046  }
0xb3: {  	s29 =	simm.s32 $0x9;
	_ =	strace $0x80000048  }
0xb4: {  	_ =	swait.ge [sflag:s29], $0x1  }
0xb5: {  	[sflag:s29] =	ssyncadd.s32 $0xFFFFFFFF  }
0xb6: {  	_ =	strace $0x90000048  }
0xb7: {  	_ =	sfence  }
0xb8: {  	s30 =	sld [smem:$0x0];
	_ =	sdelay $0x2  }
0xb9: {  	s31 =	sshll.u32 s1, $0xD;
	s1 =	sshrl.u32 s1, $0x2  }
0xba: {  	s3 =	sand.u32 $0x4000, s31;
	s1 =	sadd.s32 s1, s30  }
0xbb: {  	s0 =	sor.u32 s3, s0;
	s1 =	sshll.u32 s1, $0x11  }
0xbc: {  	s0 =	sor.u32 s1, s0  }
0xbd: {  	s0 =	sadd.s32 $0x8F2B, s0  }
0xbe: {  	[sflag:s0] =	ssyncadd.remote.s32 $0x1  }
0xbf: {  	_ =	sfence.sel $0xFFFF  }
0xc0: {  	[dreg:$0x0] =	wrdreg $0xFFFFFFFF;
	(pc) =	sbr.abs _section_cstart, $3  }
0xc1: {  	[dreg:$0x1] =	wrdreg $0xFFFFFFFF  }
0xc2: {  	_ =	task.clear_ibuf [dreg:s7], $0x2FFFF;
	_ =	strace $0x9FFFFFFF  }
0xc3: {  	(tm) =	ssettm $0x7FFFFFFF  }
tec
execute0_lowered:
.L_overlay_start_1:
0x0: {  	(tag) =	ssettag $0x1  }
0x1: {  	s3 =	rddreg [dreg:$0x0]  }
0x2: {  	s4 =	rddreg [dreg:$0x1]  }
0x3: {  	s5 =	rddreg [dreg:$0x2]  }
0x4: {  	s0 =	rddreg [dreg:$0x3]  }
0x5: {  	s2 =	simm.s32 $0x0;
	s1 =	stileid.u32;
	s7 =	srdreg.scid  }
0x6: {  	s12 =	simm.s32 $0x7680;
	s13 =	simm.s32 $0x7900;
	s6 =	smul.u32 $0x50, s1  }
0x7: {  	s14 =	simm.s32 $0x0;
	[smem:$0x7FF] =	sst s2;
	s28 =	smul.u32 $0x4E20, s1  }
0x8: {  	s8 =	sand.u32 $0x1, s7;
	s9 =	sshrl.u32 s1, $0x3;
	s30 =	smul.u32 $0x5000, s1  }
0x9: {  	s31 =	sshll.u32 s1, $0x7;
	_ =	strace $0x80000047;
	s29 =	ssub.s32 $0x2, s8  }
0xa: {  	s9 =	smul.u32 $0x50000, s9;
	p0 =	sne.s32 s8, $0x0;
	s8 =	simm.s32 $0x1  }
0xb: {  	s6 =	sadd.s32 s6, s4;
	s10 =	sshrl.u32 s29, $0x1;
	s7 =	sshrl.u32 s28, $0x3  }
.Ltmp0:
0xc: {  	s11 =	sshrl.u32 s30, $0x2;
	s10 =	ssub.s32 s29, s10;
	(pc) =	sbr.rel .LBB2_1-.Ltmp0, $4  }
0xd: {  	s3 =	sadd.s32 s3, s7;
	s9 =	sshrl.u32 s9, $0x2;
	s7 =	sand.u32 $0x380, s31  }
0xe: {  	s6 =	sadd.s32 $0x2200, s6;
	s3 =	sadd.s32 $0x9C40, s3;
	s9 =	sadd.s32 s9, s5  }
0xf: {  	s5 =	sadd.s32 s11, s5;
	s11 =	simm.s32 $0x400;
	s4 =	sadd.s32 s7, s9  }
0x10: {  	v0 =	vimm.f32 $0.0e+00;
	v1 =	vimm.f32 $1.000000000e+00;
	s7 =	smax.u32 s10, $0x1;
	s9 =	simm.s32 $0x4E80;
	s10 =	simm.s32 $0x80  }
.LBB2_11:
0x11: {  	[bflag:$0x0] =	sbarrier.arrive $0xFFFF  }
.LBB2_12:
0x12: {  	s14 =	sadd.s32 $0x1, s14  }
0x13: {  	p1 =	sne.s32 s14, s7  }
.Ltmp1:
0x14: {  	_ = 	snop;
	(pc) =	sbr.rel @!p1 .LBB2_13-.Ltmp1, $1  }
0x15: {  	_ =	sdelay $0x3  }
.LBB2_1:
.Ltmp2:
0x16: {  	(pc) =	sbr.rel @p0 .LBB2_11-.Ltmp2, $1  }
0x17: {  	_ =	sdelay $0x3  }
0x18: {  	s15 =	simm.s32 $0x40;
	s16 =	simm.s32 $0x0  }
.LBB2_3:
0x19: {  	p1 =	sne.s32 s15, $0x9FC0;
	[tilespmem:s16+$0x4E80] =	vst v0;
	s16 =	smov.u32 s15;
	s15 =	sadd.s32 $0x40, s15  }
.Ltmp3:
0x1a: {  	(pc) =	sbr.rel @p1 .LBB2_3-.Ltmp3, $2  }
0x1b: {  	_ =	sdelay $0x2  }
0x1c: {  	s16 =	sshra.s32 s16, $0x2  }
0x1d: {  	[tilespmem:s16+$0x4E80] =	vst v0;
	s15 =	simm.s32 $0x0  }
0x1e: {  	[tilespmem:s15], [sflag:$0x1] =	stream.linear.gather [hbm4b:s3+s15], $0x4E20, $0x38;
	[tilespmem:$0xA380] =	vst v63  }
0x1f: {  	_ =	swait.ge [sflag:s8], $0x4E20  }
0x20: {  	[sflag:s8] =	ssyncset.done $0x0  }
0x21: {  	s16 =	simm.s32 $0x0;
	s15 =	simm.s32 $0x40;
	[sflag:s8] =	ssyncadd.s32 $0xFFFFB1E0  }
.LBB2_5:
0x22: {  	p1 =	sne.s32 s15, $0x13840;
	v2 =	vld [tilespmem:s16+$0x0];
	_ =	sdelay $0x3  }
.Ltmp4:
0x23: {  	(pc) =	sbr.rel @p1 .LBB2_5-.Ltmp4, $2  }
0x24: {  	_ =	sdelay $0x2  }
0x25: {  	s16 =	sshra.s32 s15, $0x2;
	s15 =	sadd.s32 $0x40, s15;
	[tilespmem:v2+s9+$0x0] =	vst.idx.add.f32.msk $0xffff, v1  }
0x26: {  	v2 =	vld [tilespmem:s16+$0x0];
	_ =	sdelay $0x7  }
0x27: {  	[tilespmem:v2+s9+$0x0] =	vst.idx.add.f32.msk $0xffff, v1  }
0x28: {  	[spmem:s4] =	stream.strided.scatter [tilespmem:s9], [sflag:$0x1], $0x2800, s11, s10, $0x38;
	[tilespmem:$0xA380] =	vst v63  }
0x29: {  	_ =	swait.ge [sflag:s8], $0x2800  }
0x2a: {  	[sflag:s8] =	ssyncset.done $0x0  }
0x2b: {  	[sflag:s8] =	ssyncadd.s32 $0xFFFFD800  }
0x2c: {  	[bflag:$0x0] =	sbarrier.arrive $0xFFFF  }
0x2d: {  	[tilespmem:$0x7900] =	vst v1  }
0x2e: {  	[tilespmem:$0x7910] =	vst v1  }
0x2f: {  	[tilespmem:$0x7920] =	vst v1  }
0x30: {  	[tilespmem:$0x7930] =	vst v1  }
0x31: {  	[tilespmem:$0x7940] =	vst v1  }
0x32: {  	[tilespmem:$0x7950] =	vst v1  }
0x33: {  	[tilespmem:$0x7960] =	vst v1  }
0x34: {  	[tilespmem:$0x7970] =	vst v1  }
0x35: {  	[tilespmem:$0x7980] =	vst v1  }
0x36: {  	[tilespmem:$0x7990] =	vst v1  }
0x37: {  	[tilespmem:$0x79A0] =	vst v1  }
0x38: {  	[tilespmem:$0x79B0] =	vst v1  }
0x39: {  	[tilespmem:$0x79C0] =	vst v1  }
0x3a: {  	[tilespmem:$0x79D0] =	vst v1  }
0x3b: {  	[tilespmem:$0x79E0] =	vst v1  }
0x3c: {  	[tilespmem:$0x79F0] =	vst v1  }
0x3d: {  	[tilespmem:$0x7A00] =	vst v1  }
0x3e: {  	[tilespmem:$0x7A10] =	vst v1  }
0x3f: {  	[tilespmem:$0x7A20] =	vst v1  }
0x40: {  	[tilespmem:$0x7A30] =	vst v1  }
0x41: {  	[tilespmem:$0x7A40] =	vst v1  }
0x42: {  	[tilespmem:$0x7A50] =	vst v1  }
0x43: {  	[tilespmem:$0x7A60] =	vst v1  }
0x44: {  	[tilespmem:$0x7A70] =	vst v1  }
0x45: {  	[tilespmem:$0x7A80] =	vst v1  }
0x46: {  	[tilespmem:$0x7A90] =	vst v1  }
0x47: {  	[tilespmem:$0x7AA0] =	vst v1  }
0x48: {  	[tilespmem:$0x7AB0] =	vst v1  }
0x49: {  	[tilespmem:$0x7AC0] =	vst v1  }
0x4a: {  	[tilespmem:$0x7AD0] =	vst v1  }
0x4b: {  	[tilespmem:$0x7AE0] =	vst v1  }
0x4c: {  	[tilespmem:$0x7AF0] =	vst v1  }
0x4d: {  	[tilespmem:$0x7B00] =	vst v1  }
0x4e: {  	[tilespmem:$0x7B10] =	vst v1  }
0x4f: {  	[tilespmem:$0x7B20] =	vst v1  }
0x50: {  	[tilespmem:$0x7B30] =	vst v1  }
0x51: {  	[tilespmem:$0x7B40] =	vst v1  }
0x52: {  	[tilespmem:$0x7B50] =	vst v1  }
0x53: {  	[tilespmem:$0x7B60] =	vst v1  }
0x54: {  	s15 =	simm.s32 $0x0;
	[tilespmem:$0x7B70] =	vst v1  }
.LBB2_7:
0x55: {  	s16 =	sshrl.u32 s15, $0x3  }
0x56: {  	s16 =	smul.u32 $0x50000, s16;
	_ =	sdelay $0x1  }
0x57: {  	s17 =	sshll.u32 s15, $0x7;
	s16 =	sshra.s32 s16, $0x2  }
0x58: {  	s17 =	sand.u32 $0x380, s17;
	s16 =	sadd.s32 s16, s5  }
0x59: {  	s16 =	sadd.s32 s17, s16  }
0x5a: {  	[tilespmem:s12], [sflag:$0x1] =	stream.strided.gather [spmem:s16], $0x280, s11, s10, $0x38;
	[tilespmem:$0xA380] =	vst v63  }
0x5b: {  	_ =	swait.ge [sflag:s8], $0x280  }
0x5c: {  	[sflag:s8] =	ssyncset.done $0x0  }
0x5d: {  	s16 =	simm.s32 $0x0;
	[sflag:s8] =	ssyncadd.s32 $0xFFFFFD80  }
0x5e: {  	s17 =	simm.s32 $0x40;
	v2 =	vld [tilespmem:s16+$0x7680]  }
.LBB2_8:
0x5f: {  	p1 =	sne.s32 s17, $0x9C0;
	v3 =	vld [tilespmem:s16+$0x7900];
	_ =	sdelay $0x2  }
.Ltmp5:
0x60: {  	(pc) =	sbr.rel @p1 .LBB2_8-.Ltmp5, $4  }
0x61: {  	_ = 	snop  }
0x62: {  	v3 =	vadd.f32 v2, v3  }
0x63: {  	s18 =	sshra.s32 s17, $0x2  }
0x64: {  	s17 =	sadd.s32 $0x40, s17;
	v2 =	vld [tilespmem:s18+$0x7680];
	[tilespmem:s16+$0x7900] =	vst v3;
	s16 =	smov.u32 s18  }
0x65: {  	v3 =	vld [tilespmem:s16+$0x7900]  }
0x66: {  	s15 =	sadd.s32 $0x1, s15  }
0x67: {  	p1 =	sne.s32 s15, $0x10  }
.Ltmp6:
0x68: {  	_ = 	snop;
	(pc) =	sbr.rel @p1 .LBB2_7-.Ltmp6, $3  }
0x69: {  	_ = 	snop  }
0x6a: {  	v2 =	vadd.f32 v2, v3;
	_ =	sdelay $0x1  }
0x6b: {  	[tilespmem:s16+$0x7900] =	vst v2  }
.Ltmp7:
0x6c: {  	(pc) =	sbr.rel .LBB2_12-.Ltmp7, $4  }
0x6d: {  	[hbm4b:s6+s2] =	stream.linear.scatter [tilespmem:s13], [sflag:$0x1], $0x280, $0x38;
	[tilespmem:$0xA380] =	vst v63  }
0x6e: {  	_ =	swait.ge [sflag:s8], $0x280  }
0x6f: {  	[sflag:s8] =	ssyncset.done $0x0  }
0x70: {  	[sflag:s8] =	ssyncadd.s32 $0xFFFFFD80  }
.LBB2_13:
0x71: {  	_ =	sfence.sel $0x180000  }
0x72: {  	[bflag:$0x0] =	sbarrier.arrive $0xFFFF  }
0x73: {  	p0 =	sne.s32 s1, $0x0;
	_ =	strace $0x90000047  }
0x74: {  	s0 =	sadd.s32 @!p0 $0x100000, s0;
	[bflag:$0x2] =	sbarrier.arrive $0xFFFF  }
0x75: {  	[sflag:s0] =	ssyncadd.tile.s32 @!p0 $0x1;
	_ =	shalt  }
.Lfunc_end2:
_tile_overlayer_lowered:
.L_overlay_start_2:
0x76: {  	(tag) =	ssettag $0x2  }
0x77: {  	s0 =	rddreg [dreg:$0x0];
	s2 =	stileid.u32  }
0x78: {  	s1 =	rddreg [dreg:$0x1];
	p0 =	sne.s32 s2, $0x0  }
0x79: {  	s3 =	rddreg [dreg:$0x2];
	[bflag:$0x3] =	sbarrier.arrive $0xFFFF;
	s2 =	simm.s32 @!p0 $0x1C01  }
0x7a: {  	[timem:s3], [sflag:s2] =	dma.local @!p0 [hbm:s0], s1  }
0x7b: {  	s0 =	simm.s32 @!p0 $0x1  }
0x7c: {  	_ =	swait.ge @!p0 [sflag:s0], s1  }
0x7d: {  	s1 =	ssub.s32 @!p0 $0x0, s1;
	[sflag:s0] =	ssyncset.done @!p0 $0x0  }
0x7e: {  	[sflag:s0] =	ssyncadd.s32 @!p0 s1  }
0x7f: {  	[bflag:$0x3] =	sbarrier.arrive $0xFFFF  }
0x80: {  	_ =	shalt  }

</sc_bundles>
